<compile_context>
chip_gen: v7x
topology: tpu7x:2x2x1
jax: 0.10.2.dev20260603
libtpu: 0.0.44.dev20260713+nightly
codegen_flags: <defaults>
</compile_context>

<pallas_src>
import functools

import jax
import jax.numpy as jnp
from jax import lax
from jax.experimental import pallas as pl
from jax.experimental.pallas import tpu as pltpu
from jax.experimental.pallas import tpu_sc as plsc

VOCAB = 1000000
EMBED_DIM = 64
BATCH = 16384
HIST = 50

_NC = 2
_NS = 16
_NW = _NC * _NS
_BPW = BATCH // _NW
_CHUNK = 128
_NCB = _BPW // _CHUNK
_PADD = 128
_L = 16


def _make_gather():
    mesh = plsc.VectorSubcoreMesh(core_axis_name="c", subcore_axis_name="s")

    @functools.partial(
        pl.kernel,
        mesh=mesh,
        compiler_params=pltpu.CompilerParams(needs_layout_passes=False),
        out_type=jax.ShapeDtypeStruct((HIST, EMBED_DIM, BATCH), jnp.float32),
        scratch_types=(
            [pltpu.VMEM((HIST, _NCB, _CHUNK), jnp.int32)]
            + [pltpu.VMEM((_CHUNK, _PADD), jnp.float32) for _ in range(_NCB)]
            + [pltpu.VMEM((EMBED_DIM, _CHUNK), jnp.float32) for _ in range(_NCB)]
            + [pltpu.SemaphoreType.DMA for _ in range(2 * _NCB)]
        ),
    )
    def gather_kernel(idx_hbm, table_hbm, out_hbm, idx_v, *bufs_and_sems):
        rows = bufs_and_sems[:_NCB]
        tbuf = bufs_and_sems[_NCB:2 * _NCB]
        gsem = bufs_and_sems[2 * _NCB:3 * _NCB]
        osem = bufs_and_sems[3 * _NCB:]
        wid = lax.axis_index("s") * _NC + lax.axis_index("c")
        pltpu.sync_copy(idx_hbm.at[wid], idx_v)
        base = wid * _BPW
        lanes = lax.iota(jnp.int32, _L)
        rvecs = [lanes + r0 for r0 in range(0, _CHUNK, _L)]

        def gather_chunk(h, b):
            pltpu.async_copy(table_hbm.at[idx_v.at[h, b]], rows[b], gsem[b])

        for b in range(_NCB):
            gather_chunk(0, b)

        def per_hist(h, carry):
            for b in range(_NCB):
                pltpu.make_async_copy(
                    table_hbm.at[pl.ds(0, _CHUNK)], rows[b], gsem[b]
                ).wait()

                @pl.when(h > 0)
                def _():
                    pltpu.make_async_copy(
                        tbuf[b],
                        out_hbm.at[0, pl.ds(0, EMBED_DIM), pl.ds(0, _CHUNK)],
                        osem[b],
                    ).wait()

                @plsc.parallel_loop(0, EMBED_DIM, unroll=8)
                def transpose_col(c):
                    cvec = jnp.full((_L,), 0, jnp.int32) + c
                    for r0i in range(_CHUNK // _L):
                        vec = plsc.load_gather(rows[b], [rvecs[r0i], cvec])
                        tbuf[b][c, pl.ds(r0i * _L, _L)] = vec

                @pl.when(h + 1 < HIST)
                def _():
                    gather_chunk(h + 1, b)

                pltpu.async_copy(
                    tbuf[b],
                    out_hbm.at[h, pl.ds(0, EMBED_DIM), pl.ds(base + b * _CHUNK, _CHUNK)],
                    osem[b],
                )

            return carry

        lax.fori_loop(0, HIST, per_hist, 0, unroll=False)

        for b in range(_NCB):
            pltpu.make_async_copy(
                tbuf[b], out_hbm.at[0, pl.ds(0, EMBED_DIM), pl.ds(0, _CHUNK)], osem[b]
            ).wait()

    return gather_kernel


_gather = _make_gather()


def kernel(nodes_batch, features):
    idx = (
        nodes_batch.astype(jnp.int32)
        .T.reshape(HIST, _NW, _NCB * _CHUNK)
        .transpose(1, 0, 2)
        .reshape(_NW, HIST, _NCB, _CHUNK)
    )
    table = jnp.pad(features, ((0, 0), (0, _PADD - EMBED_DIM)))
    out = _gather(idx, table)
    return out.transpose(2, 0, 1)

# --- scband reference (transcript-rebuilt; emitter-appended) ---
"""Pipeline reference for scband-no-gnn-5205500362787 (READ-ONLY COPY).

The authoritative reference and input builder live on the scoring server;
editing this copy changes nothing except your own understanding.
"""

import jax, jax.numpy as jnp
import numpy as np

VOCAB = 1000000
EMBED_DIM = 64
BATCH = 16384
HIST = 50

def setup_inputs(seed: int = 0) -> dict:
    key = jax.random.key(seed)
    k1, k2 = jax.random.split(key)
    features = jax.random.normal(k1, (VOCAB, EMBED_DIM), dtype=jnp.float32)
    nodes_batch = jax.random.randint(k2, (BATCH, HIST), 0, VOCAB, dtype=jnp.int64 if jax.config.read('jax_enable_x64') else jnp.int32)
    return {"nodes_batch": nodes_batch, "features": features}

def reference(nodes_batch, features):
    # NoGNN.forward: return self.features[nodes_batch]
    return jnp.take(features, nodes_batch, axis=0)

if __name__ == "__main__":
    import jax
    _d = setup_inputs()
    print(jax.jit(kernel)(*tuple(_d.values())))

</pallas_src>

<mosaic_0001>
#map = affine_map<(d0, d1) -> (0, 0, 0, 0)>
#map1 = affine_map<(d0, d1) -> (0, 0)>
#map2 = affine_map<(d0, d1) -> (0, 0, 0)>
module attributes {stable_mosaic.version = 14 : i64} {
  func.func @gather_kernel(%arg0: i32, %arg1: i32, %arg2: memref<32x50x4x128xi32, #tpu.memory_space<hbm>>, %arg3: memref<1000000x128xf32, #tpu.memory_space<hbm>>, %arg4: memref<50x64x16384xf32, #tpu.memory_space<hbm>>, %arg5: memref<50x4x128xi32, #tpu.memory_space<vmem>>, %arg6: memref<128x128xf32, #tpu.memory_space<vmem>>, %arg7: memref<128x128xf32, #tpu.memory_space<vmem>>, %arg8: memref<128x128xf32, #tpu.memory_space<vmem>>, %arg9: memref<128x128xf32, #tpu.memory_space<vmem>>, %arg10: memref<64x128xf32, #tpu.memory_space<vmem>>, %arg11: memref<64x128xf32, #tpu.memory_space<vmem>>, %arg12: memref<64x128xf32, #tpu.memory_space<vmem>>, %arg13: memref<64x128xf32, #tpu.memory_space<vmem>>, %arg14: memref<!tpu.dma_semaphore, #tpu.memory_space<semaphore_mem>>, %arg15: memref<!tpu.dma_semaphore, #tpu.memory_space<semaphore_mem>>, %arg16: memref<!tpu.dma_semaphore, #tpu.memory_space<semaphore_mem>>, %arg17: memref<!tpu.dma_semaphore, #tpu.memory_space<semaphore_mem>>, %arg18: memref<!tpu.dma_semaphore, #tpu.memory_space<semaphore_mem>>, %arg19: memref<!tpu.dma_semaphore, #tpu.memory_space<semaphore_mem>>, %arg20: memref<!tpu.dma_semaphore, #tpu.memory_space<semaphore_mem>>, %arg21: memref<!tpu.dma_semaphore, #tpu.memory_space<semaphore_mem>>) attributes {dimension_semantics = [#tpu.dimension_semantics<core_parallel>, #tpu.dimension_semantics<subcore_parallel>], iteration_bounds = array<i64: 2, 16>, scalar_prefetch = 0 : i64, scratch_operands = 17 : i64, tpu.core_type = #tpu.core_type<sc_vector_subcore>, window_params = [{transform_indices = #map}, {transform_indices = #map1}, {transform_indices = #map2}]} {
    %mul3A = arith.constant 2 : i32
    %mul3A_0 = arith.muli %arg1, %mul3A : i32
    %add3A = arith.addi %mul3A_0, %arg0 : i32
    "tpu.region"() ({
      %run_scoped3A = tpu.sem_alloc : memref<!tpu.dma_semaphore, #tpu.memory_space<semaphore_mem>>
      %dma_start3A_98 = arith.constant 0 : i32
      %dma_start3A_99 = arith.constant 0 : i32
      %dma_start3A_100 = arith.constant 0 : i32
      %dma_start3A_101 = tpu.memref_slice %arg2[%add3A, %dma_start3A_98, %dma_start3A_99, %dma_start3A_100] : memref<32x50x4x128xi32, #tpu.memory_space<hbm>> -> memref<1x50x4x128xi32, #tpu.memory_space<hbm>>
      %dma_start3A_102 = tpu.memref_squeeze %dma_start3A_101 : memref<1x50x4x128xi32, #tpu.memory_space<hbm>> -> memref<50x4x128xi32, #tpu.memory_space<hbm>>
      %dma_start3A_103 = arith.constant 0 : i32
      %dma_start3A_104 = arith.constant 0 : i32
      %dma_start3A_105 = arith.constant 0 : i32
      %dma_start3A_106 = tpu.memref_slice %arg2[%add3A, %dma_start3A_103, %dma_start3A_104, %dma_start3A_105] : memref<32x50x4x128xi32, #tpu.memory_space<hbm>> -> memref<1x50x4x128xi32, #tpu.memory_space<hbm>>
      %dma_start3A_107 = tpu.memref_squeeze %dma_start3A_106 : memref<1x50x4x128xi32, #tpu.memory_space<hbm>> -> memref<50x4x128xi32, #tpu.memory_space<hbm>>
      tpu.enqueue_dma source(%dma_start3A_107 : memref<50x4x128xi32, #tpu.memory_space<hbm>>) target(%arg5 : memref<50x4x128xi32, #tpu.memory_space<vmem>>) target_semaphore(%run_scoped3A : memref<!tpu.dma_semaphore, #tpu.memory_space<semaphore_mem>>)
      %dma_wait3A_108 = arith.constant 0 : i32
      %dma_wait3A_109 = arith.constant 0 : i32
      %dma_wait3A_110 = arith.constant 0 : i32
      %dma_wait3A_111 = tpu.memref_slice %arg2[%add3A, %dma_wait3A_108, %dma_wait3A_109, %dma_wait3A_110] : memref<32x50x4x128xi32, #tpu.memory_space<hbm>> -> memref<1x50x4x128xi32, #tpu.memory_space<hbm>>
      %dma_wait3A_112 = tpu.memref_squeeze %dma_wait3A_111 : memref<1x50x4x128xi32, #tpu.memory_space<hbm>> -> memref<50x4x128xi32, #tpu.memory_space<hbm>>
      %dma_wait3A_113 = arith.constant 0 : i32
      %dma_wait3A_114 = arith.constant 0 : i32
      %dma_wait3A_115 = arith.constant 0 : i32
      %dma_wait3A_116 = tpu.memref_slice %arg2[%add3A, %dma_wait3A_113, %dma_wait3A_114, %dma_wait3A_115] : memref<32x50x4x128xi32, #tpu.memory_space<hbm>> -> memref<1x50x4x128xi32, #tpu.memory_space<hbm>>
      %dma_wait3A_117 = tpu.memref_squeeze %dma_wait3A_116 : memref<1x50x4x128xi32, #tpu.memory_space<hbm>> -> memref<50x4x128xi32, #tpu.memory_space<hbm>>
      tpu.wait_dma2 semaphore(%run_scoped3A : memref<!tpu.dma_semaphore, #tpu.memory_space<semaphore_mem>>) src(%dma_wait3A_117 : memref<50x4x128xi32, #tpu.memory_space<hbm>>) dst(%arg5 : memref<50x4x128xi32, #tpu.memory_space<vmem>>)
      tpu.yield
    }) : () -> ()
    %mul3A_1 = arith.constant 512 : i32
    %mul3A_2 = arith.muli %add3A, %mul3A_1 : i32
    %iota3A = tpu.iota {dimensions = array<i32: 0>} : vector<16xi32>
    %add3A_3 = arith.constant 0 : i32
    %add3A_4 = vector.broadcast %add3A_3 : i32 to vector<16xi32>
    %add3A_5 = arith.addi %iota3A, %add3A_4 : vector<16xi32>
    %add3A_6 = arith.constant 16 : i32
    %add3A_7 = vector.broadcast %add3A_6 : i32 to vector<16xi32>
    %add3A_8 = arith.addi %iota3A, %add3A_7 : vector<16xi32>
    %add3A_9 = arith.constant 32 : i32
    %add3A_10 = vector.broadcast %add3A_9 : i32 to vector<16xi32>
    %add3A_11 = arith.addi %iota3A, %add3A_10 : vector<16xi32>
    %add3A_12 = arith.constant 48 : i32
    %add3A_13 = vector.broadcast %add3A_12 : i32 to vector<16xi32>
    %add3A_14 = arith.addi %iota3A, %add3A_13 : vector<16xi32>
    %add3A_15 = arith.constant 64 : i32
    %add3A_16 = vector.broadcast %add3A_15 : i32 to vector<16xi32>
    %add3A_17 = arith.addi %iota3A, %add3A_16 : vector<16xi32>
    %add3A_18 = arith.constant 80 : i32
    %add3A_19 = vector.broadcast %add3A_18 : i32 to vector<16xi32>
    %add3A_20 = arith.addi %iota3A, %add3A_19 : vector<16xi32>
    %add3A_21 = arith.constant 96 : i32
    %add3A_22 = vector.broadcast %add3A_21 : i32 to vector<16xi32>
    %add3A_23 = arith.addi %iota3A, %add3A_22 : vector<16xi32>
    %add3A_24 = arith.constant 112 : i32
    %add3A_25 = vector.broadcast %add3A_24 : i32 to vector<16xi32>
    %add3A_26 = arith.addi %iota3A, %add3A_25 : vector<16xi32>
    %dma_start3A = arith.constant 0 : i32
    %dma_start3A_27 = arith.constant 0 : i32
    %dma_start3A_28 = arith.constant 0 : i32
    %dma_start3A_29 = tpu.memref_slice %arg5[%dma_start3A, %dma_start3A_27, %dma_start3A_28] : memref<50x4x128xi32, #tpu.memory_space<vmem>> -> memref<1x1x128xi32, #tpu.memory_space<vmem>>
    %dma_start3A_30 = tpu.memref_squeeze %dma_start3A_29 : memref<1x1x128xi32, #tpu.memory_space<vmem>> -> memref<128xi32, #tpu.memory_space<vmem>>
    %dma_start3A_31 = arith.constant 0 : i32
    %dma_start3A_32 = arith.constant 0 : i32
    %dma_start3A_33 = tpu.memref_slice %arg3[%dma_start3A_31, %dma_start3A_32] : memref<1000000x128xf32, #tpu.memory_space<hbm>> -> memref<1000000x128xf32, #tpu.memory_space<hbm>>
    tpu.enqueue_indirect_dma source(%dma_start3A_33 : memref<1000000x128xf32, #tpu.memory_space<hbm>>) target(%arg6 : memref<128x128xf32, #tpu.memory_space<vmem>>) offsets(%dma_start3A_30 : memref<128xi32, #tpu.memory_space<vmem>>) semaphore(%arg14 : memref<!tpu.dma_semaphore, #tpu.memory_space<semaphore_mem>>)
    %dma_start3A_34 = arith.constant 0 : i32
    %dma_start3A_35 = arith.constant 1 : i32
    %dma_start3A_36 = arith.constant 0 : i32
    %dma_start3A_37 = tpu.memref_slice %arg5[%dma_start3A_34, %dma_start3A_35, %dma_start3A_36] : memref<50x4x128xi32, #tpu.memory_space<vmem>> -> memref<1x1x128xi32, #tpu.memory_space<vmem>>
    %dma_start3A_38 = tpu.memref_squeeze %dma_start3A_37 : memref<1x1x128xi32, #tpu.memory_space<vmem>> -> memref<128xi32, #tpu.memory_space<vmem>>
    %dma_start3A_39 = arith.constant 0 : i32
    %dma_start3A_40 = arith.constant 0 : i32
    %dma_start3A_41 = tpu.memref_slice %arg3[%dma_start3A_39, %dma_start3A_40] : memref<1000000x128xf32, #tpu.memory_space<hbm>> -> memref<1000000x128xf32, #tpu.memory_space<hbm>>
    tpu.enqueue_indirect_dma source(%dma_start3A_41 : memref<1000000x128xf32, #tpu.memory_space<hbm>>) target(%arg7 : memref<128x128xf32, #tpu.memory_space<vmem>>) offsets(%dma_start3A_38 : memref<128xi32, #tpu.memory_space<vmem>>) semaphore(%arg15 : memref<!tpu.dma_semaphore, #tpu.memory_space<semaphore_mem>>)
    %dma_start3A_42 = arith.constant 0 : i32
    %dma_start3A_43 = arith.constant 2 : i32
    %dma_start3A_44 = arith.constant 0 : i32
    %dma_start3A_45 = tpu.memref_slice %arg5[%dma_start3A_42, %dma_start3A_43, %dma_start3A_44] : memref<50x4x128xi32, #tpu.memory_space<vmem>> -> memref<1x1x128xi32, #tpu.memory_space<vmem>>
    %dma_start3A_46 = tpu.memref_squeeze %dma_start3A_45 : memref<1x1x128xi32, #tpu.memory_space<vmem>> -> memref<128xi32, #tpu.memory_space<vmem>>
    %dma_start3A_47 = arith.constant 0 : i32
    %dma_start3A_48 = arith.constant 0 : i32
    %dma_start3A_49 = tpu.memref_slice %arg3[%dma_start3A_47, %dma_start3A_48] : memref<1000000x128xf32, #tpu.memory_space<hbm>> -> memref<1000000x128xf32, #tpu.memory_space<hbm>>
    tpu.enqueue_indirect_dma source(%dma_start3A_49 : memref<1000000x128xf32, #tpu.memory_space<hbm>>) target(%arg8 : memref<128x128xf32, #tpu.memory_space<vmem>>) offsets(%dma_start3A_46 : memref<128xi32, #tpu.memory_space<vmem>>) semaphore(%arg16 : memref<!tpu.dma_semaphore, #tpu.memory_space<semaphore_mem>>)
    %dma_start3A_50 = arith.constant 0 : i32
    %dma_start3A_51 = arith.constant 3 : i32
    %dma_start3A_52 = arith.constant 0 : i32
    %dma_start3A_53 = tpu.memref_slice %arg5[%dma_start3A_50, %dma_start3A_51, %dma_start3A_52] : memref<50x4x128xi32, #tpu.memory_space<vmem>> -> memref<1x1x128xi32, #tpu.memory_space<vmem>>
    %dma_start3A_54 = tpu.memref_squeeze %dma_start3A_53 : memref<1x1x128xi32, #tpu.memory_space<vmem>> -> memref<128xi32, #tpu.memory_space<vmem>>
    %dma_start3A_55 = arith.constant 0 : i32
    %dma_start3A_56 = arith.constant 0 : i32
    %dma_start3A_57 = tpu.memref_slice %arg3[%dma_start3A_55, %dma_start3A_56] : memref<1000000x128xf32, #tpu.memory_space<hbm>> -> memref<1000000x128xf32, #tpu.memory_space<hbm>>
    tpu.enqueue_indirect_dma source(%dma_start3A_57 : memref<1000000x128xf32, #tpu.memory_space<hbm>>) target(%arg9 : memref<128x128xf32, #tpu.memory_space<vmem>>) offsets(%dma_start3A_54 : memref<128xi32, #tpu.memory_space<vmem>>) semaphore(%arg17 : memref<!tpu.dma_semaphore, #tpu.memory_space<semaphore_mem>>)
    %scan3A = arith.constant 0 : i32
    %scan3A_58 = arith.constant 0 : i32
    %scan3A_59 = arith.constant 50 : i32
    %scan3A_60 = arith.addi %scan3A_58, %scan3A_59 : i32
    %scan3A_61 = arith.constant 1 : i32
    scf.for %scan3A_98 = %scan3A_58 to %scan3A_60 step %scan3A_61  : i32 {
      %dma_wait3A_99 = arith.constant 0 : i32
      %dma_wait3A_100 = arith.constant 0 : i32
      %dma_wait3A_101 = tpu.memref_slice %arg3[%dma_wait3A_99, %dma_wait3A_100] : memref<1000000x128xf32, #tpu.memory_space<hbm>> -> memref<128x128xf32, #tpu.memory_space<hbm>>
      %dma_wait3A_102 = arith.constant 0 : i32
      %dma_wait3A_103 = arith.constant 0 : i32
      %dma_wait3A_104 = tpu.memref_slice %arg3[%dma_wait3A_102, %dma_wait3A_103] : memref<1000000x128xf32, #tpu.memory_space<hbm>> -> memref<128x128xf32, #tpu.memory_space<hbm>>
      tpu.wait_dma2 semaphore(%arg14 : memref<!tpu.dma_semaphore, #tpu.memory_space<semaphore_mem>>) src(%dma_wait3A_104 : memref<128x128xf32, #tpu.memory_space<hbm>>) dst(%arg6 : memref<128x128xf32, #tpu.memory_space<vmem>>)
      %gt3A = arith.constant 0 : i32
      %gt3A_105 = arith.cmpi sgt, %scan3A_98, %gt3A : i32
      %convert_element_type3A = arith.extui %gt3A_105 : i1 to i32
      %cond3A = arith.constant 0 : i32
      %cond3A_106 = arith.cmpi ne, %convert_element_type3A, %cond3A : i32
      scf.if %cond3A_106 {
        %dma_wait3A_210 = arith.constant 0 : i32
        %dma_wait3A_211 = arith.constant 0 : i32
        %dma_wait3A_212 = arith.constant 0 : i32
        %dma_wait3A_213 = tpu.memref_slice %arg4[%dma_wait3A_210, %dma_wait3A_211, %dma_wait3A_212] : memref<50x64x16384xf32, #tpu.memory_space<hbm>> -> memref<1x64x128xf32, #tpu.memory_space<hbm>>
        %dma_wait3A_214 = tpu.memref_squeeze %dma_wait3A_213 : memref<1x64x128xf32, #tpu.memory_space<hbm>> -> memref<64x128xf32, #tpu.memory_space<hbm>>
        %dma_wait3A_215 = arith.constant 0 : i32
        %dma_wait3A_216 = arith.constant 0 : i32
        %dma_wait3A_217 = tpu.memref_slice %arg4[%dma_wait3A_210, %dma_wait3A_215, %dma_wait3A_216] : memref<50x64x16384xf32, #tpu.memory_space<hbm>> -> memref<1x64x128xf32, #tpu.memory_space<hbm>>
        %dma_wait3A_218 = tpu.memref_squeeze %dma_wait3A_217 : memref<1x64x128xf32, #tpu.memory_space<hbm>> -> memref<64x128xf32, #tpu.memory_space<hbm>>
        tpu.wait_dma2 semaphore(%arg18 : memref<!tpu.dma_semaphore, #tpu.memory_space<semaphore_mem>>) src(%arg10 : memref<64x128xf32, #tpu.memory_space<vmem>>) dst(%dma_wait3A_218 : memref<64x128xf32, #tpu.memory_space<hbm>>)
      } else {
      }
      %parallel_loop3A = arith.constant 0 : i32
      %parallel_loop3A_107 = arith.constant 64 : i32
      %parallel_loop3A_108 = arith.constant 1 : i32
      scf.for %parallel_loop3A_210 = %parallel_loop3A to %parallel_loop3A_107 step %parallel_loop3A_108  : i32 {
        %parallel_loop3A_211 = arith.constant 0 : i32
        %parallel_loop3A_212 = vector.broadcast %parallel_loop3A_211 : i32 to vector<16xi32>
        %parallel_loop3A_213 = vector.broadcast %parallel_loop3A_210 : i32 to vector<16xi32>
        %parallel_loop3A_214 = arith.addi %parallel_loop3A_212, %parallel_loop3A_213 : vector<16xi32>
        %parallel_loop3A_215 = tpu.vector_load_idx %arg6[%add3A_5, %parallel_loop3A_214] : memref<128x128xf32, #tpu.memory_space<vmem>>[vector<16xi32>, vector<16xi32>], vector<16xf32>,
        %parallel_loop3A_216 = arith.index_cast %parallel_loop3A_210 : i32 to index
        %parallel_loop3A_217 = arith.constant 0 : index
        %parallel_loop3A_218 = tpu.vector_load %arg10[%parallel_loop3A_216, %parallel_loop3A_217] {strides = array<i32>} : memref<64x128xf32, #tpu.memory_space<vmem>>, vector<16xf32>,
        tpu.vector_store %arg10[%parallel_loop3A_216, %parallel_loop3A_217], %parallel_loop3A_215 {strides = array<i32>} : memref<64x128xf32, #tpu.memory_space<vmem>>, vector<16xf32>,
        %parallel_loop3A_219 = tpu.vector_load_idx %arg6[%add3A_8, %parallel_loop3A_214] : memref<128x128xf32, #tpu.memory_space<vmem>>[vector<16xi32>, vector<16xi32>], vector<16xf32>,
        %parallel_loop3A_220 = arith.index_cast %parallel_loop3A_210 : i32 to index
        %parallel_loop3A_221 = arith.constant 16 : index
        %parallel_loop3A_222 = tpu.vector_load %arg10[%parallel_loop3A_220, %parallel_loop3A_221] {strides = array<i32>} : memref<64x128xf32, #tpu.memory_space<vmem>>, vector<16xf32>,
        tpu.vector_store %arg10[%parallel_loop3A_220, %parallel_loop3A_221], %parallel_loop3A_219 {strides = array<i32>} : memref<64x128xf32, #tpu.memory_space<vmem>>, vector<16xf32>,
        %parallel_loop3A_223 = tpu.vector_load_idx %arg6[%add3A_11, %parallel_loop3A_214] : memref<128x128xf32, #tpu.memory_space<vmem>>[vector<16xi32>, vector<16xi32>], vector<16xf32>,
        %parallel_loop3A_224 = arith.index_cast %parallel_loop3A_210 : i32 to index
        %parallel_loop3A_225 = arith.constant 32 : index
        %parallel_loop3A_226 = tpu.vector_load %arg10[%parallel_loop3A_224, %parallel_loop3A_225] {strides = array<i32>} : memref<64x128xf32, #tpu.memory_space<vmem>>, vector<16xf32>,
        tpu.vector_store %arg10[%parallel_loop3A_224, %parallel_loop3A_225], %parallel_loop3A_223 {strides = array<i32>} : memref<64x128xf32, #tpu.memory_space<vmem>>, vector<16xf32>,
        %parallel_loop3A_227 = tpu.vector_load_idx %arg6[%add3A_14, %parallel_loop3A_214] : memref<128x128xf32, #tpu.memory_space<vmem>>[vector<16xi32>, vector<16xi32>], vector<16xf32>,
        %parallel_loop3A_228 = arith.index_cast %parallel_loop3A_210 : i32 to index
        %parallel_loop3A_229 = arith.constant 48 : index
        %parallel_loop3A_230 = tpu.vector_load %arg10[%parallel_loop3A_228, %parallel_loop3A_229] {strides = array<i32>} : memref<64x128xf32, #tpu.memory_space<vmem>>, vector<16xf32>,
        tpu.vector_store %arg10[%parallel_loop3A_228, %parallel_loop3A_229], %parallel_loop3A_227 {strides = array<i32>} : memref<64x128xf32, #tpu.memory_space<vmem>>, vector<16xf32>,
        %parallel_loop3A_231 = tpu.vector_load_idx %arg6[%add3A_17, %parallel_loop3A_214] : memref<128x128xf32, #tpu.memory_space<vmem>>[vector<16xi32>, vector<16xi32>], vector<16xf32>,
        %parallel_loop3A_232 = arith.index_cast %parallel_loop3A_210 : i32 to index
        %parallel_loop3A_233 = arith.constant 64 : index
        %parallel_loop3A_234 = tpu.vector_load %arg10[%parallel_loop3A_232, %parallel_loop3A_233] {strides = array<i32>} : memref<64x128xf32, #tpu.memory_space<vmem>>, vector<16xf32>,
        tpu.vector_store %arg10[%parallel_loop3A_232, %parallel_loop3A_233], %parallel_loop3A_231 {strides = array<i32>} : memref<64x128xf32, #tpu.memory_space<vmem>>, vector<16xf32>,
        %parallel_loop3A_235 = tpu.vector_load_idx %arg6[%add3A_20, %parallel_loop3A_214] : memref<128x128xf32, #tpu.memory_space<vmem>>[vector<16xi32>, vector<16xi32>], vector<16xf32>,
        %parallel_loop3A_236 = arith.index_cast %parallel_loop3A_210 : i32 to index
        %parallel_loop3A_237 = arith.constant 80 : index
        %parallel_loop3A_238 = tpu.vector_load %arg10[%parallel_loop3A_236, %parallel_loop3A_237] {strides = array<i32>} : memref<64x128xf32, #tpu.memory_space<vmem>>, vector<16xf32>,
        tpu.vector_store %arg10[%parallel_loop3A_236, %parallel_loop3A_237], %parallel_loop3A_235 {strides = array<i32>} : memref<64x128xf32, #tpu.memory_space<vmem>>, vector<16xf32>,
        %parallel_loop3A_239 = tpu.vector_load_idx %arg6[%add3A_23, %parallel_loop3A_214] : memref<128x128xf32, #tpu.memory_space<vmem>>[vector<16xi32>, vector<16xi32>], vector<16xf32>,
        %parallel_loop3A_240 = arith.index_cast %parallel_loop3A_210 : i32 to index
        %parallel_loop3A_241 = arith.constant 96 : index
        %parallel_loop3A_242 = tpu.vector_load %arg10[%parallel_loop3A_240, %parallel_loop3A_241] {strides = array<i32>} : memref<64x128xf32, #tpu.memory_space<vmem>>, vector<16xf32>,
        tpu.vector_store %arg10[%parallel_loop3A_240, %parallel_loop3A_241], %parallel_loop3A_239 {strides = array<i32>} : memref<64x128xf32, #tpu.memory_space<vmem>>, vector<16xf32>,
        %parallel_loop3A_243 = tpu.vector_load_idx %arg6[%add3A_26, %parallel_loop3A_214] : memref<128x128xf32, #tpu.memory_space<vmem>>[vector<16xi32>, vector<16xi32>], vector<16xf32>,
        %parallel_loop3A_244 = arith.index_cast %parallel_loop3A_210 : i32 to index
        %parallel_loop3A_245 = arith.constant 112 : index
        %parallel_loop3A_246 = tpu.vector_load %arg10[%parallel_loop3A_244, %parallel_loop3A_245] {strides = array<i32>} : memref<64x128xf32, #tpu.memory_space<vmem>>, vector<16xf32>,
        tpu.vector_store %arg10[%parallel_loop3A_244, %parallel_loop3A_245], %parallel_loop3A_243 {strides = array<i32>} : memref<64x128xf32, #tpu.memory_space<vmem>>, vector<16xf32>,
      } {sc.loop_unroll_factor = 8 : i64, sc.parallel_access}
      %add3A_109 = arith.constant 1 : i32
      %add3A_110 = arith.addi %scan3A_98, %add3A_109 : i32
      %lt3A = arith.constant 50 : i32
      %lt3A_111 = arith.cmpi slt, %add3A_110, %lt3A : i32
      %convert_element_type3A_112 = arith.extui %lt3A_111 : i1 to i32
      %cond3A_113 = arith.constant 0 : i32
      %cond3A_114 = arith.cmpi ne, %convert_element_type3A_112, %cond3A_113 : i32
      scf.if %cond3A_114 {
        %add3A_210 = arith.constant 1 : i32
        %add3A_211 = arith.addi %scan3A_98, %add3A_210 : i32
        %dma_start3A_212 = arith.constant 0 : i32
        %dma_start3A_213 = arith.constant 0 : i32
        %dma_start3A_214 = tpu.memref_slice %arg5[%add3A_211, %dma_start3A_212, %dma_start3A_213] : memref<50x4x128xi32, #tpu.memory_space<vmem>> -> memref<1x1x128xi32, #tpu.memory_space<vmem>>
        %dma_start3A_215 = tpu.memref_squeeze %dma_start3A_214 : memref<1x1x128xi32, #tpu.memory_space<vmem>> -> memref<128xi32, #tpu.memory_space<vmem>>
        %dma_start3A_216 = arith.constant 0 : i32
        %dma_start3A_217 = arith.constant 0 : i32
        %dma_start3A_218 = tpu.memref_slice %arg3[%dma_start3A_216, %dma_start3A_217] : memref<1000000x128xf32, #tpu.memory_space<hbm>> -> memref<1000000x128xf32, #tpu.memory_space<hbm>>
        tpu.enqueue_indirect_dma source(%dma_start3A_218 : memref<1000000x128xf32, #tpu.memory_space<hbm>>) target(%arg6 : memref<128x128xf32, #tpu.memory_space<vmem>>) offsets(%dma_start3A_215 : memref<128xi32, #tpu.memory_space<vmem>>) semaphore(%arg14 : memref<!tpu.dma_semaphore, #tpu.memory_space<semaphore_mem>>)
      } else {
      }
      %add3A_115 = arith.constant 0 : i32
      %add3A_116 = arith.addi %mul3A_2, %add3A_115 : i32
      %dma_start3A_117 = arith.constant 0 : i32
      %dma_start3A_118 = tpu.memref_slice %arg4[%scan3A_98, %dma_start3A_117, %add3A_116] : memref<50x64x16384xf32, #tpu.memory_space<hbm>> -> memref<1x64x128xf32, #tpu.memory_space<hbm>>
      %dma_start3A_119 = tpu.memref_squeeze %dma_start3A_118 : memref<1x64x128xf32, #tpu.memory_space<hbm>> -> memref<64x128xf32, #tpu.memory_space<hbm>>
      %dma_start3A_120 = arith.constant 0 : i32
      %dma_start3A_121 = tpu.memref_slice %arg4[%scan3A_98, %dma_start3A_120, %add3A_116] : memref<50x64x16384xf32, #tpu.memory_space<hbm>> -> memref<1x64x128xf32, #tpu.memory_space<hbm>>
      %dma_start3A_122 = tpu.memref_squeeze %dma_start3A_121 : memref<1x64x128xf32, #tpu.memory_space<hbm>> -> memref<64x128xf32, #tpu.memory_space<hbm>>
      tpu.enqueue_dma source(%arg10 : memref<64x128xf32, #tpu.memory_space<vmem>>) target(%dma_start3A_122 : memref<64x128xf32, #tpu.memory_space<hbm>>) target_semaphore(%arg18 : memref<!tpu.dma_semaphore, #tpu.memory_space<semaphore_mem>>)
      %dma_wait3A_123 = arith.constant 0 : i32
      %dma_wait3A_124 = arith.constant 0 : i32
      %dma_wait3A_125 = tpu.memref_slice %arg3[%dma_wait3A_123, %dma_wait3A_124] : memref<1000000x128xf32, #tpu.memory_space<hbm>> -> memref<128x128xf32, #tpu.memory_space<hbm>>
      %dma_wait3A_126 = arith.constant 0 : i32
      %dma_wait3A_127 = arith.constant 0 : i32
      %dma_wait3A_128 = tpu.memref_slice %arg3[%dma_wait3A_126, %dma_wait3A_127] : memref<1000000x128xf32, #tpu.memory_space<hbm>> -> memref<128x128xf32, #tpu.memory_space<hbm>>
      tpu.wait_dma2 semaphore(%arg15 : memref<!tpu.dma_semaphore, #tpu.memory_space<semaphore_mem>>) src(%dma_wait3A_128 : memref<128x128xf32, #tpu.memory_space<hbm>>) dst(%arg7 : memref<128x128xf32, #tpu.memory_space<vmem>>)
      %gt3A_129 = arith.constant 0 : i32
      %gt3A_130 = arith.cmpi sgt, %scan3A_98, %gt3A_129 : i32
      %convert_element_type3A_131 = arith.extui %gt3A_130 : i1 to i32
      %cond3A_132 = arith.constant 0 : i32
      %cond3A_133 = arith.cmpi ne, %convert_element_type3A_131, %cond3A_132 : i32
      scf.if %cond3A_133 {
        %dma_wait3A_210 = arith.constant 0 : i32
        %dma_wait3A_211 = arith.constant 0 : i32
        %dma_wait3A_212 = arith.constant 0 : i32
        %dma_wait3A_213 = tpu.memref_slice %arg4[%dma_wait3A_210, %dma_wait3A_211, %dma_wait3A_212] : memref<50x64x16384xf32, #tpu.memory_space<hbm>> -> memref<1x64x128xf32, #tpu.memory_space<hbm>>
        %dma_wait3A_214 = tpu.memref_squeeze %dma_wait3A_213 : memref<1x64x128xf32, #tpu.memory_space<hbm>> -> memref<64x128xf32, #tpu.memory_space<hbm>>
        %dma_wait3A_215 = arith.constant 0 : i32
        %dma_wait3A_216 = arith.constant 0 : i32
        %dma_wait3A_217 = tpu.memref_slice %arg4[%dma_wait3A_210, %dma_wait3A_215, %dma_wait3A_216] : memref<50x64x16384xf32, #tpu.memory_space<hbm>> -> memref<1x64x128xf32, #tpu.memory_space<hbm>>
        %dma_wait3A_218 = tpu.memref_squeeze %dma_wait3A_217 : memref<1x64x128xf32, #tpu.memory_space<hbm>> -> memref<64x128xf32, #tpu.memory_space<hbm>>
        tpu.wait_dma2 semaphore(%arg19 : memref<!tpu.dma_semaphore, #tpu.memory_space<semaphore_mem>>) src(%arg11 : memref<64x128xf32, #tpu.memory_space<vmem>>) dst(%dma_wait3A_218 : memref<64x128xf32, #tpu.memory_space<hbm>>)
      } else {
      }
      %parallel_loop3A_134 = arith.constant 0 : i32
      %parallel_loop3A_135 = arith.constant 64 : i32
      %parallel_loop3A_136 = arith.constant 1 : i32
      scf.for %parallel_loop3A_210 = %parallel_loop3A_134 to %parallel_loop3A_135 step %parallel_loop3A_136  : i32 {
        %parallel_loop3A_211 = arith.constant 0 : i32
        %parallel_loop3A_212 = vector.broadcast %parallel_loop3A_211 : i32 to vector<16xi32>
        %parallel_loop3A_213 = vector.broadcast %parallel_loop3A_210 : i32 to vector<16xi32>
        %parallel_loop3A_214 = arith.addi %parallel_loop3A_212, %parallel_loop3A_213 : vector<16xi32>
        %parallel_loop3A_215 = tpu.vector_load_idx %arg7[%add3A_5, %parallel_loop3A_214] : memref<128x128xf32, #tpu.memory_space<vmem>>[vector<16xi32>, vector<16xi32>], vector<16xf32>,
        %parallel_loop3A_216 = arith.index_cast %parallel_loop3A_210 : i32 to index
        %parallel_loop3A_217 = arith.constant 0 : index
        %parallel_loop3A_218 = tpu.vector_load %arg11[%parallel_loop3A_216, %parallel_loop3A_217] {strides = array<i32>} : memref<64x128xf32, #tpu.memory_space<vmem>>, vector<16xf32>,
        tpu.vector_store %arg11[%parallel_loop3A_216, %parallel_loop3A_217], %parallel_loop3A_215 {strides = array<i32>} : memref<64x128xf32, #tpu.memory_space<vmem>>, vector<16xf32>,
        %parallel_loop3A_219 = tpu.vector_load_idx %arg7[%add3A_8, %parallel_loop3A_214] : memref<128x128xf32, #tpu.memory_space<vmem>>[vector<16xi32>, vector<16xi32>], vector<16xf32>,
        %parallel_loop3A_220 = arith.index_cast %parallel_loop3A_210 : i32 to index
        %parallel_loop3A_221 = arith.constant 16 : index
        %parallel_loop3A_222 = tpu.vector_load %arg11[%parallel_loop3A_220, %parallel_loop3A_221] {strides = array<i32>} : memref<64x128xf32, #tpu.memory_space<vmem>>, vector<16xf32>,
        tpu.vector_store %arg11[%parallel_loop3A_220, %parallel_loop3A_221], %parallel_loop3A_219 {strides = array<i32>} : memref<64x128xf32, #tpu.memory_space<vmem>>, vector<16xf32>,
        %parallel_loop3A_223 = tpu.vector_load_idx %arg7[%add3A_11, %parallel_loop3A_214] : memref<128x128xf32, #tpu.memory_space<vmem>>[vector<16xi32>, vector<16xi32>], vector<16xf32>,
        %parallel_loop3A_224 = arith.index_cast %parallel_loop3A_210 : i32 to index
        %parallel_loop3A_225 = arith.constant 32 : index
        %parallel_loop3A_226 = tpu.vector_load %arg11[%parallel_loop3A_224, %parallel_loop3A_225] {strides = array<i32>} : memref<64x128xf32, #tpu.memory_space<vmem>>, vector<16xf32>,
        tpu.vector_store %arg11[%parallel_loop3A_224, %parallel_loop3A_225], %parallel_loop3A_223 {strides = array<i32>} : memref<64x128xf32, #tpu.memory_space<vmem>>, vector<16xf32>,
        %parallel_loop3A_227 = tpu.vector_load_idx %arg7[%add3A_14, %parallel_loop3A_214] : memref<128x128xf32, #tpu.memory_space<vmem>>[vector<16xi32>, vector<16xi32>], vector<16xf32>,
        %parallel_loop3A_228 = arith.index_cast %parallel_loop3A_210 : i32 to index
        %parallel_loop3A_229 = arith.constant 48 : index
        %parallel_loop3A_230 = tpu.vector_load %arg11[%parallel_loop3A_228, %parallel_loop3A_229] {strides = array<i32>} : memref<64x128xf32, #tpu.memory_space<vmem>>, vector<16xf32>,
        tpu.vector_store %arg11[%parallel_loop3A_228, %parallel_loop3A_229], %parallel_loop3A_227 {strides = array<i32>} : memref<64x128xf32, #tpu.memory_space<vmem>>, vector<16xf32>,
        %parallel_loop3A_231 = tpu.vector_load_idx %arg7[%add3A_17, %parallel_loop3A_214] : memref<128x128xf32, #tpu.memory_space<vmem>>[vector<16xi32>, vector<16xi32>], vector<16xf32>,
        %parallel_loop3A_232 = arith.index_cast %parallel_loop3A_210 : i32 to index
        %parallel_loop3A_233 = arith.constant 64 : index
        %parallel_loop3A_234 = tpu.vector_load %arg11[%parallel_loop3A_232, %parallel_loop3A_233] {strides = array<i32>} : memref<64x128xf32, #tpu.memory_space<vmem>>, vector<16xf32>,
        tpu.vector_store %arg11[%parallel_loop3A_232, %parallel_loop3A_233], %parallel_loop3A_231 {strides = array<i32>} : memref<64x128xf32, #tpu.memory_space<vmem>>, vector<16xf32>,
        %parallel_loop3A_235 = tpu.vector_load_idx %arg7[%add3A_20, %parallel_loop3A_214] : memref<128x128xf32, #tpu.memory_space<vmem>>[vector<16xi32>, vector<16xi32>], vector<16xf32>,
        %parallel_loop3A_236 = arith.index_cast %parallel_loop3A_210 : i32 to index
        %parallel_loop3A_237 = arith.constant 80 : index
        %parallel_loop3A_238 = tpu.vector_load %arg11[%parallel_loop3A_236, %parallel_loop3A_237] {strides = array<i32>} : memref<64x128xf32, #tpu.memory_space<vmem>>, vector<16xf32>,
        tpu.vector_store %arg11[%parallel_loop3A_236, %parallel_loop3A_237], %parallel_loop3A_235 {strides = array<i32>} : memref<64x128xf32, #tpu.memory_space<vmem>>, vector<16xf32>,
        %parallel_loop3A_239 = tpu.vector_load_idx %arg7[%add3A_23, %parallel_loop3A_214] : memref<128x128xf32, #tpu.memory_space<vmem>>[vector<16xi32>, vector<16xi32>], vector<16xf32>,
        %parallel_loop3A_240 = arith.index_cast %parallel_loop3A_210 : i32 to index
        %parallel_loop3A_241 = arith.constant 96 : index
        %parallel_loop3A_242 = tpu.vector_load %arg11[%parallel_loop3A_240, %parallel_loop3A_241] {strides = array<i32>} : memref<64x128xf32, #tpu.memory_space<vmem>>, vector<16xf32>,
        tpu.vector_store %arg11[%parallel_loop3A_240, %parallel_loop3A_241], %parallel_loop3A_239 {strides = array<i32>} : memref<64x128xf32, #tpu.memory_space<vmem>>, vector<16xf32>,
        %parallel_loop3A_243 = tpu.vector_load_idx %arg7[%add3A_26, %parallel_loop3A_214] : memref<128x128xf32, #tpu.memory_space<vmem>>[vector<16xi32>, vector<16xi32>], vector<16xf32>,
        %parallel_loop3A_244 = arith.index_cast %parallel_loop3A_210 : i32 to index
        %parallel_loop3A_245 = arith.constant 112 : index
        %parallel_loop3A_246 = tpu.vector_load %arg11[%parallel_loop3A_244, %parallel_loop3A_245] {strides = array<i32>} : memref<64x128xf32, #tpu.memory_space<vmem>>, vector<16xf32>,
        tpu.vector_store %arg11[%parallel_loop3A_244, %parallel_loop3A_245], %parallel_loop3A_243 {strides = array<i32>} : memref<64x128xf32, #tpu.memory_space<vmem>>, vector<16xf32>,
      } {sc.loop_unroll_factor = 8 : i64, sc.parallel_access}
      %add3A_137 = arith.constant 1 : i32
      %add3A_138 = arith.addi %scan3A_98, %add3A_137 : i32
      %lt3A_139 = arith.constant 50 : i32
      %lt3A_140 = arith.cmpi slt, %add3A_138, %lt3A_139 : i32
      %convert_element_type3A_141 = arith.extui %lt3A_140 : i1 to i32
      %cond3A_142 = arith.constant 0 : i32
      %cond3A_143 = arith.cmpi ne, %convert_element_type3A_141, %cond3A_142 : i32
      scf.if %cond3A_143 {
        %add3A_210 = arith.constant 1 : i32
        %add3A_211 = arith.addi %scan3A_98, %add3A_210 : i32
        %dma_start3A_212 = arith.constant 1 : i32
        %dma_start3A_213 = arith.constant 0 : i32
        %dma_start3A_214 = tpu.memref_slice %arg5[%add3A_211, %dma_start3A_212, %dma_start3A_213] : memref<50x4x128xi32, #tpu.memory_space<vmem>> -> memref<1x1x128xi32, #tpu.memory_space<vmem>>
        %dma_start3A_215 = tpu.memref_squeeze %dma_start3A_214 : memref<1x1x128xi32, #tpu.memory_space<vmem>> -> memref<128xi32, #tpu.memory_space<vmem>>
        %dma_start3A_216 = arith.constant 0 : i32
        %dma_start3A_217 = arith.constant 0 : i32
        %dma_start3A_218 = tpu.memref_slice %arg3[%dma_start3A_216, %dma_start3A_217] : memref<1000000x128xf32, #tpu.memory_space<hbm>> -> memref<1000000x128xf32, #tpu.memory_space<hbm>>
        tpu.enqueue_indirect_dma source(%dma_start3A_218 : memref<1000000x128xf32, #tpu.memory_space<hbm>>) target(%arg7 : memref<128x128xf32, #tpu.memory_space<vmem>>) offsets(%dma_start3A_215 : memref<128xi32, #tpu.memory_space<vmem>>) semaphore(%arg15 : memref<!tpu.dma_semaphore, #tpu.memory_space<semaphore_mem>>)
      } else {
      }
      %add3A_144 = arith.constant 128 : i32
      %add3A_145 = arith.addi %mul3A_2, %add3A_144 : i32
      %dma_start3A_146 = arith.constant 0 : i32
      %dma_start3A_147 = tpu.memref_slice %arg4[%scan3A_98, %dma_start3A_146, %add3A_145] : memref<50x64x16384xf32, #tpu.memory_space<hbm>> -> memref<1x64x128xf32, #tpu.memory_space<hbm>>
      %dma_start3A_148 = tpu.memref_squeeze %dma_start3A_147 : memref<1x64x128xf32, #tpu.memory_space<hbm>> -> memref<64x128xf32, #tpu.memory_space<hbm>>
      %dma_start3A_149 = arith.constant 0 : i32
      %dma_start3A_150 = tpu.memref_slice %arg4[%scan3A_98, %dma_start3A_149, %add3A_145] : memref<50x64x16384xf32, #tpu.memory_space<hbm>> -> memref<1x64x128xf32, #tpu.memory_space<hbm>>
      %dma_start3A_151 = tpu.memref_squeeze %dma_start3A_150 : memref<1x64x128xf32, #tpu.memory_space<hbm>> -> memref<64x128xf32, #tpu.memory_space<hbm>>
      tpu.enqueue_dma source(%arg11 : memref<64x128xf32, #tpu.memory_space<vmem>>) target(%dma_start3A_151 : memref<64x128xf32, #tpu.memory_space<hbm>>) target_semaphore(%arg19 : memref<!tpu.dma_semaphore, #tpu.memory_space<semaphore_mem>>)
      %dma_wait3A_152 = arith.constant 0 : i32
      %dma_wait3A_153 = arith.constant 0 : i32
      %dma_wait3A_154 = tpu.memref_slice %arg3[%dma_wait3A_152, %dma_wait3A_153] : memref<1000000x128xf32, #tpu.memory_space<hbm>> -> memref<128x128xf32, #tpu.memory_space<hbm>>
      %dma_wait3A_155 = arith.constant 0 : i32
      %dma_wait3A_156 = arith.constant 0 : i32
      %dma_wait3A_157 = tpu.memref_slice %arg3[%dma_wait3A_155, %dma_wait3A_156] : memref<1000000x128xf32, #tpu.memory_space<hbm>> -> memref<128x128xf32, #tpu.memory_space<hbm>>
      tpu.wait_dma2 semaphore(%arg16 : memref<!tpu.dma_semaphore, #tpu.memory_space<semaphore_mem>>) src(%dma_wait3A_157 : memref<128x128xf32, #tpu.memory_space<hbm>>) dst(%arg8 : memref<128x128xf32, #tpu.memory_space<vmem>>)
      %gt3A_158 = arith.constant 0 : i32
      %gt3A_159 = arith.cmpi sgt, %scan3A_98, %gt3A_158 : i32
      %convert_element_type3A_160 = arith.extui %gt3A_159 : i1 to i32
      %cond3A_161 = arith.constant 0 : i32
      %cond3A_162 = arith.cmpi ne, %convert_element_type3A_160, %cond3A_161 : i32
      scf.if %cond3A_162 {
        %dma_wait3A_210 = arith.constant 0 : i32
        %dma_wait3A_211 = arith.constant 0 : i32
        %dma_wait3A_212 = arith.constant 0 : i32
        %dma_wait3A_213 = tpu.memref_slice %arg4[%dma_wait3A_210, %dma_wait3A_211, %dma_wait3A_212] : memref<50x64x16384xf32, #tpu.memory_space<hbm>> -> memref<1x64x128xf32, #tpu.memory_space<hbm>>
        %dma_wait3A_214 = tpu.memref_squeeze %dma_wait3A_213 : memref<1x64x128xf32, #tpu.memory_space<hbm>> -> memref<64x128xf32, #tpu.memory_space<hbm>>
        %dma_wait3A_215 = arith.constant 0 : i32
        %dma_wait3A_216 = arith.constant 0 : i32
        %dma_wait3A_217 = tpu.memref_slice %arg4[%dma_wait3A_210, %dma_wait3A_215, %dma_wait3A_216] : memref<50x64x16384xf32, #tpu.memory_space<hbm>> -> memref<1x64x128xf32, #tpu.memory_space<hbm>>
        %dma_wait3A_218 = tpu.memref_squeeze %dma_wait3A_217 : memref<1x64x128xf32, #tpu.memory_space<hbm>> -> memref<64x128xf32, #tpu.memory_space<hbm>>
        tpu.wait_dma2 semaphore(%arg20 : memref<!tpu.dma_semaphore, #tpu.memory_space<semaphore_mem>>) src(%arg12 : memref<64x128xf32, #tpu.memory_space<vmem>>) dst(%dma_wait3A_218 : memref<64x128xf32, #tpu.memory_space<hbm>>)
      } else {
      }
      %parallel_loop3A_163 = arith.constant 0 : i32
      %parallel_loop3A_164 = arith.constant 64 : i32
      %parallel_loop3A_165 = arith.constant 1 : i32
      scf.for %parallel_loop3A_210 = %parallel_loop3A_163 to %parallel_loop3A_164 step %parallel_loop3A_165  : i32 {
        %parallel_loop3A_211 = arith.constant 0 : i32
        %parallel_loop3A_212 = vector.broadcast %parallel_loop3A_211 : i32 to vector<16xi32>
        %parallel_loop3A_213 = vector.broadcast %parallel_loop3A_210 : i32 to vector<16xi32>
        %parallel_loop3A_214 = arith.addi %parallel_loop3A_212, %parallel_loop3A_213 : vector<16xi32>
        %parallel_loop3A_215 = tpu.vector_load_idx %arg8[%add3A_5, %parallel_loop3A_214] : memref<128x128xf32, #tpu.memory_space<vmem>>[vector<16xi32>, vector<16xi32>], vector<16xf32>,
        %parallel_loop3A_216 = arith.index_cast %parallel_loop3A_210 : i32 to index
        %parallel_loop3A_217 = arith.constant 0 : index
        %parallel_loop3A_218 = tpu.vector_load %arg12[%parallel_loop3A_216, %parallel_loop3A_217] {strides = array<i32>} : memref<64x128xf32, #tpu.memory_space<vmem>>, vector<16xf32>,
        tpu.vector_store %arg12[%parallel_loop3A_216, %parallel_loop3A_217], %parallel_loop3A_215 {strides = array<i32>} : memref<64x128xf32, #tpu.memory_space<vmem>>, vector<16xf32>,
        %parallel_loop3A_219 = tpu.vector_load_idx %arg8[%add3A_8, %parallel_loop3A_214] : memref<128x128xf32, #tpu.memory_space<vmem>>[vector<16xi32>, vector<16xi32>], vector<16xf32>,
        %parallel_loop3A_220 = arith.index_cast %parallel_loop3A_210 : i32 to index
        %parallel_loop3A_221 = arith.constant 16 : index
        %parallel_loop3A_222 = tpu.vector_load %arg12[%parallel_loop3A_220, %parallel_loop3A_221] {strides = array<i32>} : memref<64x128xf32, #tpu.memory_space<vmem>>, vector<16xf32>,
        tpu.vector_store %arg12[%parallel_loop3A_220, %parallel_loop3A_221], %parallel_loop3A_219 {strides = array<i32>} : memref<64x128xf32, #tpu.memory_space<vmem>>, vector<16xf32>,
        %parallel_loop3A_223 = tpu.vector_load_idx %arg8[%add3A_11, %parallel_loop3A_214] : memref<128x128xf32, #tpu.memory_space<vmem>>[vector<16xi32>, vector<16xi32>], vector<16xf32>,
        %parallel_loop3A_224 = arith.index_cast %parallel_loop3A_210 : i32 to index
        %parallel_loop3A_225 = arith.constant 32 : index
        %parallel_loop3A_226 = tpu.vector_load %arg12[%parallel_loop3A_224, %parallel_loop3A_225] {strides = array<i32>} : memref<64x128xf32, #tpu.memory_space<vmem>>, vector<16xf32>,
        tpu.vector_store %arg12[%parallel_loop3A_224, %parallel_loop3A_225], %parallel_loop3A_223 {strides = array<i32>} : memref<64x128xf32, #tpu.memory_space<vmem>>, vector<16xf32>,
        %parallel_loop3A_227 = tpu.vector_load_idx %arg8[%add3A_14, %parallel_loop3A_214] : memref<128x128xf32, #tpu.memory_space<vmem>>[vector<16xi32>, vector<16xi32>], vector<16xf32>,
        %parallel_loop3A_228 = arith.index_cast %parallel_loop3A_210 : i32 to index
        %parallel_loop3A_229 = arith.constant 48 : index
        %parallel_loop3A_230 = tpu.vector_load %arg12[%parallel_loop3A_228, %parallel_loop3A_229] {strides = array<i32>} : memref<64x128xf32, #tpu.memory_space<vmem>>, vector<16xf32>,
        tpu.vector_store %arg12[%parallel_loop3A_228, %parallel_loop3A_229], %parallel_loop3A_227 {strides = array<i32>} : memref<64x128xf32, #tpu.memory_space<vmem>>, vector<16xf32>,
        %parallel_loop3A_231 = tpu.vector_load_idx %arg8[%add3A_17, %parallel_loop3A_214] : memref<128x128xf32, #tpu.memory_space<vmem>>[vector<16xi32>, vector<16xi32>], vector<16xf32>,
        %parallel_loop3A_232 = arith.index_cast %parallel_loop3A_210 : i32 to index
        %parallel_loop3A_233 = arith.constant 64 : index
        %parallel_loop3A_234 = tpu.vector_load %arg12[%parallel_loop3A_232, %parallel_loop3A_233] {strides = array<i32>} : memref<64x128xf32, #tpu.memory_space<vmem>>, vector<16xf32>,
        tpu.vector_store %arg12[%parallel_loop3A_232, %parallel_loop3A_233], %parallel_loop3A_231 {strides = array<i32>} : memref<64x128xf32, #tpu.memory_space<vmem>>, vector<16xf32>,
        %parallel_loop3A_235 = tpu.vector_load_idx %arg8[%add3A_20, %parallel_loop3A_214] : memref<128x128xf32, #tpu.memory_space<vmem>>[vector<16xi32>, vector<16xi32>], vector<16xf32>,
        %parallel_loop3A_236 = arith.index_cast %parallel_loop3A_210 : i32 to index
        %parallel_loop3A_237 = arith.constant 80 : index
        %parallel_loop3A_238 = tpu.vector_load %arg12[%parallel_loop3A_236, %parallel_loop3A_237] {strides = array<i32>} : memref<64x128xf32, #tpu.memory_space<vmem>>, vector<16xf32>,
        tpu.vector_store %arg12[%parallel_loop3A_236, %parallel_loop3A_237], %parallel_loop3A_235 {strides = array<i32>} : memref<64x128xf32, #tpu.memory_space<vmem>>, vector<16xf32>,
        %parallel_loop3A_239 = tpu.vector_load_idx %arg8[%add3A_23, %parallel_loop3A_214] : memref<128x128xf32, #tpu.memory_space<vmem>>[vector<16xi32>, vector<16xi32>], vector<16xf32>,
        %parallel_loop3A_240 = arith.index_cast %parallel_loop3A_210 : i32 to index
        %parallel_loop3A_241 = arith.constant 96 : index
        %parallel_loop3A_242 = tpu.vector_load %arg12[%parallel_loop3A_240, %parallel_loop3A_241] {strides = array<i32>} : memref<64x128xf32, #tpu.memory_space<vmem>>, vector<16xf32>,
        tpu.vector_store %arg12[%parallel_loop3A_240, %parallel_loop3A_241], %parallel_loop3A_239 {strides = array<i32>} : memref<64x128xf32, #tpu.memory_space<vmem>>, vector<16xf32>,
        %parallel_loop3A_243 = tpu.vector_load_idx %arg8[%add3A_26, %parallel_loop3A_214] : memref<128x128xf32, #tpu.memory_space<vmem>>[vector<16xi32>, vector<16xi32>], vector<16xf32>,
        %parallel_loop3A_244 = arith.index_cast %parallel_loop3A_210 : i32 to index
        %parallel_loop3A_245 = arith.constant 112 : index
        %parallel_loop3A_246 = tpu.vector_load %arg12[%parallel_loop3A_244, %parallel_loop3A_245] {strides = array<i32>} : memref<64x128xf32, #tpu.memory_space<vmem>>, vector<16xf32>,
        tpu.vector_store %arg12[%parallel_loop3A_244, %parallel_loop3A_245], %parallel_loop3A_243 {strides = array<i32>} : memref<64x128xf32, #tpu.memory_space<vmem>>, vector<16xf32>,
      } {sc.loop_unroll_factor = 8 : i64, sc.parallel_access}
      %add3A_166 = arith.constant 1 : i32
      %add3A_167 = arith.addi %scan3A_98, %add3A_166 : i32
      %lt3A_168 = arith.constant 50 : i32
      %lt3A_169 = arith.cmpi slt, %add3A_167, %lt3A_168 : i32
      %convert_element_type3A_170 = arith.extui %lt3A_169 : i1 to i32
      %cond3A_171 = arith.constant 0 : i32
      %cond3A_172 = arith.cmpi ne, %convert_element_type3A_170, %cond3A_171 : i32
      scf.if %cond3A_172 {
        %add3A_210 = arith.constant 1 : i32
        %add3A_211 = arith.addi %scan3A_98, %add3A_210 : i32
        %dma_start3A_212 = arith.constant 2 : i32
        %dma_start3A_213 = arith.constant 0 : i32
        %dma_start3A_214 = tpu.memref_slice %arg5[%add3A_211, %dma_start3A_212, %dma_start3A_213] : memref<50x4x128xi32, #tpu.memory_space<vmem>> -> memref<1x1x128xi32, #tpu.memory_space<vmem>>
        %dma_start3A_215 = tpu.memref_squeeze %dma_start3A_214 : memref<1x1x128xi32, #tpu.memory_space<vmem>> -> memref<128xi32, #tpu.memory_space<vmem>>
        %dma_start3A_216 = arith.constant 0 : i32
        %dma_start3A_217 = arith.constant 0 : i32
        %dma_start3A_218 = tpu.memref_slice %arg3[%dma_start3A_216, %dma_start3A_217] : memref<1000000x128xf32, #tpu.memory_space<hbm>> -> memref<1000000x128xf32, #tpu.memory_space<hbm>>
        tpu.enqueue_indirect_dma source(%dma_start3A_218 : memref<1000000x128xf32, #tpu.memory_space<hbm>>) target(%arg8 : memref<128x128xf32, #tpu.memory_space<vmem>>) offsets(%dma_start3A_215 : memref<128xi32, #tpu.memory_space<vmem>>) semaphore(%arg16 : memref<!tpu.dma_semaphore, #tpu.memory_space<semaphore_mem>>)
      } else {
      }
      %add3A_173 = arith.constant 256 : i32
      %add3A_174 = arith.addi %mul3A_2, %add3A_173 : i32
      %dma_start3A_175 = arith.constant 0 : i32
      %dma_start3A_176 = tpu.memref_slice %arg4[%scan3A_98, %dma_start3A_175, %add3A_174] : memref<50x64x16384xf32, #tpu.memory_space<hbm>> -> memref<1x64x128xf32, #tpu.memory_space<hbm>>
      %dma_start3A_177 = tpu.memref_squeeze %dma_start3A_176 : memref<1x64x128xf32, #tpu.memory_space<hbm>> -> memref<64x128xf32, #tpu.memory_space<hbm>>
      %dma_start3A_178 = arith.constant 0 : i32
      %dma_start3A_179 = tpu.memref_slice %arg4[%scan3A_98, %dma_start3A_178, %add3A_174] : memref<50x64x16384xf32, #tpu.memory_space<hbm>> -> memref<1x64x128xf32, #tpu.memory_space<hbm>>
      %dma_start3A_180 = tpu.memref_squeeze %dma_start3A_179 : memref<1x64x128xf32, #tpu.memory_space<hbm>> -> memref<64x128xf32, #tpu.memory_space<hbm>>
      tpu.enqueue_dma source(%arg12 : memref<64x128xf32, #tpu.memory_space<vmem>>) target(%dma_start3A_180 : memref<64x128xf32, #tpu.memory_space<hbm>>) target_semaphore(%arg20 : memref<!tpu.dma_semaphore, #tpu.memory_space<semaphore_mem>>)
      %dma_wait3A_181 = arith.constant 0 : i32
      %dma_wait3A_182 = arith.constant 0 : i32
      %dma_wait3A_183 = tpu.memref_slice %arg3[%dma_wait3A_181, %dma_wait3A_182] : memref<1000000x128xf32, #tpu.memory_space<hbm>> -> memref<128x128xf32, #tpu.memory_space<hbm>>
      %dma_wait3A_184 = arith.constant 0 : i32
      %dma_wait3A_185 = arith.constant 0 : i32
      %dma_wait3A_186 = tpu.memref_slice %arg3[%dma_wait3A_184, %dma_wait3A_185] : memref<1000000x128xf32, #tpu.memory_space<hbm>> -> memref<128x128xf32, #tpu.memory_space<hbm>>
      tpu.wait_dma2 semaphore(%arg17 : memref<!tpu.dma_semaphore, #tpu.memory_space<semaphore_mem>>) src(%dma_wait3A_186 : memref<128x128xf32, #tpu.memory_space<hbm>>) dst(%arg9 : memref<128x128xf32, #tpu.memory_space<vmem>>)
      %gt3A_187 = arith.constant 0 : i32
      %gt3A_188 = arith.cmpi sgt, %scan3A_98, %gt3A_187 : i32
      %convert_element_type3A_189 = arith.extui %gt3A_188 : i1 to i32
      %cond3A_190 = arith.constant 0 : i32
      %cond3A_191 = arith.cmpi ne, %convert_element_type3A_189, %cond3A_190 : i32
      scf.if %cond3A_191 {
        %dma_wait3A_210 = arith.constant 0 : i32
        %dma_wait3A_211 = arith.constant 0 : i32
        %dma_wait3A_212 = arith.constant 0 : i32
        %dma_wait3A_213 = tpu.memref_slice %arg4[%dma_wait3A_210, %dma_wait3A_211, %dma_wait3A_212] : memref<50x64x16384xf32, #tpu.memory_space<hbm>> -> memref<1x64x128xf32, #tpu.memory_space<hbm>>
        %dma_wait3A_214 = tpu.memref_squeeze %dma_wait3A_213 : memref<1x64x128xf32, #tpu.memory_space<hbm>> -> memref<64x128xf32, #tpu.memory_space<hbm>>
        %dma_wait3A_215 = arith.constant 0 : i32
        %dma_wait3A_216 = arith.constant 0 : i32
        %dma_wait3A_217 = tpu.memref_slice %arg4[%dma_wait3A_210, %dma_wait3A_215, %dma_wait3A_216] : memref<50x64x16384xf32, #tpu.memory_space<hbm>> -> memref<1x64x128xf32, #tpu.memory_space<hbm>>
        %dma_wait3A_218 = tpu.memref_squeeze %dma_wait3A_217 : memref<1x64x128xf32, #tpu.memory_space<hbm>> -> memref<64x128xf32, #tpu.memory_space<hbm>>
        tpu.wait_dma2 semaphore(%arg21 : memref<!tpu.dma_semaphore, #tpu.memory_space<semaphore_mem>>) src(%arg13 : memref<64x128xf32, #tpu.memory_space<vmem>>) dst(%dma_wait3A_218 : memref<64x128xf32, #tpu.memory_space<hbm>>)
      } else {
      }
      %parallel_loop3A_192 = arith.constant 0 : i32
      %parallel_loop3A_193 = arith.constant 64 : i32
      %parallel_loop3A_194 = arith.constant 1 : i32
      scf.for %parallel_loop3A_210 = %parallel_loop3A_192 to %parallel_loop3A_193 step %parallel_loop3A_194  : i32 {
        %parallel_loop3A_211 = arith.constant 0 : i32
        %parallel_loop3A_212 = vector.broadcast %parallel_loop3A_211 : i32 to vector<16xi32>
        %parallel_loop3A_213 = vector.broadcast %parallel_loop3A_210 : i32 to vector<16xi32>
        %parallel_loop3A_214 = arith.addi %parallel_loop3A_212, %parallel_loop3A_213 : vector<16xi32>
        %parallel_loop3A_215 = tpu.vector_load_idx %arg9[%add3A_5, %parallel_loop3A_214] : memref<128x128xf32, #tpu.memory_space<vmem>>[vector<16xi32>, vector<16xi32>], vector<16xf32>,
        %parallel_loop3A_216 = arith.index_cast %parallel_loop3A_210 : i32 to index
        %parallel_loop3A_217 = arith.constant 0 : index
        %parallel_loop3A_218 = tpu.vector_load %arg13[%parallel_loop3A_216, %parallel_loop3A_217] {strides = array<i32>} : memref<64x128xf32, #tpu.memory_space<vmem>>, vector<16xf32>,
        tpu.vector_store %arg13[%parallel_loop3A_216, %parallel_loop3A_217], %parallel_loop3A_215 {strides = array<i32>} : memref<64x128xf32, #tpu.memory_space<vmem>>, vector<16xf32>,
        %parallel_loop3A_219 = tpu.vector_load_idx %arg9[%add3A_8, %parallel_loop3A_214] : memref<128x128xf32, #tpu.memory_space<vmem>>[vector<16xi32>, vector<16xi32>], vector<16xf32>,
        %parallel_loop3A_220 = arith.index_cast %parallel_loop3A_210 : i32 to index
        %parallel_loop3A_221 = arith.constant 16 : index
        %parallel_loop3A_222 = tpu.vector_load %arg13[%parallel_loop3A_220, %parallel_loop3A_221] {strides = array<i32>} : memref<64x128xf32, #tpu.memory_space<vmem>>, vector<16xf32>,
        tpu.vector_store %arg13[%parallel_loop3A_220, %parallel_loop3A_221], %parallel_loop3A_219 {strides = array<i32>} : memref<64x128xf32, #tpu.memory_space<vmem>>, vector<16xf32>,
        %parallel_loop3A_223 = tpu.vector_load_idx %arg9[%add3A_11, %parallel_loop3A_214] : memref<128x128xf32, #tpu.memory_space<vmem>>[vector<16xi32>, vector<16xi32>], vector<16xf32>,
        %parallel_loop3A_224 = arith.index_cast %parallel_loop3A_210 : i32 to index
        %parallel_loop3A_225 = arith.constant 32 : index
        %parallel_loop3A_226 = tpu.vector_load %arg13[%parallel_loop3A_224, %parallel_loop3A_225] {strides = array<i32>} : memref<64x128xf32, #tpu.memory_space<vmem>>, vector<16xf32>,
        tpu.vector_store %arg13[%parallel_loop3A_224, %parallel_loop3A_225], %parallel_loop3A_223 {strides = array<i32>} : memref<64x128xf32, #tpu.memory_space<vmem>>, vector<16xf32>,
        %parallel_loop3A_227 = tpu.vector_load_idx %arg9[%add3A_14, %parallel_loop3A_214] : memref<128x128xf32, #tpu.memory_space<vmem>>[vector<16xi32>, vector<16xi32>], vector<16xf32>,
        %parallel_loop3A_228 = arith.index_cast %parallel_loop3A_210 : i32 to index
        %parallel_loop3A_229 = arith.constant 48 : index
        %parallel_loop3A_230 = tpu.vector_load %arg13[%parallel_loop3A_228, %parallel_loop3A_229] {strides = array<i32>} : memref<64x128xf32, #tpu.memory_space<vmem>>, vector<16xf32>,
        tpu.vector_store %arg13[%parallel_loop3A_228, %parallel_loop3A_229], %parallel_loop3A_227 {strides = array<i32>} : memref<64x128xf32, #tpu.memory_space<vmem>>, vector<16xf32>,
        %parallel_loop3A_231 = tpu.vector_load_idx %arg9[%add3A_17, %parallel_loop3A_214] : memref<128x128xf32, #tpu.memory_space<vmem>>[vector<16xi32>, vector<16xi32>], vector<16xf32>,
        %parallel_loop3A_232 = arith.index_cast %parallel_loop3A_210 : i32 to index
        %parallel_loop3A_233 = arith.constant 64 : index
        %parallel_loop3A_234 = tpu.vector_load %arg13[%parallel_loop3A_232, %parallel_loop3A_233] {strides = array<i32>} : memref<64x128xf32, #tpu.memory_space<vmem>>, vector<16xf32>,
        tpu.vector_store %arg13[%parallel_loop3A_232, %parallel_loop3A_233], %parallel_loop3A_231 {strides = array<i32>} : memref<64x128xf32, #tpu.memory_space<vmem>>, vector<16xf32>,
        %parallel_loop3A_235 = tpu.vector_load_idx %arg9[%add3A_20, %parallel_loop3A_214] : memref<128x128xf32, #tpu.memory_space<vmem>>[vector<16xi32>, vector<16xi32>], vector<16xf32>,
        %parallel_loop3A_236 = arith.index_cast %parallel_loop3A_210 : i32 to index
        %parallel_loop3A_237 = arith.constant 80 : index
        %parallel_loop3A_238 = tpu.vector_load %arg13[%parallel_loop3A_236, %parallel_loop3A_237] {strides = array<i32>} : memref<64x128xf32, #tpu.memory_space<vmem>>, vector<16xf32>,
        tpu.vector_store %arg13[%parallel_loop3A_236, %parallel_loop3A_237], %parallel_loop3A_235 {strides = array<i32>} : memref<64x128xf32, #tpu.memory_space<vmem>>, vector<16xf32>,
        %parallel_loop3A_239 = tpu.vector_load_idx %arg9[%add3A_23, %parallel_loop3A_214] : memref<128x128xf32, #tpu.memory_space<vmem>>[vector<16xi32>, vector<16xi32>], vector<16xf32>,
        %parallel_loop3A_240 = arith.index_cast %parallel_loop3A_210 : i32 to index
        %parallel_loop3A_241 = arith.constant 96 : index
        %parallel_loop3A_242 = tpu.vector_load %arg13[%parallel_loop3A_240, %parallel_loop3A_241] {strides = array<i32>} : memref<64x128xf32, #tpu.memory_space<vmem>>, vector<16xf32>,
        tpu.vector_store %arg13[%parallel_loop3A_240, %parallel_loop3A_241], %parallel_loop3A_239 {strides = array<i32>} : memref<64x128xf32, #tpu.memory_space<vmem>>, vector<16xf32>,
        %parallel_loop3A_243 = tpu.vector_load_idx %arg9[%add3A_26, %parallel_loop3A_214] : memref<128x128xf32, #tpu.memory_space<vmem>>[vector<16xi32>, vector<16xi32>], vector<16xf32>,
        %parallel_loop3A_244 = arith.index_cast %parallel_loop3A_210 : i32 to index
        %parallel_loop3A_245 = arith.constant 112 : index
        %parallel_loop3A_246 = tpu.vector_load %arg13[%parallel_loop3A_244, %parallel_loop3A_245] {strides = array<i32>} : memref<64x128xf32, #tpu.memory_space<vmem>>, vector<16xf32>,
        tpu.vector_store %arg13[%parallel_loop3A_244, %parallel_loop3A_245], %parallel_loop3A_243 {strides = array<i32>} : memref<64x128xf32, #tpu.memory_space<vmem>>, vector<16xf32>,
      } {sc.loop_unroll_factor = 8 : i64, sc.parallel_access}
      %add3A_195 = arith.constant 1 : i32
      %add3A_196 = arith.addi %scan3A_98, %add3A_195 : i32
      %lt3A_197 = arith.constant 50 : i32
      %lt3A_198 = arith.cmpi slt, %add3A_196, %lt3A_197 : i32
      %convert_element_type3A_199 = arith.extui %lt3A_198 : i1 to i32
      %cond3A_200 = arith.constant 0 : i32
      %cond3A_201 = arith.cmpi ne, %convert_element_type3A_199, %cond3A_200 : i32
      scf.if %cond3A_201 {
        %add3A_210 = arith.constant 1 : i32
        %add3A_211 = arith.addi %scan3A_98, %add3A_210 : i32
        %dma_start3A_212 = arith.constant 3 : i32
        %dma_start3A_213 = arith.constant 0 : i32
        %dma_start3A_214 = tpu.memref_slice %arg5[%add3A_211, %dma_start3A_212, %dma_start3A_213] : memref<50x4x128xi32, #tpu.memory_space<vmem>> -> memref<1x1x128xi32, #tpu.memory_space<vmem>>
        %dma_start3A_215 = tpu.memref_squeeze %dma_start3A_214 : memref<1x1x128xi32, #tpu.memory_space<vmem>> -> memref<128xi32, #tpu.memory_space<vmem>>
        %dma_start3A_216 = arith.constant 0 : i32
        %dma_start3A_217 = arith.constant 0 : i32
        %dma_start3A_218 = tpu.memref_slice %arg3[%dma_start3A_216, %dma_start3A_217] : memref<1000000x128xf32, #tpu.memory_space<hbm>> -> memref<1000000x128xf32, #tpu.memory_space<hbm>>
        tpu.enqueue_indirect_dma source(%dma_start3A_218 : memref<1000000x128xf32, #tpu.memory_space<hbm>>) target(%arg9 : memref<128x128xf32, #tpu.memory_space<vmem>>) offsets(%dma_start3A_215 : memref<128xi32, #tpu.memory_space<vmem>>) semaphore(%arg17 : memref<!tpu.dma_semaphore, #tpu.memory_space<semaphore_mem>>)
      } else {
      }
      %add3A_202 = arith.constant 384 : i32
      %add3A_203 = arith.addi %mul3A_2, %add3A_202 : i32
      %dma_start3A_204 = arith.constant 0 : i32
      %dma_start3A_205 = tpu.memref_slice %arg4[%scan3A_98, %dma_start3A_204, %add3A_203] : memref<50x64x16384xf32, #tpu.memory_space<hbm>> -> memref<1x64x128xf32, #tpu.memory_space<hbm>>
      %dma_start3A_206 = tpu.memref_squeeze %dma_start3A_205 : memref<1x64x128xf32, #tpu.memory_space<hbm>> -> memref<64x128xf32, #tpu.memory_space<hbm>>
      %dma_start3A_207 = arith.constant 0 : i32
      %dma_start3A_208 = tpu.memref_slice %arg4[%scan3A_98, %dma_start3A_207, %add3A_203] : memref<50x64x16384xf32, #tpu.memory_space<hbm>> -> memref<1x64x128xf32, #tpu.memory_space<hbm>>
      %dma_start3A_209 = tpu.memref_squeeze %dma_start3A_208 : memref<1x64x128xf32, #tpu.memory_space<hbm>> -> memref<64x128xf32, #tpu.memory_space<hbm>>
      tpu.enqueue_dma source(%arg13 : memref<64x128xf32, #tpu.memory_space<vmem>>) target(%dma_start3A_209 : memref<64x128xf32, #tpu.memory_space<hbm>>) target_semaphore(%arg21 : memref<!tpu.dma_semaphore, #tpu.memory_space<semaphore_mem>>)
    }
    %scan3A_62 = arith.constant 50 : i32
    %dma_wait3A = arith.constant 0 : i32
    %dma_wait3A_63 = arith.constant 0 : i32
    %dma_wait3A_64 = arith.constant 0 : i32
    %dma_wait3A_65 = tpu.memref_slice %arg4[%dma_wait3A, %dma_wait3A_63, %dma_wait3A_64] : memref<50x64x16384xf32, #tpu.memory_space<hbm>> -> memref<1x64x128xf32, #tpu.memory_space<hbm>>
    %dma_wait3A_66 = tpu.memref_squeeze %dma_wait3A_65 : memref<1x64x128xf32, #tpu.memory_space<hbm>> -> memref<64x128xf32, #tpu.memory_space<hbm>>
    %dma_wait3A_67 = arith.constant 0 : i32
    %dma_wait3A_68 = arith.constant 0 : i32
    %dma_wait3A_69 = tpu.memref_slice %arg4[%dma_wait3A, %dma_wait3A_67, %dma_wait3A_68] : memref<50x64x16384xf32, #tpu.memory_space<hbm>> -> memref<1x64x128xf32, #tpu.memory_space<hbm>>
    %dma_wait3A_70 = tpu.memref_squeeze %dma_wait3A_69 : memref<1x64x128xf32, #tpu.memory_space<hbm>> -> memref<64x128xf32, #tpu.memory_space<hbm>>
    tpu.wait_dma2 semaphore(%arg18 : memref<!tpu.dma_semaphore, #tpu.memory_space<semaphore_mem>>) src(%arg10 : memref<64x128xf32, #tpu.memory_space<vmem>>) dst(%dma_wait3A_70 : memref<64x128xf32, #tpu.memory_space<hbm>>)
    %dma_wait3A_71 = arith.constant 0 : i32
    %dma_wait3A_72 = arith.constant 0 : i32
    %dma_wait3A_73 = arith.constant 0 : i32
    %dma_wait3A_74 = tpu.memref_slice %arg4[%dma_wait3A_71, %dma_wait3A_72, %dma_wait3A_73] : memref<50x64x16384xf32, #tpu.memory_space<hbm>> -> memref<1x64x128xf32, #tpu.memory_space<hbm>>
    %dma_wait3A_75 = tpu.memref_squeeze %dma_wait3A_74 : memref<1x64x128xf32, #tpu.memory_space<hbm>> -> memref<64x128xf32, #tpu.memory_space<hbm>>
    %dma_wait3A_76 = arith.constant 0 : i32
    %dma_wait3A_77 = arith.constant 0 : i32
    %dma_wait3A_78 = tpu.memref_slice %arg4[%dma_wait3A_71, %dma_wait3A_76, %dma_wait3A_77] : memref<50x64x16384xf32, #tpu.memory_space<hbm>> -> memref<1x64x128xf32, #tpu.memory_space<hbm>>
    %dma_wait3A_79 = tpu.memref_squeeze %dma_wait3A_78 : memref<1x64x128xf32, #tpu.memory_space<hbm>> -> memref<64x128xf32, #tpu.memory_space<hbm>>
    tpu.wait_dma2 semaphore(%arg19 : memref<!tpu.dma_semaphore, #tpu.memory_space<semaphore_mem>>) src(%arg11 : memref<64x128xf32, #tpu.memory_space<vmem>>) dst(%dma_wait3A_79 : memref<64x128xf32, #tpu.memory_space<hbm>>)
    %dma_wait3A_80 = arith.constant 0 : i32
    %dma_wait3A_81 = arith.constant 0 : i32
    %dma_wait3A_82 = arith.constant 0 : i32
    %dma_wait3A_83 = tpu.memref_slice %arg4[%dma_wait3A_80, %dma_wait3A_81, %dma_wait3A_82] : memref<50x64x16384xf32, #tpu.memory_space<hbm>> -> memref<1x64x128xf32, #tpu.memory_space<hbm>>
    %dma_wait3A_84 = tpu.memref_squeeze %dma_wait3A_83 : memref<1x64x128xf32, #tpu.memory_space<hbm>> -> memref<64x128xf32, #tpu.memory_space<hbm>>
    %dma_wait3A_85 = arith.constant 0 : i32
    %dma_wait3A_86 = arith.constant 0 : i32
    %dma_wait3A_87 = tpu.memref_slice %arg4[%dma_wait3A_80, %dma_wait3A_85, %dma_wait3A_86] : memref<50x64x16384xf32, #tpu.memory_space<hbm>> -> memref<1x64x128xf32, #tpu.memory_space<hbm>>
    %dma_wait3A_88 = tpu.memref_squeeze %dma_wait3A_87 : memref<1x64x128xf32, #tpu.memory_space<hbm>> -> memref<64x128xf32, #tpu.memory_space<hbm>>
    tpu.wait_dma2 semaphore(%arg20 : memref<!tpu.dma_semaphore, #tpu.memory_space<semaphore_mem>>) src(%arg12 : memref<64x128xf32, #tpu.memory_space<vmem>>) dst(%dma_wait3A_88 : memref<64x128xf32, #tpu.memory_space<hbm>>)
    %dma_wait3A_89 = arith.constant 0 : i32
    %dma_wait3A_90 = arith.constant 0 : i32
    %dma_wait3A_91 = arith.constant 0 : i32
    %dma_wait3A_92 = tpu.memref_slice %arg4[%dma_wait3A_89, %dma_wait3A_90, %dma_wait3A_91] : memref<50x64x16384xf32, #tpu.memory_space<hbm>> -> memref<1x64x128xf32, #tpu.memory_space<hbm>>
    %dma_wait3A_93 = tpu.memref_squeeze %dma_wait3A_92 : memref<1x64x128xf32, #tpu.memory_space<hbm>> -> memref<64x128xf32, #tpu.memory_space<hbm>>
    %dma_wait3A_94 = arith.constant 0 : i32
    %dma_wait3A_95 = arith.constant 0 : i32
    %dma_wait3A_96 = tpu.memref_slice %arg4[%dma_wait3A_89, %dma_wait3A_94, %dma_wait3A_95] : memref<50x64x16384xf32, #tpu.memory_space<hbm>> -> memref<1x64x128xf32, #tpu.memory_space<hbm>>
    %dma_wait3A_97 = tpu.memref_squeeze %dma_wait3A_96 : memref<1x64x128xf32, #tpu.memory_space<hbm>> -> memref<64x128xf32, #tpu.memory_space<hbm>>
    tpu.wait_dma2 semaphore(%arg21 : memref<!tpu.dma_semaphore, #tpu.memory_space<semaphore_mem>>) src(%arg13 : memref<64x128xf32, #tpu.memory_space<vmem>>) dst(%dma_wait3A_97 : memref<64x128xf32, #tpu.memory_space<hbm>>)
    return
  }
}

</mosaic_0001>

<sc_bundles>
// kernel: kernel.3.cloned.1.call-start
scs
__scs_entry_jumppad:
0x0: {  	(pc) =	sbr.rel $0x88, $3  }
0x1: {  	(tag) =	ssettag $0x0;
	lr =	simm.s32 $0x1  }
0x2: {  	[smem:$0x3F9F] =	sst lr;
	_ =	strace $0xD0000000  }
0x3: {  	_ = 	snop  }
0x4: {  	_ = 	snop  }
0x5: {  	_ = 	snop  }
0x6: {  	_ = 	snop  }
0x7: {  	_ = 	snop  }
__scs_overlays_trampoline_lowered:
0x8: {  	[smem:$0x3FAE] =	sst s0  }
0x9: {  	[smem:$0x3FAF] =	sst s1  }
0xa: {  	[smem:$0x3FB0] =	sst s2  }
0xb: {  	[smem:$0x3FB1] =	sst s3  }
0xc: {  	[smem:$0x3FB2] =	sst s4  }
0xd: {  	[smem:$0x3FB3] =	sst s5  }
0xe: {  	[smem:$0x3FB4] =	sst s6  }
0xf: {  	[smem:$0x3FB5] =	sst s7  }
0x10: {  	[smem:$0x3FB6] =	sst s8  }
0x11: {  	[smem:$0x3FB7] =	sst s9;
	s0 =	simm.s32 @!p0 $0x0  }
0x12: {  	s1 =	sld [smem:$0x3F9D];
	s0 =	simm.s32 @p0 $0x1  }
0x13: {  	[smem:$0x3FB8] =	sst s0;
	s0 =	simm.s32 @!p1 $0x0  }
0x14: {  	s2 =	sld [smem:$0x3F9C];
	s0 =	simm.s32 @p1 $0x1  }
0x15: {  	[smem:$0x3FB9] =	sst s0;
	s0 =	simm.s32 @!p2 $0x0  }
0x16: {  	s3 =	sld [smem:$0x3FDB];
	s0 =	simm.s32 @p2 $0x1  }
0x17: {  	s4 =	simm.s32 $0x1BF5;
	[smem:$0x3FBB] =	sst s0  }
0x18: {  	s0 =	sld [smem:$0x3F9E];
	_ =	swait.ge [sflag:s4], $0x0  }
0x19: {  	s7 =	sld [smem:$0x3F9F]  }
0x1a: {  	s8 =	sadd.s32 $0xFFFFE003, lr  }
0x1b: {  	s9 =	sadd.s32 $0xFFFFFEF7, lr;
	s5 =	simm.s32 $0xFFFFFFFF;
	p2 =	slt.u32 s8, $0xFFFFF086  }
0x1c: {  	p1 =	slt.u32 s9, $0xF7A;
	s5 =	simm.s32 @!p2 $0x0  }
0x1d: {  	s5 =	simm.s32 @p1 $0x1;
	p0 =	seq.s32 s7, s2  }
0x1e: {  	s7 =	smul.u32 @!p0 $0xF7A, s2;
	p2 =	seq.s32 @!p0 s5, $0x0  }
0x1f: {  	s9 =	smul.u32 $0xF7A, s1;
	s8 =	simm.s32 @!p0 $0x1BF5;
	p2 =	por !p2, p0  }
0x20: {  	[sflag:s8] =	ssyncset.s32 @!p0 $0xFFFFF086;
	s6 =	sadd.s32 @!p0 s3, s7;
	s7 =	simm.s32 @!p0 $0x108  }
0x21: {  	s3 =	sadd.s32 s3, s9;
	s6 =	sadd.s32 @!p0 $0x88, s6;
	s7 =	simm.s32 @p2 $0x1082  }
0x22: {  	[simem:s7], [sflag:s8] =	dma.local @!p0 [hbm:s6], $0xF7A  }
0x23: {  	s9 =	sor.u32 $0xD0000000, s2;
	s6 =	simm.s32 $0x108;
	_ =	swait.ge @!p0 [sflag:s8], $0x0  }
0x24: {  	s3 =	sadd.s32 $0x88, s3;
	s6 =	simm.s32 @!p1 $0x1082;
	[sflag:s4] =	ssyncset.s32 $0xFFFFF086  }
0x25: {  	[simem:s6], [sflag:s4] =	dma.local [hbm:s3], $0xF7A  }
0x26: {  	[smem:$0x3F9F] =	sst s1;
	(tag) =	ssettag s2;
	_ =	strace s9  }
0x27: {  	s1 =	sld [smem:$0x3FAF]  }
0x28: {  	s2 =	sld [smem:$0x3FB0]  }
0x29: {  	s4 =	sld [smem:$0x3FB2]  }
0x2a: {  	p0 =	seq.s32 s5, $0x0;
	s5 =	sld [smem:$0x3FB3]  }
0x2b: {  	s6 =	sld [smem:$0x3FB4]  }
0x2c: {  	s7 =	sld [smem:$0x3FB5]  }
0x2d: {  	s3 =	simm.s32 $0x108;
	s8 =	sld [smem:$0x3FB6]  }
0x2e: {  	s3 =	simm.s32 @!p0 $0x1082;
	s9 =	sld [smem:$0x3FB7]  }
0x2f: {  	lr =	sadd.s32 s0, s3;
	s0 =	sld [smem:$0x3FAE]  }
0x30: {  	s3 =	sld [smem:$0x3FB1]  }
0x31: {  	[smem:$0x3FBA] =	sst s10  }
0x32: {  	s10 =	sld [smem:$0x3FB8];
	_ =	sdelay $0x3  }
0x33: {  	p0 =	seq.s32 s10, $0x1;
	s10 =	sld [smem:$0x3FBA];
	_ =	sdelay $0x3  }
0x34: {  	[smem:$0x3FBA] =	sst s10  }
0x35: {  	s10 =	sld [smem:$0x3FB9];
	_ =	sdelay $0x3  }
0x36: {  	p1 =	seq.s32 s10, $0x1;
	s10 =	sld [smem:$0x3FBA];
	_ =	sdelay $0x3  }
0x37: {  	[smem:$0x3FBA] =	sst s10  }
0x38: {  	s10 =	sld [smem:$0x3FBB]  }
0x39: {  	_ = 	snop;
	(pc) =	sbr.ind lr, $3  }
0x3a: {  	_ = 	snop  }
0x3b: {  	_ = 	snop  }
0x3c: {  	p2 =	seq.s32 s10, $0x1;
	s10 =	sld [smem:$0x3FBA]  }
0x3d: {  	_ =	shalt  }
0x3e: {  	_ =	shalt  }
0x3f: {  	_ =	shalt  }
0x40: {  	_ =	shalt  }
0x41: {  	_ =	shalt  }
0x42: {  	_ =	shalt  }
0x43: {  	_ =	shalt  }
0x44: {  	_ =	shalt  }
0x45: {  	_ =	shalt  }
0x46: {  	_ =	shalt  }
0x47: {  	_ =	shalt  }
0x48: {  	_ =	shalt  }
0x49: {  	_ =	shalt  }
0x4a: {  	_ =	shalt  }
0x4b: {  	_ =	shalt  }
0x4c: {  	_ =	shalt  }
0x4d: {  	_ =	shalt  }
0x4e: {  	_ =	shalt  }
0x4f: {  	_ =	shalt  }
0x50: {  	_ =	shalt  }
0x51: {  	_ =	shalt  }
0x52: {  	_ =	shalt  }
0x53: {  	_ =	shalt  }
0x54: {  	_ =	shalt  }
0x55: {  	_ =	shalt  }
0x56: {  	_ =	shalt  }
0x57: {  	_ =	shalt  }
0x58: {  	_ =	shalt  }
0x59: {  	_ =	shalt  }
0x5a: {  	_ =	shalt  }
0x5b: {  	_ =	shalt  }
0x5c: {  	_ =	shalt  }
0x5d: {  	_ =	shalt  }
0x5e: {  	_ =	shalt  }
0x5f: {  	_ =	shalt  }
0x60: {  	_ =	shalt  }
0x61: {  	_ =	shalt  }
0x62: {  	_ =	shalt  }
0x63: {  	_ =	shalt  }
0x64: {  	_ =	shalt  }
0x65: {  	_ =	shalt  }
0x66: {  	_ =	shalt  }
0x67: {  	_ =	shalt  }
0x68: {  	_ =	shalt  }
0x69: {  	_ =	shalt  }
0x6a: {  	_ =	shalt  }
0x6b: {  	_ =	shalt  }
0x6c: {  	_ =	shalt  }
0x6d: {  	_ =	shalt  }
0x6e: {  	_ =	shalt  }
0x6f: {  	_ =	shalt  }
0x70: {  	_ =	shalt  }
0x71: {  	_ =	shalt  }
0x72: {  	_ =	shalt  }
0x73: {  	_ =	shalt  }
0x74: {  	_ =	shalt  }
0x75: {  	_ =	shalt  }
0x76: {  	_ =	shalt  }
0x77: {  	_ =	shalt  }
0x78: {  	_ =	shalt  }
0x79: {  	_ =	shalt  }
0x7a: {  	_ =	shalt  }
0x7b: {  	_ =	shalt  }
0x7c: {  	_ =	shalt  }
0x7d: {  	_ =	shalt  }
0x7e: {  	_ =	shalt  }
0x7f: {  	_ =	shalt  }
0x80: {  	_ =	shalt  }
0x81: {  	_ =	shalt  }
0x82: {  	_ =	shalt  }
0x83: {  	_ =	shalt  }
0x84: {  	_ =	shalt  }
0x85: {  	_ =	shalt  }
0x86: {  	_ =	shalt  }
0x87: {  	_ =	shalt  }
.Lfunc_end0:
.L_simem_size_0:
called_computation_lowered:
.L_overlay_start_0:
0x88: {  	s2 =	sld [smem:$0x3FD9]  }
0x89: {  	s3 =	sld [smem:$0x3FFE];
	_ =	sdelay $0x1  }
0x8a: {  	s1 =	srdreg.scid  }
0x8b: {  	s0 =	sand.u32 $0x1, s1  }
0x8c: {  	s17 =	sshll.u32 s0, $0xA;
	s2 =	sadd.s32 s3, s2  }
0x8d: {  	s2 =	sadd.s32 s2, s17  }
0x8e: {  	[smem:$0x3FC6] =	sst s2  }
0x8f: {  	_ = 	snop  }
0x90: {  	s2 =	sld [smem:$0x3FD0];
	(tm) =	ssettm $0x1  }
0x91: {  	s18 =	sld [smem:$0x3FFB];
	_ =	sdelay $0x3  }
0x92: {  	_ =	strace s18  }
0x93: {  	s3 =	sld [smem:$0x3FFC];
	_ =	sdelay $0x3  }
0x94: {  	_ =	strace s3  }
0x95: {  	s3 =	sld [smem:$0x3FFD];
	_ =	sdelay $0x3  }
0x96: {  	_ =	strace s3  }
0x97: {  	_ =	strace $0x8FFFFFFF  }
0x98: {  	s19 =	sld [smem:$0x3FDB];
	_ =	sdelay $0x1  }
0x99: {  	s4 =	simm.s32 $_scs_section_size  }
0x9a: {  	s5 =	simm.s32 $_size__tile_overlayer_lowered;
	s6 =	simm.s32 $_tile_overlayer_lowered  }
0x9b: {  	s22 =	simm.s32 $0x1BFF;
	s21 =	sshll.u32 s6, $0x1;
	s3 =	sadd.s32 s4, s19  }
0x9c: {  	s7 =	simm.s32 $0x0;
	s20 =	sshll.u32 s5, $0x1;
	s5 =	sadd.s32 s21, s3  }
0x9d: {  	[timem:s7], [sflag:s22] =	dma.local [hbm:s5], s20  }
0x9e: {  	_ =	swait.ge [sflag:s22], s20  }
0x9f: {  	s4 =	ssub.s32 $0x0, s20;
	[sflag:s22] =	ssyncset.done $0x0  }
0xa0: {  	[sflag:s22] =	ssyncadd.s32 s4;
	_ =	sdelay $0x1  }
0xa1: {  	s23 =	simm.s32 $0x1B8B  }
0xa2: {  	_ =	swait.ge [sflag:s23], $0x1  }
0xa3: {  	[sflag:s23] =	ssyncset.done $0x0  }
0xa4: {  	s25 =	simm.s32 $0x1B8E;
	s24 =	sld [smem:$0x3FFE];
	[sflag:s23] =	ssyncadd.s32 $0xFFFFFFFF  }
0xa5: {  	s26 =	simm.s32 $execute0_lowered;
	[smem:$0x3FD2] =	sst s25  }
0xa6: {  	s5 =	sshll.u32 s26, $0x1;
	_ =	strace $0x80000046;
	[dreg:$0x1] =	wrdreg $0xFFFFFFFF  }
0xa7: {  	s28 =	simm.s32 $_size_execute0_lowered;
	s3 =	sadd.s32 s3, s5;
	[dreg:$0x0] =	wrdreg $0x0  }
0xa8: {  	s5 =	sshll.u32 s28, $0x1;
	[dreg:$0x2] =	wrdreg s3  }
0xa9: {  	[dreg:$0x3] =	wrdreg s5  }
0xaa: {  	[dreg:$0x4] =	wrdreg $0xC0  }
0xab: {  	_ =	task [dreg:s7], $0x5FFFF  }
0xac: {  	[dreg:$0x1] =	wrdreg $0xFFFFFFFF  }
0xad: {  	[dreg:$0x0] =	wrdreg $0x60  }
0xae: {  	[dreg:$0x2] =	wrdreg s24  }
0xaf: {  	[dreg:$0x3] =	wrdreg s2  }
0xb0: {  	[dreg:$0x4] =	wrdreg $0x9  }
0xb1: {  	_ =	task.clear_ibuf [dreg:s7], $0x5FFFF;
	_ =	strace $0x90000046  }
0xb2: {  	s29 =	simm.s32 $0x9;
	_ =	strace $0x80000048  }
0xb3: {  	_ =	swait.ge [sflag:s29], $0x1  }
0xb4: {  	[sflag:s29] =	ssyncadd.s32 $0xFFFFFFFF  }
0xb5: {  	_ =	strace $0x90000048  }
0xb6: {  	_ =	sfence  }
0xb7: {  	s30 =	sld [smem:$0x0];
	_ =	sdelay $0x2  }
0xb8: {  	s31 =	sshll.u32 s1, $0xD;
	s1 =	sshrl.u32 s1, $0x2  }
0xb9: {  	s3 =	sand.u32 $0x4000, s31;
	s1 =	sadd.s32 s1, s30  }
0xba: {  	s0 =	sor.u32 s3, s0;
	s1 =	sshll.u32 s1, $0x11  }
0xbb: {  	s0 =	sor.u32 s1, s0  }
0xbc: {  	s0 =	sadd.s32 $0x8F2B, s0  }
0xbd: {  	[sflag:s0] =	ssyncadd.remote.s32 $0x1  }
0xbe: {  	_ =	sfence.sel $0xFFFF  }
0xbf: {  	[dreg:$0x0] =	wrdreg $0xFFFFFFFF;
	(pc) =	sbr.abs _section_cstart, $3  }
0xc0: {  	[dreg:$0x1] =	wrdreg $0xFFFFFFFF  }
0xc1: {  	_ =	task.clear_ibuf [dreg:s7], $0x2FFFF;
	_ =	strace $0x9FFFFFFF  }
0xc2: {  	(tm) =	ssettm $0x7FFFFFFF  }
0xc3: {  	_ =	shalt  }
tec
execute0_lowered:
.L_overlay_start_1:
0x0: {  	(tag) =	ssettag $0x1  }
0x1: {  	s0 =	rddreg [dreg:$0x0];
	s1 =	srdreg.scid  }
0x2: {  	s3 =	stileid.u32;
	s2 =	rddreg [dreg:$0x1];
	s4 =	simm.s32 $0x0  }
0x3: {  	s12 =	simm.s32 $0x80;
	s13 =	simm.s32 $0x6400;
	s14 =	simm.s32 $0xA400  }
0x4: {  	s16 =	simm.s32 $0xE400;
	s18 =	simm.s32 $0x12400;
	s19 =	simm.s32 $0x1  }
0x5: {  	s20 =	simm.s32 $0x400;
	s21 =	simm.s32 $0x20000;
	s22 =	simm.s32 $0x16400  }
0x6: {  	s23 =	simm.s32 $0x2;
	s24 =	simm.s32 $0x18400;
	s25 =	simm.s32 $0x3  }
0x7: {  	s28 =	simm.s32 $0x4;
	s1 =	sand.u32 $0x1, s1;
	s3 =	sshll.u32 s3, $0x1  }
0x8: {  	s29 =	simm.s32 $0x1C400;
	s15 =	simm.s32 $0x0;
	s3 =	sor.u32 s1, s3  }
0x9: {  	v0 =	vlaneseq.u32;
	[smem:$0x7FF] =	sst s4;
	s4 =	sadd.s32 $0xF5BA00, s0;
	s26 =	smul.u32 $0xC80, s3  }
0xa: {  	v0 =	vmul.u32 $0x80, v0;
	_ =	strace $0x80000047;
	s1 =	ssub.s32 $0x2, s1;
	s6 =	sshll.u32 s3, $0xC  }
0xb: {  	s30 =	sshrl.u32 s1, $0x1;
	s7 =	sor.u32 $0x400, s6;
	s5 =	sadd.s32 s26, s0  }
0xc: {  	v1 =	vor.u32 $0x800, v0;
	s8 =	sor.u32 $0x800, s6;
	s0 =	ssub.s32 s1, s30;
	s31 =	sadd.s32 $0xF42A00, s5  }
0xd: {  	v2 =	vor.u32 $0x1000, v0;
	v3 =	vor.u32 $0x1800, v0;
	v4 =	vor.u32 $0x2000, v0;
	s9 =	sor.u32 $0xC00, s6;
	s0 =	smax.u32 s0, $0x1;
	[dreg:$0x3] =	wrdreg s31  }
0xe: {  	v5 =	vor.u32 $0x2800, v0;
	v6 =	vor.u32 $0x3000, v0;
	v7 =	vor.u32 $0x3800, v0;
	s26 =	simm.s32 $0x1A400;
	[dreg:$0x4] =	wrdreg s0;
	s0 =	simm.s32 $0x8  }
.LBB2_1:
0xf: {  	s1 =	simm.s32 $0x0;
	s3 =	rddreg [dreg:$0x3];
	s17 =	simm.s32 $0x9  }
0x10: {  	[tilespmem:s1], [sflag:$0x9] =	stream.linear.gather [hbm4b:s3+s1], $0x6400, $0x38;
	[tilespmem:$0x1E400] =	vst v63  }
0x11: {  	_ =	swait.ge [sflag:s17], $0x6400  }
0x12: {  	[sflag:s17] =	ssyncset.done $0x0  }
0x13: {  	[sflag:s17] =	ssyncadd.s32 $0xFFFF9C00  }
0x14: {  	[tilespmem:s13], [sflag:$0x1] =	stream.indirect.gather [hbm4b:s4+s12], $0x80, s1, s12, $0xb8;
	[tilespmem:$0x1E400] =	vst v63  }
0x15: {  	_ = 	snop  }
0x16: {  	[tilespmem:s14], [sflag:$0x2] =	stream.indirect.gather [hbm4b:s4+s12], $0x80, s12, s12, $0xb8;
	[tilespmem:$0x1E400] =	vst v63  }
0x17: {  	s30 =	simm.s32 $0x100  }
0x18: {  	[tilespmem:s16], [sflag:$0x3] =	stream.indirect.gather [hbm4b:s4+s12], $0x80, s30, s12, $0xb8;
	[tilespmem:$0x1E400] =	vst v63  }
0x19: {  	s31 =	simm.s32 $0x180;
	s3 =	simm.s32 $0x0  }
0x1a: {  	[tilespmem:s18], [sflag:$0x4] =	stream.indirect.gather [hbm4b:s4+s12], $0x80, s31, s12, $0xb8;
	[tilespmem:$0x1E400] =	vst v63  }
.LBB2_2:
0x1b: {  	s1 =	simm.s32 $0x0;
	s11 =	simm.s32 $0x1;
	s5 =	simm.s32 $0x2  }
0x1c: {  	s10 =	simm.s32 $0x7;
	s17 =	simm.s32 $0x3;
	v8 =	vmov s1;
	v10 =	vmov s11;
	v11 =	vmov s5  }
0x1d: {  	s31 =	simm.s32 $0x4;
	v12 =	vmov s10;
	v13 =	vmov s17;
	v8 =	vand.u32 $0x78, v8  }
0x1e: {  	v16 =	vmov s31;
	s11 =	simm.s32 $0x5;
	v12 =	vand.u32 $0x7F, v12;
	v8 =	vbroadcast v8, $0x0  }
0x1f: {  	_ =	swait.ge [sflag:s19], $0x4000;
	v17 =	vmov s11;
	v10 =	vand.u32 $0x79, v10;
	v12 =	vbroadcast v12, $0x0  }
0x20: {  	p0 =	seq.s32 s3, $0x0;
	[sflag:s19] =	ssyncset.done $0x0;
	v15 =	vbroadcast v10, $0x0;
	v10 =	vand.u32 $0x7A, v11;
	v9 =	vor.u32 v0, v8  }
0x21: {  	s1 =	simm.s32 @!p0 $0x5;
	[sflag:s19] =	ssyncadd.s32 $0xFFFFC000;
	v14 =	vbroadcast v10, $0x0;
	v10 =	vand.u32 $0x7B, v13;
	v19 =	vor.u32 v0, v12  }
0x22: {  	_ =	swait.ge @!p0 [sflag:s1], $0x2000;
	v20 =	vor.u32 v0, v15;
	v13 =	vbroadcast v10, $0x0;
	v10 =	vand.u32 $0x7C, v16  }
0x23: {  	s17 =	simm.s32 $0x6;
	[sflag:s1] =	ssyncset.done @!p0 $0x0;
	v16 =	vor.u32 v0, v14;
	v11 =	vbroadcast v10, $0x0;
	v10 =	vand.u32 $0x7D, v17  }
0x24: {  	v18 =	vmov s17;
	[sflag:s1] =	ssyncadd.s32 @!p0 $0xFFFFE000;
	v17 =	vor.u32 v0, v13;
	v10 =	vbroadcast v10, $0x0  }
0x25: {  	v18 =	vand.u32 $0x7E, v18;
	v22 =	vor.u32 v0, v11;
	v21 =	vld.idx.msk [tilespmem:v9+s13+$0x0], $0xffff  }
0x26: {  	v9 =	vbroadcast v18, $0x0;
	v18 =	vor.u32 v0, v10;
	v19 =	vld.idx.msk [tilespmem:v19+s13+$0x0], $0xffff  }
0x27: {  	v24 =	vor.u32 v1, v12;
	v20 =	vld.idx.msk [tilespmem:v20+s13+$0x0], $0xffff  }
0x28: {  	v25 =	vor.u32 v1, v15;
	v16 =	vld.idx.msk [tilespmem:v16+s13+$0x0], $0xffff  }
0x29: {  	v23 =	vor.u32 v0, v9;
	v17 =	vld.idx.msk [tilespmem:v17+s13+$0x0], $0xffff  }
0x2a: {  	s5 =	simm.s32 $0x16600;
	v26 =	vor.u32 v1, v14;
	v22 =	vld.idx.msk [tilespmem:v22+s13+$0x0], $0xffff  }
0x2b: {  	v27 =	vor.u32 v1, v13;
	v18 =	vld.idx.msk [tilespmem:v18+s13+$0x0], $0xffff;
	[tilespmem:s5+$0x180] =	vst v19  }
0x2c: {  	v28 =	vor.u32 v1, v11;
	[tilespmem:s5+$0xFFFFFE80] =	vst v20;
	v20 =	vld.idx.msk [tilespmem:v24+s13+$0x0], $0xffff  }
0x2d: {  	v19 =	vor.u32 v1, v10;
	v24 =	vld.idx.msk [tilespmem:v25+s13+$0x0], $0xffff;
	[tilespmem:s5+$0xFFFFFF00] =	vst v16  }
0x2e: {  	v23 =	vld.idx.msk [tilespmem:v23+s13+$0x0], $0xffff;
	[tilespmem:s5+$0xFFFFFF80] =	vst v17;
	v17 =	vor.u32 v2, v12  }
0x2f: {  	[tilespmem:s5+$0xFFFFFE00] =	vst v21;
	v25 =	vld.idx.msk [tilespmem:v26+s13+$0x0], $0xffff;
	v26 =	vor.u32 v1, v8  }
0x30: {  	v16 =	vor.u32 v1, v9;
	v27 =	vld.idx.msk [tilespmem:v27+s13+$0x0], $0xffff;
	[tilespmem:s5+$0x0] =	vst v22  }
0x31: {  	v22 =	vor.u32 v2, v15;
	v28 =	vld.idx.msk [tilespmem:v28+s13+$0x0], $0xffff;
	[tilespmem:s5+$0x80] =	vst v18  }
0x32: {  	v18 =	vor.u32 v2, v14;
	v19 =	vld.idx.msk [tilespmem:v19+s13+$0x0], $0xffff;
	[tilespmem:s5+$0x190] =	vst v20  }
0x33: {  	v20 =	vor.u32 v2, v11;
	[tilespmem:s5+$0xFFFFFE90] =	vst v24;
	v17 =	vld.idx.msk [tilespmem:v17+s13+$0x0], $0xffff  }
0x34: {  	[tilespmem:s5+$0x100] =	vst v23;
	v23 =	vor.u32 v2, v13;
	v21 =	vld.idx.msk [tilespmem:v26+s13+$0x0], $0xffff  }
0x35: {  	v24 =	vor.u32 v2, v10;
	[tilespmem:s5+$0xFFFFFF10] =	vst v25;
	v16 =	vld.idx.msk [tilespmem:v16+s13+$0x0], $0xffff  }
0x36: {  	v25 =	vor.u32 v3, v12;
	v22 =	vld.idx.msk [tilespmem:v22+s13+$0x0], $0xffff;
	[tilespmem:s5+$0xFFFFFF90] =	vst v27  }
0x37: {  	v26 =	vor.u32 v2, v9;
	[tilespmem:s5+$0x10] =	vst v28;
	v18 =	vld.idx.msk [tilespmem:v18+s13+$0x0], $0xffff  }
0x38: {  	v27 =	vor.u32 v2, v8;
	v20 =	vld.idx.msk [tilespmem:v20+s13+$0x0], $0xffff;
	[tilespmem:s5+$0x90] =	vst v19  }
0x39: {  	v28 =	vor.u32 v3, v15;
	v23 =	vld.idx.msk [tilespmem:v23+s13+$0x0], $0xffff;
	[tilespmem:s5+$0x1A0] =	vst v17  }
0x3a: {  	v19 =	vor.u32 v3, v14;
	v24 =	vld.idx.msk [tilespmem:v24+s13+$0x0], $0xffff;
	[tilespmem:s5+$0xFFFFFE10] =	vst v21  }
0x3b: {  	v21 =	vor.u32 v3, v11;
	[tilespmem:s5+$0x110] =	vst v16;
	v16 =	vld.idx.msk [tilespmem:v25+s13+$0x0], $0xffff  }
0x3c: {  	v17 =	vor.u32 v3, v13;
	[tilespmem:s5+$0xFFFFFEA0] =	vst v22;
	v25 =	vld.idx.msk [tilespmem:v26+s13+$0x0], $0xffff  }
0x3d: {  	v22 =	vor.u32 v4, v12;
	v26 =	vld.idx.msk [tilespmem:v27+s13+$0x0], $0xffff;
	[tilespmem:s5+$0xFFFFFF20] =	vst v18  }
0x3e: {  	v27 =	vld.idx.msk [tilespmem:v28+s13+$0x0], $0xffff;
	v18 =	vor.u32 v3, v10;
	[tilespmem:s5+$0x20] =	vst v20  }
0x3f: {  	v28 =	vor.u32 v3, v8;
	v19 =	vld.idx.msk [tilespmem:v19+s13+$0x0], $0xffff;
	[tilespmem:s5+$0xFFFFFFA0] =	vst v23  }
0x40: {  	v20 =	vor.u32 v4, v15;
	v21 =	vld.idx.msk [tilespmem:v21+s13+$0x0], $0xffff;
	[tilespmem:s5+$0xA0] =	vst v24  }
0x41: {  	v23 =	vor.u32 v3, v9;
	v17 =	vld.idx.msk [tilespmem:v17+s13+$0x0], $0xffff;
	[tilespmem:s5+$0x1B0] =	vst v16  }
0x42: {  	v16 =	vor.u32 v4, v14;
	v22 =	vld.idx.msk [tilespmem:v22+s13+$0x0], $0xffff;
	[tilespmem:s5+$0x120] =	vst v25  }
0x43: {  	v24 =	vor.u32 v4, v13;
	[tilespmem:s5+$0xFFFFFE20] =	vst v26;
	v18 =	vld.idx.msk [tilespmem:v18+s13+$0x0], $0xffff  }
0x44: {  	[tilespmem:s5+$0xFFFFFEB0] =	vst v27;
	v27 =	vor.u32 v4, v11;
	v26 =	vld.idx.msk [tilespmem:v28+s13+$0x0], $0xffff  }
0x45: {  	v25 =	vor.u32 v5, v12;
	v20 =	vld.idx.msk [tilespmem:v20+s13+$0x0], $0xffff;
	[tilespmem:s5+$0xFFFFFF30] =	vst v19  }
0x46: {  	v19 =	vor.u32 v4, v10;
	v23 =	vld.idx.msk [tilespmem:v23+s13+$0x0], $0xffff;
	[tilespmem:s5+$0x30] =	vst v21  }
0x47: {  	v28 =	vor.u32 v4, v8;
	v16 =	vld.idx.msk [tilespmem:v16+s13+$0x0], $0xffff;
	[tilespmem:s5+$0xFFFFFFB0] =	vst v17  }
0x48: {  	v17 =	vor.u32 v4, v9;
	v24 =	vld.idx.msk [tilespmem:v24+s13+$0x0], $0xffff;
	[tilespmem:s5+$0x1C0] =	vst v22  }
0x49: {  	v22 =	vor.u32 v5, v15;
	v27 =	vld.idx.msk [tilespmem:v27+s13+$0x0], $0xffff;
	[tilespmem:s5+$0xB0] =	vst v18  }
0x4a: {  	v21 =	vld.idx.msk [tilespmem:v25+s13+$0x0], $0xffff;
	v25 =	vor.u32 v5, v14;
	[tilespmem:s5+$0xFFFFFE30] =	vst v26  }
0x4b: {  	v18 =	vld.idx.msk [tilespmem:v19+s13+$0x0], $0xffff;
	v19 =	vor.u32 v6, v12;
	[tilespmem:s5+$0xFFFFFEC0] =	vst v20  }
0x4c: {  	v26 =	vld.idx.msk [tilespmem:v28+s13+$0x0], $0xffff;
	v20 =	vor.u32 v5, v11;
	[tilespmem:s5+$0x130] =	vst v23  }
0x4d: {  	v23 =	vor.u32 v5, v13;
	v17 =	vld.idx.msk [tilespmem:v17+s13+$0x0], $0xffff  }
0x4e: {  	[tilespmem:s5+$0xFFFFFF40] =	vst v16;
	v16 =	vor.u32 v5, v10;
	v22 =	vld.idx.msk [tilespmem:v22+s13+$0x0], $0xffff  }
0x4f: {  	v28 =	vor.u32 v5, v9;
	v25 =	vld.idx.msk [tilespmem:v25+s13+$0x0], $0xffff;
	[tilespmem:s5+$0x1D0] =	vst v21  }
0x50: {  	[tilespmem:s5+$0x40] =	vst v27;
	v21 =	vor.u32 v5, v8;
	v19 =	vld.idx.msk [tilespmem:v19+s13+$0x0], $0xffff  }
0x51: {  	[tilespmem:s5+$0xFFFFFFC0] =	vst v24;
	v24 =	vor.u32 v6, v15;
	v20 =	vld.idx.msk [tilespmem:v20+s13+$0x0], $0xffff  }
0x52: {  	v12 =	vor.u32 v7, v12;
	[tilespmem:s5+$0xC0] =	vst v18;
	v23 =	vld.idx.msk [tilespmem:v23+s13+$0x0], $0xffff  }
0x53: {  	v18 =	vor.u32 v6, v14;
	v29 =	vld.idx.msk [tilespmem:v16+s13+$0x0], $0xffff;
	[tilespmem:s5+$0x140] =	vst v17  }
0x54: {  	s10 =	simm.s32 $0x8;
	[tilespmem:s5+$0xFFFFFE40] =	vst v26;
	v16 =	vor.u32 v6, v13;
	v26 =	vld.idx.msk [tilespmem:v28+s13+$0x0], $0xffff  }
0x55: {  	[tilespmem:s5+$0xFFFFFED0] =	vst v22;
	v22 =	vor.u32 v6, v11;
	v30 =	vld.idx.msk [tilespmem:v21+s13+$0x0], $0xffff;
	v21 =	vmov s10  }
0x56: {  	v31 =	vor.u32 v6, v10;
	v17 =	vld.idx.msk [tilespmem:v24+s13+$0x0], $0xffff;
	[tilespmem:s5+$0x1E0] =	vst v19;
	v19 =	vand.u32 $0x78, v21  }
0x57: {  	v32 =	vor.u32 v6, v9;
	[tilespmem:s5+$0xFFFFFF50] =	vst v25;
	v27 =	vld.idx.msk [tilespmem:v12+s13+$0x0], $0xffff;
	v12 =	vbroadcast v19, $0x0  }
0x58: {  	v28 =	vor.u32 v6, v8;
	v21 =	vld.idx.msk [tilespmem:v18+s13+$0x0], $0xffff;
	[tilespmem:s5+$0xFFFFFFD0] =	vst v23  }
0x59: {  	[tilespmem:s5+$0x50] =	vst v20;
	v18 =	vld.idx.msk [tilespmem:v16+s13+$0x0], $0xffff;
	v16 =	vor.u32 v0, v12  }
0x5a: {  	s31 =	simm.s32 $0x9;
	s11 =	simm.s32 $0xA;
	v24 =	vor.u32 v7, v15;
	[tilespmem:s5+$0xD0] =	vst v29;
	v19 =	vld.idx.msk [tilespmem:v22+s13+$0x0], $0xffff  }
0x5b: {  	s17 =	simm.s32 $0xB;
	v14 =	vor.u32 v7, v14;
	v15 =	vmov s31;
	v25 =	vmov s11;
	s31 =	simm.s32 $0xC;
	v20 =	vld.idx.msk [tilespmem:v31+s13+$0x0], $0xffff;
	[tilespmem:s5+$0x150] =	vst v26  }
0x5c: {  	s30 =	simm.s32 $0xD;
	v13 =	vor.u32 v7, v13;
	s11 =	simm.s32 $0x10;
	v26 =	vmov s17;
	v22 =	vmov s31;
	s17 =	simm.s32 $0xF;
	[tilespmem:s5+$0xFFFFFE50] =	vst v30;
	v23 =	vld.idx.msk [tilespmem:v32+s13+$0x0], $0xffff  }
.LBB2_3:
0x5d: {  	p1 =	slt.u32 s11, $0x38;
	v29 =	vmov s30;
	s1 =	sadd.s32 $0x6, s10;
	v30 =	vmov s17;
	v28 =	vld.idx.msk [tilespmem:v28+s13+$0x0], $0xffff;
	v11 =	vor.u32 v7, v11;
	[tilespmem:s5+$0x1F0] =	vst v27;
	s10 =	smov.u32 s11  }
0x5e: {  	v10 =	vor.u32 v7, v10;
	v27 =	vld.idx.msk [tilespmem:v16+s13+$0x0], $0xffff;
	v31 =	vmov s1;
	v16 =	vand.u32 $0x7F, v30;
	[tilespmem:s5+$0xFFFFFEE0] =	vst v17  }
0x5f: {  	v15 =	vand.u32 $0x79, v15;
	v9 =	vor.u32 v7, v9;
	v16 =	vbroadcast v16, $0x0;
	v17 =	vld.idx.msk [tilespmem:v24+s13+$0x0], $0xffff;
	[tilespmem:s5+$0xFFFFFF60] =	vst v21  }
0x60: {  	v15 =	vbroadcast v15, $0x0;
	v21 =	vand.u32 $0x7A, v25;
	v24 =	vor.u32 v7, v8;
	v8 =	vmovc v12;
	v25 =	vld.idx.msk [tilespmem:v14+s13+$0x0], $0xffff;
	[tilespmem:s5+$0xFFFFFFE0] =	vst v18  }
0x61: {  	v12 =	vand.u32 $0x7B, v26;
	v14 =	vbroadcast v21, $0x0;
	v18 =	vor.u32 v0, v16;
	v21 =	vld.idx.msk [tilespmem:v13+s13+$0x0], $0xffff;
	[tilespmem:s5+$0x60] =	vst v19  }
0x62: {  	v19 =	vor.u32 v0, v15;
	v13 =	vbroadcast v12, $0x0;
	v12 =	vand.u32 $0x7C, v22;
	v22 =	vld.idx.msk [tilespmem:v11+s13+$0x0], $0xffff;
	[tilespmem:s5+$0xE0] =	vst v20  }
0x63: {  	v20 =	vor.u32 v0, v14;
	v11 =	vbroadcast v12, $0x0;
	v12 =	vand.u32 $0x7D, v29;
	v26 =	vld.idx.msk [tilespmem:v10+s13+$0x0], $0xffff;
	[tilespmem:s5+$0x160] =	vst v23  }
0x64: {  	v23 =	vor.u32 v0, v13;
	v10 =	vbroadcast v12, $0x0;
	v12 =	vand.u32 $0x7E, v31;
	[tilespmem:s5+$0xFFFFFE60] =	vst v28;
	v28 =	vld.idx.msk [tilespmem:v9+s13+$0x0], $0xffff  }
0x65: {  	v29 =	vor.u32 v0, v11;
	v9 =	vbroadcast v12, $0x0;
	v12 =	vld.idx.msk [tilespmem:v24+s13+$0x0], $0xffff;
	[tilespmem:s5+$0xFFFFFEF0] =	vst v17  }
0x66: {  	v17 =	vor.u32 v0, v10;
	v18 =	vld.idx.msk [tilespmem:v18+s13+$0x0], $0xffff;
	[tilespmem:s5+$0xFFFFFF70] =	vst v25  }
0x67: {  	v24 =	vor.u32 v0, v9;
	v19 =	vld.idx.msk [tilespmem:v19+s13+$0x0], $0xffff;
	[tilespmem:s5+$0xFFFFFFF0] =	vst v21  }
0x68: {  	v21 =	vor.u32 v1, v16;
	v20 =	vld.idx.msk [tilespmem:v20+s13+$0x0], $0xffff;
	[tilespmem:s5+$0x70] =	vst v22  }
0x69: {  	v22 =	vor.u32 v1, v15;
	v23 =	vld.idx.msk [tilespmem:v23+s13+$0x0], $0xffff;
	[tilespmem:s5+$0xF0] =	vst v26  }
0x6a: {  	v25 =	vor.u32 v1, v14;
	v26 =	vld.idx.msk [tilespmem:v29+s13+$0x0], $0xffff;
	[tilespmem:s5+$0x170] =	vst v28  }
0x6b: {  	v28 =	vor.u32 v1, v13;
	v17 =	vld.idx.msk [tilespmem:v17+s13+$0x0], $0xffff;
	[tilespmem:s5+$0xFFFFFE70] =	vst v12;
	s5 =	sadd.s32 $0x400, s5  }
0x6c: {  	v12 =	vor.u32 v1, v11;
	v24 =	vld.idx.msk [tilespmem:v24+s13+$0x0], $0xffff;
	[tilespmem:s5+$0x180] =	vst v18  }
0x6d: {  	v18 =	vor.u32 v1, v10;
	[tilespmem:s5+$0xFFFFFE80] =	vst v19;
	v19 =	vld.idx.msk [tilespmem:v21+s13+$0x0], $0xffff  }
0x6e: {  	v21 =	vld.idx.msk [tilespmem:v22+s13+$0x0], $0xffff;
	[tilespmem:s5+$0xFFFFFF00] =	vst v20;
	v20 =	vor.u32 v1, v9  }
0x6f: {  	v22 =	vld.idx.msk [tilespmem:v25+s13+$0x0], $0xffff;
	[tilespmem:s5+$0xFFFFFF80] =	vst v23;
	v23 =	vor.u32 v2, v16  }
0x70: {  	v25 =	vor.u32 v1, v8;
	v28 =	vld.idx.msk [tilespmem:v28+s13+$0x0], $0xffff;
	[tilespmem:s5+$0x0] =	vst v26  }
0x71: {  	v26 =	vor.u32 v2, v15;
	v12 =	vld.idx.msk [tilespmem:v12+s13+$0x0], $0xffff;
	[tilespmem:s5+$0x80] =	vst v17  }
0x72: {  	v17 =	vor.u32 v2, v14;
	v18 =	vld.idx.msk [tilespmem:v18+s13+$0x0], $0xffff;
	[tilespmem:s5+$0x100] =	vst v24  }
0x73: {  	v24 =	vor.u32 v2, v13;
	v20 =	vld.idx.msk [tilespmem:v20+s13+$0x0], $0xffff;
	[tilespmem:s5+$0x190] =	vst v19  }
0x74: {  	v19 =	vor.u32 v2, v11;
	[tilespmem:s5+$0xFFFFFE00] =	vst v27;
	v23 =	vld.idx.msk [tilespmem:v23+s13+$0x0], $0xffff  }
0x75: {  	v25 =	vld.idx.msk [tilespmem:v25+s13+$0x0], $0xffff;
	[tilespmem:s5+$0xFFFFFE90] =	vst v21;
	v21 =	vor.u32 v2, v10  }
0x76: {  	v26 =	vld.idx.msk [tilespmem:v26+s13+$0x0], $0xffff;
	[tilespmem:s5+$0xFFFFFF10] =	vst v22;
	v22 =	vor.u32 v3, v16  }
0x77: {  	v27 =	vor.u32 v2, v9;
	v17 =	vld.idx.msk [tilespmem:v17+s13+$0x0], $0xffff;
	[tilespmem:s5+$0xFFFFFF90] =	vst v28  }
0x78: {  	v28 =	vor.u32 v2, v8;
	v24 =	vld.idx.msk [tilespmem:v24+s13+$0x0], $0xffff;
	[tilespmem:s5+$0x10] =	vst v12  }
0x79: {  	v12 =	vor.u32 v3, v15;
	v19 =	vld.idx.msk [tilespmem:v19+s13+$0x0], $0xffff;
	[tilespmem:s5+$0x90] =	vst v18  }
0x7a: {  	v18 =	vor.u32 v3, v14;
	v21 =	vld.idx.msk [tilespmem:v21+s13+$0x0], $0xffff;
	[tilespmem:s5+$0x1A0] =	vst v23  }
0x7b: {  	v23 =	vor.u32 v3, v13;
	[tilespmem:s5+$0x110] =	vst v20;
	v20 =	vld.idx.msk [tilespmem:v22+s13+$0x0], $0xffff  }
0x7c: {  	v22 =	vor.u32 v3, v11;
	[tilespmem:s5+$0xFFFFFE10] =	vst v25;
	v25 =	vld.idx.msk [tilespmem:v27+s13+$0x0], $0xffff  }
0x7d: {  	v27 =	vld.idx.msk [tilespmem:v28+s13+$0x0], $0xffff;
	[tilespmem:s5+$0xFFFFFEA0] =	vst v26;
	v26 =	vor.u32 v4, v16  }
0x7e: {  	v12 =	vld.idx.msk [tilespmem:v12+s13+$0x0], $0xffff;
	[tilespmem:s5+$0xFFFFFF20] =	vst v17;
	v17 =	vor.u32 v3, v10  }
0x7f: {  	v18 =	vld.idx.msk [tilespmem:v18+s13+$0x0], $0xffff;
	[tilespmem:s5+$0xFFFFFFA0] =	vst v24;
	v24 =	vor.u32 v3, v9  }
0x80: {  	v28 =	vor.u32 v3, v8;
	v23 =	vld.idx.msk [tilespmem:v23+s13+$0x0], $0xffff;
	[tilespmem:s5+$0x20] =	vst v19  }
0x81: {  	v19 =	vor.u32 v4, v15;
	v22 =	vld.idx.msk [tilespmem:v22+s13+$0x0], $0xffff;
	[tilespmem:s5+$0x1B0] =	vst v20  }
0x82: {  	v20 =	vor.u32 v4, v14;
	[tilespmem:s5+$0xA0] =	vst v21;
	v21 =	vld.idx.msk [tilespmem:v26+s13+$0x0], $0xffff  }
0x83: {  	v26 =	vor.u32 v4, v13;
	v17 =	vld.idx.msk [tilespmem:v17+s13+$0x0], $0xffff;
	[tilespmem:s5+$0x120] =	vst v25  }
0x84: {  	v25 =	vor.u32 v5, v16;
	[tilespmem:s5+$0xFFFFFE20] =	vst v27;
	v24 =	vld.idx.msk [tilespmem:v24+s13+$0x0], $0xffff  }
0x85: {  	v27 =	vld.idx.msk [tilespmem:v28+s13+$0x0], $0xffff;
	[tilespmem:s5+$0xFFFFFEB0] =	vst v12;
	v12 =	vor.u32 v4, v11  }
0x86: {  	v19 =	vld.idx.msk [tilespmem:v19+s13+$0x0], $0xffff;
	[tilespmem:s5+$0xFFFFFF30] =	vst v18;
	v18 =	vor.u32 v4, v10  }
0x87: {  	v20 =	vld.idx.msk [tilespmem:v20+s13+$0x0], $0xffff;
	[tilespmem:s5+$0xFFFFFFB0] =	vst v23;
	v23 =	vor.u32 v4, v9  }
0x88: {  	v28 =	vor.u32 v4, v8;
	v26 =	vld.idx.msk [tilespmem:v26+s13+$0x0], $0xffff;
	[tilespmem:s5+$0x1C0] =	vst v21  }
0x89: {  	v21 =	vor.u32 v5, v15;
	[tilespmem:s5+$0x30] =	vst v22;
	v22 =	vld.idx.msk [tilespmem:v25+s13+$0x0], $0xffff  }
0x8a: {  	v25 =	vor.u32 v5, v14;
	v12 =	vld.idx.msk [tilespmem:v12+s13+$0x0], $0xffff;
	[tilespmem:s5+$0xB0] =	vst v17  }
0x8b: {  	v17 =	vld.idx.msk [tilespmem:v18+s13+$0x0], $0xffff;
	[tilespmem:s5+$0x130] =	vst v24;
	v18 =	vor.u32 v6, v16  }
0x8c: {  	v24 =	vor.u32 v5, v13;
	[tilespmem:s5+$0xFFFFFE30] =	vst v27;
	v23 =	vld.idx.msk [tilespmem:v23+s13+$0x0], $0xffff  }
0x8d: {  	v27 =	vld.idx.msk [tilespmem:v28+s13+$0x0], $0xffff;
	[tilespmem:s5+$0xFFFFFEC0] =	vst v19;
	v19 =	vor.u32 v5, v11  }
0x8e: {  	v21 =	vld.idx.msk [tilespmem:v21+s13+$0x0], $0xffff;
	[tilespmem:s5+$0xFFFFFF40] =	vst v20;
	v20 =	vor.u32 v5, v10  }
0x8f: {  	v28 =	vor.u32 v5, v9;
	v25 =	vld.idx.msk [tilespmem:v25+s13+$0x0], $0xffff;
	[tilespmem:s5+$0x1D0] =	vst v22  }
0x90: {  	v22 =	vor.u32 v5, v8;
	[tilespmem:s5+$0xFFFFFFC0] =	vst v26;
	v18 =	vld.idx.msk [tilespmem:v18+s13+$0x0], $0xffff  }
0x91: {  	v26 =	vor.u32 v6, v15;
	v24 =	vld.idx.msk [tilespmem:v24+s13+$0x0], $0xffff;
	[tilespmem:s5+$0x40] =	vst v12  }
0x92: {  	v16 =	vor.u32 v7, v16;
	v19 =	vld.idx.msk [tilespmem:v19+s13+$0x0], $0xffff;
	[tilespmem:s5+$0xC0] =	vst v17  }
0x93: {  	v29 =	vor.u32 v6, v14;
	v20 =	vld.idx.msk [tilespmem:v20+s13+$0x0], $0xffff;
	[tilespmem:s5+$0x140] =	vst v23  }
0x94: {  	v23 =	vor.u32 v6, v13;
	[tilespmem:s5+$0xFFFFFE40] =	vst v27;
	v30 =	vld.idx.msk [tilespmem:v28+s13+$0x0], $0xffff  }
0x95: {  	v12 =	vmov s11;
	v31 =	vld.idx.msk [tilespmem:v22+s13+$0x0], $0xffff;
	[tilespmem:s5+$0xFFFFFED0] =	vst v21;
	v22 =	vor.u32 v6, v11  }
0x96: {  	v12 =	vand.u32 $0x78, v12;
	v17 =	vld.idx.msk [tilespmem:v26+s13+$0x0], $0xffff;
	v26 =	vor.u32 v6, v10;
	[tilespmem:s5+$0x1E0] =	vst v18  }
0x97: {  	v32 =	vor.u32 v6, v9;
	v12 =	vbroadcast v12, $0x0;
	[tilespmem:s5+$0xFFFFFF50] =	vst v25;
	v27 =	vld.idx.msk [tilespmem:v16+s13+$0x0], $0xffff  }
.Ltmp0:
0x98: {  	v28 =	vor.u32 v6, v8;
	v21 =	vld.idx.msk [tilespmem:v29+s13+$0x0], $0xffff;
	[tilespmem:s5+$0xFFFFFFD0] =	vst v24;
	(pc) =	sbr.rel @p1 .LBB2_3-.Ltmp0, $4  }
0x99: {  	v16 =	vor.u32 v0, v12;
	v18 =	vld.idx.msk [tilespmem:v23+s13+$0x0], $0xffff;
	[tilespmem:s5+$0x50] =	vst v19  }
0x9a: {  	s17 =	sadd.s32 $0x2, s11;
	s1 =	sadd.s32 $0x1, s11;
	v24 =	vor.u32 v7, v15;
	v19 =	vld.idx.msk [tilespmem:v22+s13+$0x0], $0xffff;
	[tilespmem:s5+$0xD0] =	vst v20  }
0x9b: {  	v14 =	vor.u32 v7, v14;
	v25 =	vmov s17;
	s17 =	sadd.s32 $0x4, s11;
	v15 =	vmov s1;
	s1 =	sadd.s32 $0x3, s11;
	v20 =	vld.idx.msk [tilespmem:v26+s13+$0x0], $0xffff;
	[tilespmem:s5+$0x150] =	vst v30  }
0x9c: {  	s30 =	sadd.s32 $0x5, s10;
	v13 =	vor.u32 v7, v13;
	s11 =	sadd.s32 $0x8, s11;
	v22 =	vmov s17;
	s17 =	sadd.s32 $0x7, s10;
	v26 =	vmov s1;
	[tilespmem:s5+$0xFFFFFE50] =	vst v31;
	v23 =	vld.idx.msk [tilespmem:v32+s13+$0x0], $0xffff  }
0x9d: {  	_ =	sdelay $0x2  }
0x9e: {  	[tilespmem:s5+$0x1F0] =	vst v27;
	v27 =	vmov s30  }
0x9f: {  	s1 =	sadd.s32 $0x6, s10;
	v29 =	vmov s17;
	v11 =	vor.u32 v7, v11;
	[tilespmem:s5+$0xFFFFFEE0] =	vst v17;
	v17 =	vld.idx.msk [tilespmem:v28+s13+$0x0], $0xffff;
	v30 =	vor.u32 v7, v10  }
0xa0: {  	[tilespmem:s5+$0xFFFFFF60] =	vst v21;
	v10 =	vand.u32 $0x79, v15;
	v16 =	vld.idx.msk [tilespmem:v16+s13+$0x0], $0xffff;
	v28 =	vmov s1;
	v29 =	vand.u32 $0x7F, v29  }
0xa1: {  	v21 =	vld.idx.msk [tilespmem:v24+s13+$0x0], $0xffff;
	v24 =	vor.u32 v7, v9;
	[tilespmem:s5+$0xFFFFFFE0] =	vst v18;
	v9 =	vbroadcast v10, $0x0;
	v10 =	vand.u32 $0x7A, v25  }
0xa2: {  	v18 =	vor.u32 v7, v8;
	v25 =	vld.idx.msk [tilespmem:v14+s13+$0x0], $0xffff;
	v15 =	vbroadcast v29, $0x0;
	[tilespmem:s5+$0x60] =	vst v19;
	v8 =	vbroadcast v10, $0x0  }
0xa3: {  	v10 =	vand.u32 $0x7B, v26;
	v26 =	vld.idx.msk [tilespmem:v13+s13+$0x0], $0xffff;
	v13 =	vand.u32 $0x7C, v22;
	[tilespmem:s5+$0xE0] =	vst v20;
	v20 =	vor.u32 v0, v9  }
0xa4: {  	v14 =	vand.u32 $0x7E, v28;
	v10 =	vbroadcast v10, $0x0;
	v19 =	vor.u32 v0, v15;
	[tilespmem:s5+$0x160] =	vst v23;
	v22 =	vld.idx.msk [tilespmem:v11+s13+$0x0], $0xffff  }
0xa5: {  	s11 =	sadd.s32 $0x400, s5;
	v23 =	vor.u32 v0, v8;
	v11 =	vbroadcast v13, $0x0;
	v13 =	vand.u32 $0x7D, v27;
	v27 =	vld.idx.msk [tilespmem:v30+s13+$0x0], $0xffff;
	[tilespmem:s5+$0xFFFFFE60] =	vst v17  }
0xa6: {  	v14 =	vbroadcast v14, $0x0;
	v17 =	vor.u32 v0, v10;
	[tilespmem:s11+$0xFFFFFE00] =	vst v16;
	v24 =	vld.idx.msk [tilespmem:v24+s13+$0x0], $0xffff  }
0xa7: {  	v13 =	vbroadcast v13, $0x0;
	[tilespmem:s5+$0xFFFFFEF0] =	vst v21;
	v18 =	vld.idx.msk [tilespmem:v18+s13+$0x0], $0xffff;
	v21 =	vor.u32 v0, v11  }
0xa8: {  	[tilespmem:s5+$0xFFFFFFF0] =	vst v26;
	v26 =	vor.u32 v0, v14;
	v20 =	vld.idx.msk [tilespmem:v20+s13+$0x0], $0xffff  }
0xa9: {  	[tilespmem:s5+$0xFFFFFF70] =	vst v25;
	v25 =	vor.u32 v0, v13;
	v19 =	vld.idx.msk [tilespmem:v19+s13+$0x0], $0xffff  }
0xaa: {  	[tilespmem:s5+$0x70] =	vst v22;
	v22 =	vld.idx.msk [tilespmem:v23+s13+$0x0], $0xffff;
	v23 =	vor.u32 v1, v15  }
0xab: {  	v17 =	vld.idx.msk [tilespmem:v17+s13+$0x0], $0xffff;
	[tilespmem:s5+$0x170] =	vst v24;
	v24 =	vor.u32 v1, v9  }
0xac: {  	[tilespmem:s5+$0xFFFFFE70] =	vst v18;
	v18 =	vor.u32 v1, v8;
	v21 =	vld.idx.msk [tilespmem:v21+s13+$0x0], $0xffff  }
0xad: {  	v26 =	vld.idx.msk [tilespmem:v26+s13+$0x0], $0xffff;
	[tilespmem:s11+$0xFFFFFE80] =	vst v20;
	v20 =	vor.u32 v1, v11  }
0xae: {  	v25 =	vld.idx.msk [tilespmem:v25+s13+$0x0], $0xffff;
	[tilespmem:s11+$0x180] =	vst v19;
	v19 =	vor.u32 v1, v10  }
0xaf: {  	v23 =	vld.idx.msk [tilespmem:v23+s13+$0x0], $0xffff;
	[tilespmem:s11+$0xFFFFFF00] =	vst v22;
	v22 =	vor.u32 v1, v13  }
0xb0: {  	[tilespmem:s11+$0xFFFFFF80] =	vst v17;
	v17 =	vld.idx.msk [tilespmem:v24+s13+$0x0], $0xffff;
	v24 =	vor.u32 v2, v15  }
0xb1: {  	v18 =	vld.idx.msk [tilespmem:v18+s13+$0x0], $0xffff;
	[tilespmem:s11+$0x0] =	vst v21;
	v21 =	vor.u32 v1, v14  }
0xb2: {  	[tilespmem:s11+$0x100] =	vst v26;
	v26 =	vor.u32 v2, v9;
	v20 =	vld.idx.msk [tilespmem:v20+s13+$0x0], $0xffff  }
0xb3: {  	[tilespmem:s11+$0x80] =	vst v25;
	v25 =	vor.u32 v1, v12;
	v19 =	vld.idx.msk [tilespmem:v19+s13+$0x0], $0xffff  }
0xb4: {  	[tilespmem:s11+$0x190] =	vst v23;
	v22 =	vld.idx.msk [tilespmem:v22+s13+$0x0], $0xffff  }
0xb5: {  	[tilespmem:s5+$0xF0] =	vst v27;
	v23 =	vor.u32 v2, v8;
	v24 =	vld.idx.msk [tilespmem:v24+s13+$0x0], $0xffff  }
0xb6: {  	v16 =	vor.u32 v2, v10;
	[tilespmem:s11+$0xFFFFFE90] =	vst v17;
	v17 =	vld.idx.msk [tilespmem:v21+s13+$0x0], $0xffff  }
0xb7: {  	[tilespmem:s11+$0xFFFFFF10] =	vst v18;
	v21 =	vor.u32 v2, v11;
	v26 =	vld.idx.msk [tilespmem:v26+s13+$0x0], $0xffff  }
0xb8: {  	v18 =	vld.idx.msk [tilespmem:v25+s13+$0x0], $0xffff;
	v25 =	vor.u32 v3, v15;
	[tilespmem:s11+$0x10] =	vst v20  }
0xb9: {  	[tilespmem:s11+$0xFFFFFF90] =	vst v19;
	v19 =	vor.u32 v2, v13  }
0xba: {  	v20 =	vld.idx.msk [tilespmem:v23+s13+$0x0], $0xffff;
	v23 =	vor.u32 v2, v14;
	[tilespmem:s11+$0x90] =	vst v22  }
0xbb: {  	v22 =	vor.u32 v2, v12;
	v16 =	vld.idx.msk [tilespmem:v16+s13+$0x0], $0xffff;
	[tilespmem:s11+$0x1A0] =	vst v24  }
0xbc: {  	v24 =	vor.u32 v3, v9;
	v21 =	vld.idx.msk [tilespmem:v21+s13+$0x0], $0xffff;
	[tilespmem:s11+$0x110] =	vst v17  }
0xbd: {  	v17 =	vor.u32 v3, v8;
	[tilespmem:s11+$0xFFFFFEA0] =	vst v26;
	v25 =	vld.idx.msk [tilespmem:v25+s13+$0x0], $0xffff  }
0xbe: {  	[tilespmem:s11+$0xFFFFFE10] =	vst v18;
	v18 =	vld.idx.msk [tilespmem:v19+s13+$0x0], $0xffff;
	v19 =	vor.u32 v3, v10  }
0xbf: {  	v26 =	vor.u32 v4, v15;
	v23 =	vld.idx.msk [tilespmem:v23+s13+$0x0], $0xffff;
	[tilespmem:s11+$0xFFFFFF20] =	vst v20  }
0xc0: {  	v20 =	vor.u32 v3, v11;
	v22 =	vld.idx.msk [tilespmem:v22+s13+$0x0], $0xffff;
	[tilespmem:s11+$0xFFFFFFA0] =	vst v16  }
0xc1: {  	v16 =	vld.idx.msk [tilespmem:v24+s13+$0x0], $0xffff;
	v24 =	vor.u32 v3, v13;
	[tilespmem:s11+$0x20] =	vst v21  }
0xc2: {  	v17 =	vld.idx.msk [tilespmem:v17+s13+$0x0], $0xffff;
	v21 =	vor.u32 v3, v14;
	[tilespmem:s11+$0x1B0] =	vst v25  }
0xc3: {  	v25 =	vor.u32 v3, v12;
	v19 =	vld.idx.msk [tilespmem:v19+s13+$0x0], $0xffff;
	[tilespmem:s11+$0xA0] =	vst v18  }
0xc4: {  	v18 =	vor.u32 v4, v9;
	v26 =	vld.idx.msk [tilespmem:v26+s13+$0x0], $0xffff;
	[tilespmem:s11+$0x120] =	vst v23  }
0xc5: {  	v20 =	vld.idx.msk [tilespmem:v20+s13+$0x0], $0xffff;
	v23 =	vor.u32 v4, v8;
	[tilespmem:s11+$0xFFFFFE20] =	vst v22  }
0xc6: {  	v22 =	vld.idx.msk [tilespmem:v24+s13+$0x0], $0xffff;
	v24 =	vor.u32 v5, v15;
	[tilespmem:s11+$0xFFFFFEB0] =	vst v16  }
0xc7: {  	v16 =	vor.u32 v4, v10;
	v21 =	vld.idx.msk [tilespmem:v21+s13+$0x0], $0xffff;
	[tilespmem:s11+$0xFFFFFF30] =	vst v17  }
0xc8: {  	v17 =	vld.idx.msk [tilespmem:v25+s13+$0x0], $0xffff;
	v25 =	vor.u32 v4, v11;
	[tilespmem:s11+$0xFFFFFFB0] =	vst v19  }
0xc9: {  	v18 =	vld.idx.msk [tilespmem:v18+s13+$0x0], $0xffff;
	v19 =	vor.u32 v4, v13;
	[tilespmem:s11+$0x1C0] =	vst v26  }
0xca: {  	v26 =	vor.u32 v4, v14;
	v23 =	vld.idx.msk [tilespmem:v23+s13+$0x0], $0xffff;
	[tilespmem:s11+$0x30] =	vst v20  }
0xcb: {  	v20 =	vor.u32 v4, v12;
	v24 =	vld.idx.msk [tilespmem:v24+s13+$0x0], $0xffff;
	[tilespmem:s11+$0xB0] =	vst v22  }
0xcc: {  	v16 =	vld.idx.msk [tilespmem:v16+s13+$0x0], $0xffff;
	v22 =	vor.u32 v5, v9;
	[tilespmem:s11+$0x130] =	vst v21  }
0xcd: {  	v21 =	vld.idx.msk [tilespmem:v25+s13+$0x0], $0xffff;
	v25 =	vor.u32 v6, v15;
	[tilespmem:s11+$0xFFFFFE30] =	vst v17  }
0xce: {  	v17 =	vor.u32 v5, v8;
	v19 =	vld.idx.msk [tilespmem:v19+s13+$0x0], $0xffff;
	[tilespmem:s11+$0xFFFFFEC0] =	vst v18  }
0xcf: {  	v18 =	vor.u32 v5, v10;
	v26 =	vld.idx.msk [tilespmem:v26+s13+$0x0], $0xffff;
	[tilespmem:s11+$0xFFFFFF40] =	vst v23  }
0xd0: {  	v20 =	vld.idx.msk [tilespmem:v20+s13+$0x0], $0xffff;
	v23 =	vor.u32 v5, v11;
	[tilespmem:s11+$0x1D0] =	vst v24  }
0xd1: {  	v22 =	vld.idx.msk [tilespmem:v22+s13+$0x0], $0xffff;
	v24 =	vor.u32 v5, v13;
	[tilespmem:s11+$0xFFFFFFC0] =	vst v16  }
0xd2: {  	v16 =	vor.u32 v5, v14;
	v25 =	vld.idx.msk [tilespmem:v25+s13+$0x0], $0xffff;
	[tilespmem:s11+$0x40] =	vst v21  }
0xd3: {  	v17 =	vld.idx.msk [tilespmem:v17+s13+$0x0], $0xffff;
	v21 =	vor.u32 v5, v12;
	[tilespmem:s11+$0xC0] =	vst v19  }
0xd4: {  	v15 =	vor.u32 v7, v15;
	v18 =	vld.idx.msk [tilespmem:v18+s13+$0x0], $0xffff;
	[tilespmem:s11+$0x140] =	vst v26  }
0xd5: {  	v19 =	vor.u32 v6, v9;
	v23 =	vld.idx.msk [tilespmem:v23+s13+$0x0], $0xffff;
	[tilespmem:s11+$0xFFFFFE40] =	vst v20  }
0xd6: {  	v20 =	vor.u32 v6, v8;
	v24 =	vld.idx.msk [tilespmem:v24+s13+$0x0], $0xffff;
	[tilespmem:s11+$0xFFFFFED0] =	vst v22  }
0xd7: {  	v22 =	vor.u32 v6, v10;
	v16 =	vld.idx.msk [tilespmem:v16+s13+$0x0], $0xffff;
	[tilespmem:s11+$0x1E0] =	vst v25  }
0xd8: {  	v21 =	vld.idx.msk [tilespmem:v21+s13+$0x0], $0xffff;
	v25 =	vor.u32 v6, v11;
	[tilespmem:s11+$0xFFFFFF50] =	vst v17  }
0xd9: {  	v17 =	vor.u32 v6, v13;
	v15 =	vld.idx.msk [tilespmem:v15+s13+$0x0], $0xffff;
	[tilespmem:s11+$0xFFFFFFD0] =	vst v18  }
0xda: {  	v18 =	vld.idx.msk [tilespmem:v19+s13+$0x0], $0xffff;
	v19 =	vor.u32 v6, v14;
	[tilespmem:s11+$0x50] =	vst v23  }
0xdb: {  	v23 =	vor.u32 v6, v12;
	v20 =	vld.idx.msk [tilespmem:v20+s13+$0x0], $0xffff;
	[tilespmem:s11+$0xD0] =	vst v24  }
0xdc: {  	v9 =	vor.u32 v7, v9;
	v22 =	vld.idx.msk [tilespmem:v22+s13+$0x0], $0xffff;
	[tilespmem:s11+$0x150] =	vst v16  }
0xdd: {  	v8 =	vor.u32 v7, v8;
	v16 =	vld.idx.msk [tilespmem:v25+s13+$0x0], $0xffff;
	[tilespmem:s11+$0xFFFFFE50] =	vst v21  }
0xde: {  	v10 =	vor.u32 v7, v10;
	v17 =	vld.idx.msk [tilespmem:v17+s13+$0x0], $0xffff;
	[tilespmem:s11+$0x1F0] =	vst v15  }
0xdf: {  	v11 =	vor.u32 v7, v11;
	v15 =	vld.idx.msk [tilespmem:v19+s13+$0x0], $0xffff;
	[tilespmem:s11+$0xFFFFFEE0] =	vst v18  }
0xe0: {  	v13 =	vor.u32 v7, v13;
	v18 =	vld.idx.msk [tilespmem:v23+s13+$0x0], $0xffff;
	[tilespmem:s11+$0xFFFFFF60] =	vst v20  }
0xe1: {  	v14 =	vor.u32 v7, v14;
	v9 =	vld.idx.msk [tilespmem:v9+s13+$0x0], $0xffff;
	[tilespmem:s11+$0xFFFFFFE0] =	vst v22  }
0xe2: {  	v12 =	vor.u32 v7, v12;
	v8 =	vld.idx.msk [tilespmem:v8+s13+$0x0], $0xffff;
	[tilespmem:s11+$0x60] =	vst v16  }
0xe3: {  	v10 =	vld.idx.msk [tilespmem:v10+s13+$0x0], $0xffff;
	[tilespmem:s11+$0xE0] =	vst v17  }
0xe4: {  	v11 =	vld.idx.msk [tilespmem:v11+s13+$0x0], $0xffff;
	[tilespmem:s11+$0x160] =	vst v15  }
0xe5: {  	v13 =	vld.idx.msk [tilespmem:v13+s13+$0x0], $0xffff;
	[tilespmem:s11+$0xFFFFFE60] =	vst v18  }
0xe6: {  	v14 =	vld.idx.msk [tilespmem:v14+s13+$0x0], $0xffff;
	[tilespmem:s11+$0xFFFFFEF0] =	vst v9  }
0xe7: {  	v9 =	vld.idx.msk [tilespmem:v12+s13+$0x0], $0xffff;
	[tilespmem:s11+$0xFFFFFF70] =	vst v8  }
0xe8: {  	[tilespmem:s11+$0xFFFFFFF0] =	vst v10  }
0xe9: {  	[tilespmem:s11+$0x70] =	vst v11  }
0xea: {  	s17 =	sadd.s32 $0x1, s3;
	p1 =	seq.s32 s3, $0x31;
	[tilespmem:s11+$0xF0] =	vst v13  }
0xeb: {  	s3 =	sshll.u32 s3, $0x14;
	s1 =	sshll.u32 @!p1 s17, $0x9;
	s10 =	simm.s32 @!p1 $0x6400;
	[tilespmem:s11+$0x170] =	vst v14  }
0xec: {  	s5 =	sand.u32 @!p1 $0x3FFFFE00, s1;
	s1 =	simm.s32 @!p1 $0x80;
	[tilespmem:s11+$0xFFFFFE70] =	vst v9;
	s11 =	sor.u32 s6, s3  }
0xed: {  	[tilespmem:s10], [sflag:$0x1] =	stream.indirect.gather @!p1 [hbm4b:s4+s1], $0x80, s5, s1, $0xb8;
	[tilespmem:$0x1E400] =	vst v63  }
0xee: {  	s10 =	simm.s32 $0x0;
	s11 =	sshrl.u32 s11, $0x3  }
0xef: {  	v8 =	vmov s10;
	s1 =	sadd.s32 s2, s11;
	s10 =	simm.s32 $0x2;
	s11 =	simm.s32 $0x7  }
0xf0: {  	[hbm4b:s1+s20] =	stream.strided.scatter [tilespmem:s22], [sflag:$0x5], $0x2000, s21, s20, $0x38;
	[tilespmem:$0x1E400] =	vst v63  }
0xf1: {  	v8 =	vand.u32 $0x78, v8;
	s1 =	simm.s32 $0x1;
	v11 =	vmov s10;
	s10 =	simm.s32 $0x4;
	v12 =	vmov s11  }
0xf2: {  	s11 =	simm.s32 $0x6;
	v8 =	vbroadcast v8, $0x0;
	v10 =	vmov s1;
	s1 =	simm.s32 $0x3;
	v16 =	vmov s10  }
0xf3: {  	s10 =	simm.s32 $0x5;
	v12 =	vand.u32 $0x7F, v12;
	v18 =	vmov s11;
	v13 =	vmov s1  }
0xf4: {  	_ =	swait.ge [sflag:s23], $0x4000;
	v17 =	vmov s10;
	v10 =	vand.u32 $0x79, v10;
	v12 =	vbroadcast v12, $0x0  }
0xf5: {  	[sflag:s23] =	ssyncset.done $0x0;
	v9 =	vor.u32 v0, v8;
	v15 =	vbroadcast v10, $0x0;
	v10 =	vand.u32 $0x7A, v11  }
0xf6: {  	s1 =	simm.s32 @!p0 $0x6;
	[sflag:s23] =	ssyncadd.s32 $0xFFFFC000;
	v14 =	vbroadcast v10, $0x0;
	v10 =	vand.u32 $0x7B, v13;
	v19 =	vor.u32 v0, v12  }
0xf7: {  	_ =	swait.ge @!p0 [sflag:s1], $0x2000;
	v20 =	vor.u32 v0, v15;
	v13 =	vbroadcast v10, $0x0;
	v10 =	vand.u32 $0x7C, v16  }
0xf8: {  	[sflag:s1] =	ssyncset.done @!p0 $0x0;
	v16 =	vor.u32 v0, v14;
	v11 =	vbroadcast v10, $0x0;
	v10 =	vand.u32 $0x7D, v17  }
0xf9: {  	v18 =	vand.u32 $0x7E, v18;
	[sflag:s1] =	ssyncadd.s32 @!p0 $0xFFFFE000;
	v17 =	vor.u32 v0, v13;
	v10 =	vbroadcast v10, $0x0  }
0xfa: {  	v21 =	vld.idx.msk [tilespmem:v9+s14+$0x0], $0xffff;
	v22 =	vor.u32 v0, v11;
	v9 =	vbroadcast v18, $0x0  }
0xfb: {  	v18 =	vor.u32 v0, v10;
	v19 =	vld.idx.msk [tilespmem:v19+s14+$0x0], $0xffff  }
0xfc: {  	v20 =	vld.idx.msk [tilespmem:v20+s14+$0x0], $0xffff;
	v23 =	vor.u32 v0, v9  }
0xfd: {  	v24 =	vor.u32 v1, v12;
	v16 =	vld.idx.msk [tilespmem:v16+s14+$0x0], $0xffff  }
0xfe: {  	v25 =	vor.u32 v1, v15;
	v17 =	vld.idx.msk [tilespmem:v17+s14+$0x0], $0xffff  }
0xff: {  	s10 =	simm.s32 $0x18600;
	v26 =	vor.u32 v1, v14;
	v22 =	vld.idx.msk [tilespmem:v22+s14+$0x0], $0xffff  }
0x100: {  	v27 =	vor.u32 v1, v13;
	[tilespmem:s10+$0xFFFFFE00] =	vst v21;
	v18 =	vld.idx.msk [tilespmem:v18+s14+$0x0], $0xffff  }
0x101: {  	v28 =	vor.u32 v1, v11;
	[tilespmem:s10+$0x180] =	vst v19;
	v23 =	vld.idx.msk [tilespmem:v23+s14+$0x0], $0xffff  }
0x102: {  	v19 =	vor.u32 v1, v10;
	[tilespmem:s10+$0xFFFFFE80] =	vst v20;
	v20 =	vld.idx.msk [tilespmem:v24+s14+$0x0], $0xffff  }
0x103: {  	v24 =	vld.idx.msk [tilespmem:v25+s14+$0x0], $0xffff;
	[tilespmem:s10+$0xFFFFFF00] =	vst v16;
	v16 =	vor.u32 v1, v9  }
0x104: {  	v25 =	vld.idx.msk [tilespmem:v26+s14+$0x0], $0xffff;
	[tilespmem:s10+$0xFFFFFF80] =	vst v17;
	v17 =	vor.u32 v2, v12  }
0x105: {  	v26 =	vor.u32 v1, v8;
	v27 =	vld.idx.msk [tilespmem:v27+s14+$0x0], $0xffff;
	[tilespmem:s10+$0x0] =	vst v22  }
0x106: {  	v22 =	vor.u32 v2, v15;
	v28 =	vld.idx.msk [tilespmem:v28+s14+$0x0], $0xffff;
	[tilespmem:s10+$0x80] =	vst v18  }
0x107: {  	v18 =	vor.u32 v2, v14;
	v19 =	vld.idx.msk [tilespmem:v19+s14+$0x0], $0xffff;
	[tilespmem:s10+$0x100] =	vst v23  }
0x108: {  	v23 =	vor.u32 v2, v13;
	[tilespmem:s10+$0x190] =	vst v20;
	v16 =	vld.idx.msk [tilespmem:v16+s14+$0x0], $0xffff  }
0x109: {  	v20 =	vor.u32 v2, v11;
	[tilespmem:s10+$0xFFFFFE90] =	vst v24;
	v17 =	vld.idx.msk [tilespmem:v17+s14+$0x0], $0xffff  }
0x10a: {  	v24 =	vor.u32 v2, v10;
	v21 =	vld.idx.msk [tilespmem:v26+s14+$0x0], $0xffff;
	[tilespmem:s10+$0xFFFFFF10] =	vst v25  }
0x10b: {  	v25 =	vor.u32 v3, v12;
	v22 =	vld.idx.msk [tilespmem:v22+s14+$0x0], $0xffff;
	[tilespmem:s10+$0xFFFFFF90] =	vst v27  }
0x10c: {  	v26 =	vor.u32 v2, v9;
	v18 =	vld.idx.msk [tilespmem:v18+s14+$0x0], $0xffff;
	[tilespmem:s10+$0x10] =	vst v28  }
0x10d: {  	v27 =	vor.u32 v2, v8;
	v23 =	vld.idx.msk [tilespmem:v23+s14+$0x0], $0xffff;
	[tilespmem:s10+$0x90] =	vst v19  }
0x10e: {  	v28 =	vor.u32 v3, v15;
	v20 =	vld.idx.msk [tilespmem:v20+s14+$0x0], $0xffff;
	[tilespmem:s10+$0x110] =	vst v16  }
0x10f: {  	v19 =	vor.u32 v3, v14;
	v24 =	vld.idx.msk [tilespmem:v24+s14+$0x0], $0xffff;
	[tilespmem:s10+$0x1A0] =	vst v17  }
0x110: {  	v17 =	vor.u32 v3, v13;
	[tilespmem:s10+$0xFFFFFE10] =	vst v21;
	v16 =	vld.idx.msk [tilespmem:v25+s14+$0x0], $0xffff  }
0x111: {  	v21 =	vor.u32 v3, v11;
	v25 =	vld.idx.msk [tilespmem:v26+s14+$0x0], $0xffff;
	[tilespmem:s10+$0xFFFFFEA0] =	vst v22  }
0x112: {  	v26 =	vld.idx.msk [tilespmem:v27+s14+$0x0], $0xffff;
	v22 =	vor.u32 v4, v12;
	[tilespmem:s10+$0xFFFFFF20] =	vst v18  }
0x113: {  	v27 =	vld.idx.msk [tilespmem:v28+s14+$0x0], $0xffff;
	v18 =	vor.u32 v3, v10;
	[tilespmem:s10+$0xFFFFFFA0] =	vst v23  }
0x114: {  	v28 =	vor.u32 v3, v8;
	v19 =	vld.idx.msk [tilespmem:v19+s14+$0x0], $0xffff;
	[tilespmem:s10+$0x20] =	vst v20  }
0x115: {  	v23 =	vor.u32 v3, v9;
	[tilespmem:s10+$0xA0] =	vst v24;
	v17 =	vld.idx.msk [tilespmem:v17+s14+$0x0], $0xffff  }
0x116: {  	v20 =	vor.u32 v4, v15;
	v21 =	vld.idx.msk [tilespmem:v21+s14+$0x0], $0xffff;
	[tilespmem:s10+$0x1B0] =	vst v16  }
0x117: {  	v16 =	vor.u32 v4, v14;
	[tilespmem:s10+$0x120] =	vst v25;
	v22 =	vld.idx.msk [tilespmem:v22+s14+$0x0], $0xffff  }
0x118: {  	v24 =	vor.u32 v4, v13;
	[tilespmem:s10+$0xFFFFFE20] =	vst v26;
	v18 =	vld.idx.msk [tilespmem:v18+s14+$0x0], $0xffff  }
0x119: {  	v26 =	vld.idx.msk [tilespmem:v28+s14+$0x0], $0xffff;
	[tilespmem:s10+$0xFFFFFEB0] =	vst v27;
	v27 =	vor.u32 v4, v11  }
0x11a: {  	v25 =	vor.u32 v5, v12;
	v23 =	vld.idx.msk [tilespmem:v23+s14+$0x0], $0xffff;
	[tilespmem:s10+$0xFFFFFF30] =	vst v19  }
0x11b: {  	v20 =	vld.idx.msk [tilespmem:v20+s14+$0x0], $0xffff;
	v19 =	vor.u32 v4, v10;
	[tilespmem:s10+$0xFFFFFFB0] =	vst v17  }
0x11c: {  	v28 =	vor.u32 v4, v8;
	[tilespmem:s10+$0x30] =	vst v21;
	v16 =	vld.idx.msk [tilespmem:v16+s14+$0x0], $0xffff  }
0x11d: {  	v17 =	vor.u32 v4, v9;
	v24 =	vld.idx.msk [tilespmem:v24+s14+$0x0], $0xffff;
	[tilespmem:s10+$0x1C0] =	vst v22  }
0x11e: {  	v22 =	vor.u32 v5, v15;
	v27 =	vld.idx.msk [tilespmem:v27+s14+$0x0], $0xffff;
	[tilespmem:s10+$0xB0] =	vst v18  }
0x11f: {  	[tilespmem:s10+$0xFFFFFE30] =	vst v26;
	v21 =	vld.idx.msk [tilespmem:v25+s14+$0x0], $0xffff;
	v25 =	vor.u32 v5, v14  }
0x120: {  	v18 =	vld.idx.msk [tilespmem:v19+s14+$0x0], $0xffff;
	[tilespmem:s10+$0x130] =	vst v23;
	v23 =	vor.u32 v5, v13  }
0x121: {  	v19 =	vor.u32 v6, v12;
	v26 =	vld.idx.msk [tilespmem:v28+s14+$0x0], $0xffff  }
0x122: {  	[tilespmem:s10+$0xFFFFFEC0] =	vst v20;
	v20 =	vor.u32 v5, v11;
	v17 =	vld.idx.msk [tilespmem:v17+s14+$0x0], $0xffff  }
0x123: {  	[tilespmem:s10+$0xFFFFFF40] =	vst v16;
	v16 =	vor.u32 v5, v10;
	v22 =	vld.idx.msk [tilespmem:v22+s14+$0x0], $0xffff  }
0x124: {  	v28 =	vor.u32 v5, v9;
	[tilespmem:s10+$0xFFFFFFC0] =	vst v24;
	v25 =	vld.idx.msk [tilespmem:v25+s14+$0x0], $0xffff  }
0x125: {  	[tilespmem:s10+$0x1D0] =	vst v21;
	v21 =	vor.u32 v5, v8;
	v23 =	vld.idx.msk [tilespmem:v23+s14+$0x0], $0xffff  }
0x126: {  	v24 =	vor.u32 v6, v15;
	[tilespmem:s10+$0x40] =	vst v27;
	v19 =	vld.idx.msk [tilespmem:v19+s14+$0x0], $0xffff  }
0x127: {  	v12 =	vor.u32 v7, v12;
	v20 =	vld.idx.msk [tilespmem:v20+s14+$0x0], $0xffff;
	[tilespmem:s10+$0xC0] =	vst v18  }
0x128: {  	v18 =	vor.u32 v6, v14;
	[tilespmem:s10+$0x140] =	vst v17;
	v29 =	vld.idx.msk [tilespmem:v16+s14+$0x0], $0xffff  }
0x129: {  	s11 =	simm.s32 $0x8;
	[tilespmem:s10+$0xFFFFFE40] =	vst v26;
	v16 =	vor.u32 v6, v13;
	v26 =	vld.idx.msk [tilespmem:v28+s14+$0x0], $0xffff  }
0x12a: {  	[tilespmem:s10+$0xFFFFFED0] =	vst v22;
	v22 =	vor.u32 v6, v11;
	v30 =	vld.idx.msk [tilespmem:v21+s14+$0x0], $0xffff;
	v21 =	vmov s11  }
0x12b: {  	v31 =	vor.u32 v6, v10;
	v17 =	vld.idx.msk [tilespmem:v24+s14+$0x0], $0xffff;
	[tilespmem:s10+$0x1E0] =	vst v19;
	v19 =	vand.u32 $0x78, v21  }
0x12c: {  	v32 =	vor.u32 v6, v9;
	[tilespmem:s10+$0xFFFFFF50] =	vst v25;
	v27 =	vld.idx.msk [tilespmem:v12+s14+$0x0], $0xffff;
	v12 =	vbroadcast v19, $0x0  }
0x12d: {  	v28 =	vor.u32 v6, v8;
	[tilespmem:s10+$0xFFFFFFD0] =	vst v23;
	v21 =	vld.idx.msk [tilespmem:v18+s14+$0x0], $0xffff  }
0x12e: {  	[tilespmem:s10+$0x50] =	vst v20;
	v18 =	vld.idx.msk [tilespmem:v16+s14+$0x0], $0xffff;
	v16 =	vor.u32 v0, v12  }
0x12f: {  	s30 =	simm.s32 $0xA;
	s1 =	simm.s32 $0x9;
	v24 =	vor.u32 v7, v15;
	[tilespmem:s10+$0xD0] =	vst v29;
	v19 =	vld.idx.msk [tilespmem:v22+s14+$0x0], $0xffff  }
0x130: {  	v14 =	vor.u32 v7, v14;
	v15 =	vmov s1;
	v25 =	vmov s30;
	s1 =	simm.s32 $0xB;
	s30 =	simm.s32 $0xC;
	[tilespmem:s10+$0x150] =	vst v26;
	v20 =	vld.idx.msk [tilespmem:v31+s14+$0x0], $0xffff  }
0x131: {  	s31 =	simm.s32 $0xF;
	v13 =	vor.u32 v7, v13;
	v26 =	vmov s1;
	s1 =	simm.s32 $0xD;
	v22 =	vmov s30;
	s30 =	simm.s32 $0x10;
	v23 =	vld.idx.msk [tilespmem:v32+s14+$0x0], $0xffff;
	[tilespmem:s10+$0xFFFFFE50] =	vst v30  }
.LBB2_5:
0x132: {  	p2 =	slt.u32 s30, $0x38;
	v29 =	vmov s1;
	s1 =	sadd.s32 $0x6, s11;
	v30 =	vmov s31;
	v28 =	vld.idx.msk [tilespmem:v28+s14+$0x0], $0xffff;
	v11 =	vor.u32 v7, v11;
	[tilespmem:s10+$0x1F0] =	vst v27;
	s11 =	smov.u32 s30  }
0x133: {  	v10 =	vor.u32 v7, v10;
	v27 =	vld.idx.msk [tilespmem:v16+s14+$0x0], $0xffff;
	v31 =	vmov s1;
	v16 =	vand.u32 $0x7F, v30;
	[tilespmem:s10+$0xFFFFFEE0] =	vst v17  }
0x134: {  	v15 =	vand.u32 $0x79, v15;
	v9 =	vor.u32 v7, v9;
	v16 =	vbroadcast v16, $0x0;
	v17 =	vld.idx.msk [tilespmem:v24+s14+$0x0], $0xffff;
	[tilespmem:s10+$0xFFFFFF60] =	vst v21  }
0x135: {  	v15 =	vbroadcast v15, $0x0;
	v21 =	vand.u32 $0x7A, v25;
	v24 =	vor.u32 v7, v8;
	v8 =	vmovc v12;
	v25 =	vld.idx.msk [tilespmem:v14+s14+$0x0], $0xffff;
	[tilespmem:s10+$0xFFFFFFE0] =	vst v18  }
0x136: {  	v12 =	vand.u32 $0x7B, v26;
	v14 =	vbroadcast v21, $0x0;
	v18 =	vor.u32 v0, v16;
	v21 =	vld.idx.msk [tilespmem:v13+s14+$0x0], $0xffff;
	[tilespmem:s10+$0x60] =	vst v19  }
0x137: {  	v19 =	vor.u32 v0, v15;
	v13 =	vbroadcast v12, $0x0;
	v12 =	vand.u32 $0x7C, v22;
	v22 =	vld.idx.msk [tilespmem:v11+s14+$0x0], $0xffff;
	[tilespmem:s10+$0xE0] =	vst v20  }
0x138: {  	v20 =	vor.u32 v0, v14;
	v11 =	vbroadcast v12, $0x0;
	v12 =	vand.u32 $0x7D, v29;
	v26 =	vld.idx.msk [tilespmem:v10+s14+$0x0], $0xffff;
	[tilespmem:s10+$0x160] =	vst v23  }
0x139: {  	v23 =	vor.u32 v0, v13;
	v10 =	vbroadcast v12, $0x0;
	v12 =	vand.u32 $0x7E, v31;
	[tilespmem:s10+$0xFFFFFE60] =	vst v28;
	v28 =	vld.idx.msk [tilespmem:v9+s14+$0x0], $0xffff  }
0x13a: {  	v29 =	vor.u32 v0, v11;
	v9 =	vbroadcast v12, $0x0;
	v12 =	vld.idx.msk [tilespmem:v24+s14+$0x0], $0xffff;
	[tilespmem:s10+$0xFFFFFEF0] =	vst v17  }
0x13b: {  	v17 =	vor.u32 v0, v10;
	v18 =	vld.idx.msk [tilespmem:v18+s14+$0x0], $0xffff;
	[tilespmem:s10+$0xFFFFFF70] =	vst v25  }
0x13c: {  	v24 =	vor.u32 v0, v9;
	v19 =	vld.idx.msk [tilespmem:v19+s14+$0x0], $0xffff;
	[tilespmem:s10+$0xFFFFFFF0] =	vst v21  }
0x13d: {  	v21 =	vor.u32 v1, v16;
	v20 =	vld.idx.msk [tilespmem:v20+s14+$0x0], $0xffff;
	[tilespmem:s10+$0x70] =	vst v22  }
0x13e: {  	v22 =	vor.u32 v1, v15;
	v23 =	vld.idx.msk [tilespmem:v23+s14+$0x0], $0xffff;
	[tilespmem:s10+$0xF0] =	vst v26  }
0x13f: {  	v25 =	vor.u32 v1, v14;
	v26 =	vld.idx.msk [tilespmem:v29+s14+$0x0], $0xffff;
	[tilespmem:s10+$0x170] =	vst v28  }
0x140: {  	v28 =	vor.u32 v1, v13;
	v17 =	vld.idx.msk [tilespmem:v17+s14+$0x0], $0xffff;
	[tilespmem:s10+$0xFFFFFE70] =	vst v12;
	s10 =	sadd.s32 $0x400, s10  }
0x141: {  	v12 =	vor.u32 v1, v11;
	v24 =	vld.idx.msk [tilespmem:v24+s14+$0x0], $0xffff;
	[tilespmem:s10+$0x180] =	vst v18  }
0x142: {  	v18 =	vor.u32 v1, v10;
	[tilespmem:s10+$0xFFFFFE80] =	vst v19;
	v19 =	vld.idx.msk [tilespmem:v21+s14+$0x0], $0xffff  }
0x143: {  	v21 =	vld.idx.msk [tilespmem:v22+s14+$0x0], $0xffff;
	[tilespmem:s10+$0xFFFFFF00] =	vst v20;
	v20 =	vor.u32 v1, v9  }
0x144: {  	v22 =	vld.idx.msk [tilespmem:v25+s14+$0x0], $0xffff;
	[tilespmem:s10+$0xFFFFFF80] =	vst v23;
	v23 =	vor.u32 v2, v16  }
0x145: {  	v25 =	vor.u32 v1, v8;
	v28 =	vld.idx.msk [tilespmem:v28+s14+$0x0], $0xffff;
	[tilespmem:s10+$0x0] =	vst v26  }
0x146: {  	v26 =	vor.u32 v2, v15;
	v12 =	vld.idx.msk [tilespmem:v12+s14+$0x0], $0xffff;
	[tilespmem:s10+$0x80] =	vst v17  }
0x147: {  	v17 =	vor.u32 v2, v14;
	v18 =	vld.idx.msk [tilespmem:v18+s14+$0x0], $0xffff;
	[tilespmem:s10+$0x100] =	vst v24  }
0x148: {  	v24 =	vor.u32 v2, v13;
	v20 =	vld.idx.msk [tilespmem:v20+s14+$0x0], $0xffff;
	[tilespmem:s10+$0x190] =	vst v19  }
0x149: {  	v19 =	vor.u32 v2, v11;
	[tilespmem:s10+$0xFFFFFE00] =	vst v27;
	v23 =	vld.idx.msk [tilespmem:v23+s14+$0x0], $0xffff  }
0x14a: {  	v25 =	vld.idx.msk [tilespmem:v25+s14+$0x0], $0xffff;
	[tilespmem:s10+$0xFFFFFE90] =	vst v21;
	v21 =	vor.u32 v2, v10  }
0x14b: {  	v26 =	vld.idx.msk [tilespmem:v26+s14+$0x0], $0xffff;
	[tilespmem:s10+$0xFFFFFF10] =	vst v22;
	v22 =	vor.u32 v3, v16  }
0x14c: {  	v27 =	vor.u32 v2, v9;
	v17 =	vld.idx.msk [tilespmem:v17+s14+$0x0], $0xffff;
	[tilespmem:s10+$0xFFFFFF90] =	vst v28  }
0x14d: {  	v28 =	vor.u32 v2, v8;
	v24 =	vld.idx.msk [tilespmem:v24+s14+$0x0], $0xffff;
	[tilespmem:s10+$0x10] =	vst v12  }
0x14e: {  	v12 =	vor.u32 v3, v15;
	v19 =	vld.idx.msk [tilespmem:v19+s14+$0x0], $0xffff;
	[tilespmem:s10+$0x90] =	vst v18  }
0x14f: {  	v18 =	vor.u32 v3, v14;
	v21 =	vld.idx.msk [tilespmem:v21+s14+$0x0], $0xffff;
	[tilespmem:s10+$0x1A0] =	vst v23  }
0x150: {  	v23 =	vor.u32 v3, v13;
	[tilespmem:s10+$0x110] =	vst v20;
	v20 =	vld.idx.msk [tilespmem:v22+s14+$0x0], $0xffff  }
0x151: {  	v22 =	vor.u32 v3, v11;
	[tilespmem:s10+$0xFFFFFE10] =	vst v25;
	v25 =	vld.idx.msk [tilespmem:v27+s14+$0x0], $0xffff  }
0x152: {  	v27 =	vld.idx.msk [tilespmem:v28+s14+$0x0], $0xffff;
	[tilespmem:s10+$0xFFFFFEA0] =	vst v26;
	v26 =	vor.u32 v4, v16  }
0x153: {  	v12 =	vld.idx.msk [tilespmem:v12+s14+$0x0], $0xffff;
	[tilespmem:s10+$0xFFFFFF20] =	vst v17;
	v17 =	vor.u32 v3, v10  }
0x154: {  	v18 =	vld.idx.msk [tilespmem:v18+s14+$0x0], $0xffff;
	[tilespmem:s10+$0xFFFFFFA0] =	vst v24;
	v24 =	vor.u32 v3, v9  }
0x155: {  	v28 =	vor.u32 v3, v8;
	v23 =	vld.idx.msk [tilespmem:v23+s14+$0x0], $0xffff;
	[tilespmem:s10+$0x20] =	vst v19  }
0x156: {  	v19 =	vor.u32 v4, v15;
	v22 =	vld.idx.msk [tilespmem:v22+s14+$0x0], $0xffff;
	[tilespmem:s10+$0x1B0] =	vst v20  }
0x157: {  	v20 =	vor.u32 v4, v14;
	[tilespmem:s10+$0xA0] =	vst v21;
	v21 =	vld.idx.msk [tilespmem:v26+s14+$0x0], $0xffff  }
0x158: {  	v26 =	vor.u32 v4, v13;
	v17 =	vld.idx.msk [tilespmem:v17+s14+$0x0], $0xffff;
	[tilespmem:s10+$0x120] =	vst v25  }
0x159: {  	v25 =	vor.u32 v5, v16;
	[tilespmem:s10+$0xFFFFFE20] =	vst v27;
	v24 =	vld.idx.msk [tilespmem:v24+s14+$0x0], $0xffff  }
0x15a: {  	v27 =	vld.idx.msk [tilespmem:v28+s14+$0x0], $0xffff;
	[tilespmem:s10+$0xFFFFFEB0] =	vst v12;
	v12 =	vor.u32 v4, v11  }
0x15b: {  	v19 =	vld.idx.msk [tilespmem:v19+s14+$0x0], $0xffff;
	[tilespmem:s10+$0xFFFFFF30] =	vst v18;
	v18 =	vor.u32 v4, v10  }
0x15c: {  	v20 =	vld.idx.msk [tilespmem:v20+s14+$0x0], $0xffff;
	[tilespmem:s10+$0xFFFFFFB0] =	vst v23;
	v23 =	vor.u32 v4, v9  }
0x15d: {  	v28 =	vor.u32 v4, v8;
	v26 =	vld.idx.msk [tilespmem:v26+s14+$0x0], $0xffff;
	[tilespmem:s10+$0x1C0] =	vst v21  }
0x15e: {  	v21 =	vor.u32 v5, v15;
	[tilespmem:s10+$0x30] =	vst v22;
	v22 =	vld.idx.msk [tilespmem:v25+s14+$0x0], $0xffff  }
0x15f: {  	v25 =	vor.u32 v5, v14;
	v12 =	vld.idx.msk [tilespmem:v12+s14+$0x0], $0xffff;
	[tilespmem:s10+$0xB0] =	vst v17  }
0x160: {  	v17 =	vld.idx.msk [tilespmem:v18+s14+$0x0], $0xffff;
	[tilespmem:s10+$0x130] =	vst v24;
	v18 =	vor.u32 v6, v16  }
0x161: {  	v24 =	vor.u32 v5, v13;
	[tilespmem:s10+$0xFFFFFE30] =	vst v27;
	v23 =	vld.idx.msk [tilespmem:v23+s14+$0x0], $0xffff  }
0x162: {  	v27 =	vld.idx.msk [tilespmem:v28+s14+$0x0], $0xffff;
	[tilespmem:s10+$0xFFFFFEC0] =	vst v19;
	v19 =	vor.u32 v5, v11  }
0x163: {  	v21 =	vld.idx.msk [tilespmem:v21+s14+$0x0], $0xffff;
	[tilespmem:s10+$0xFFFFFF40] =	vst v20;
	v20 =	vor.u32 v5, v10  }
0x164: {  	v28 =	vor.u32 v5, v9;
	v25 =	vld.idx.msk [tilespmem:v25+s14+$0x0], $0xffff;
	[tilespmem:s10+$0x1D0] =	vst v22  }
0x165: {  	v22 =	vor.u32 v5, v8;
	[tilespmem:s10+$0xFFFFFFC0] =	vst v26;
	v18 =	vld.idx.msk [tilespmem:v18+s14+$0x0], $0xffff  }
0x166: {  	v26 =	vor.u32 v6, v15;
	v24 =	vld.idx.msk [tilespmem:v24+s14+$0x0], $0xffff;
	[tilespmem:s10+$0x40] =	vst v12  }
0x167: {  	v16 =	vor.u32 v7, v16;
	v19 =	vld.idx.msk [tilespmem:v19+s14+$0x0], $0xffff;
	[tilespmem:s10+$0xC0] =	vst v17  }
0x168: {  	v29 =	vor.u32 v6, v14;
	v20 =	vld.idx.msk [tilespmem:v20+s14+$0x0], $0xffff;
	[tilespmem:s10+$0x140] =	vst v23  }
0x169: {  	v23 =	vor.u32 v6, v13;
	[tilespmem:s10+$0xFFFFFE40] =	vst v27;
	v30 =	vld.idx.msk [tilespmem:v28+s14+$0x0], $0xffff  }
0x16a: {  	v12 =	vmov s30;
	v31 =	vld.idx.msk [tilespmem:v22+s14+$0x0], $0xffff;
	[tilespmem:s10+$0xFFFFFED0] =	vst v21;
	v22 =	vor.u32 v6, v11  }
0x16b: {  	v12 =	vand.u32 $0x78, v12;
	v17 =	vld.idx.msk [tilespmem:v26+s14+$0x0], $0xffff;
	v26 =	vor.u32 v6, v10;
	[tilespmem:s10+$0x1E0] =	vst v18  }
0x16c: {  	v32 =	vor.u32 v6, v9;
	v12 =	vbroadcast v12, $0x0;
	[tilespmem:s10+$0xFFFFFF50] =	vst v25;
	v27 =	vld.idx.msk [tilespmem:v16+s14+$0x0], $0xffff  }
.Ltmp1:
0x16d: {  	v28 =	vor.u32 v6, v8;
	v21 =	vld.idx.msk [tilespmem:v29+s14+$0x0], $0xffff;
	[tilespmem:s10+$0xFFFFFFD0] =	vst v24;
	(pc) =	sbr.rel @p2 .LBB2_5-.Ltmp1, $4  }
0x16e: {  	v16 =	vor.u32 v0, v12;
	v18 =	vld.idx.msk [tilespmem:v23+s14+$0x0], $0xffff;
	[tilespmem:s10+$0x50] =	vst v19  }
0x16f: {  	s31 =	sadd.s32 $0x2, s30;
	s1 =	sadd.s32 $0x1, s30;
	v24 =	vor.u32 v7, v15;
	v19 =	vld.idx.msk [tilespmem:v22+s14+$0x0], $0xffff;
	[tilespmem:s10+$0xD0] =	vst v20  }
0x170: {  	v14 =	vor.u32 v7, v14;
	v25 =	vmov s31;
	s31 =	sadd.s32 $0x4, s30;
	v15 =	vmov s1;
	s1 =	sadd.s32 $0x3, s30;
	v20 =	vld.idx.msk [tilespmem:v26+s14+$0x0], $0xffff;
	[tilespmem:s10+$0x150] =	vst v30  }
0x171: {  	v13 =	vor.u32 v7, v13;
	s30 =	sadd.s32 $0x8, s30;
	v22 =	vmov s31;
	s31 =	sadd.s32 $0x7, s11;
	v26 =	vmov s1;
	s1 =	sadd.s32 $0x5, s11;
	[tilespmem:s10+$0xFFFFFE50] =	vst v31;
	v23 =	vld.idx.msk [tilespmem:v32+s14+$0x0], $0xffff  }
0x172: {  	_ =	sdelay $0x2  }
0x173: {  	[tilespmem:s10+$0x1F0] =	vst v27;
	v27 =	vmov s1  }
0x174: {  	s11 =	sadd.s32 $0x6, s11;
	v29 =	vmov s31;
	v11 =	vor.u32 v7, v11;
	[tilespmem:s10+$0xFFFFFEE0] =	vst v17;
	v17 =	vld.idx.msk [tilespmem:v28+s14+$0x0], $0xffff;
	v30 =	vor.u32 v7, v10  }
0x175: {  	[tilespmem:s10+$0xFFFFFF60] =	vst v21;
	v10 =	vand.u32 $0x79, v15;
	v16 =	vld.idx.msk [tilespmem:v16+s14+$0x0], $0xffff;
	v28 =	vmov s11;
	v29 =	vand.u32 $0x7F, v29  }
0x176: {  	v21 =	vld.idx.msk [tilespmem:v24+s14+$0x0], $0xffff;
	v24 =	vor.u32 v7, v9;
	[tilespmem:s10+$0xFFFFFFE0] =	vst v18;
	v9 =	vbroadcast v10, $0x0;
	v10 =	vand.u32 $0x7A, v25  }
0x177: {  	v18 =	vor.u32 v7, v8;
	v25 =	vld.idx.msk [tilespmem:v14+s14+$0x0], $0xffff;
	v15 =	vbroadcast v29, $0x0;
	[tilespmem:s10+$0x60] =	vst v19;
	v8 =	vbroadcast v10, $0x0  }
0x178: {  	v10 =	vand.u32 $0x7B, v26;
	v26 =	vld.idx.msk [tilespmem:v13+s14+$0x0], $0xffff;
	v13 =	vand.u32 $0x7C, v22;
	[tilespmem:s10+$0xE0] =	vst v20;
	v20 =	vor.u32 v0, v9  }
0x179: {  	v14 =	vand.u32 $0x7E, v28;
	v10 =	vbroadcast v10, $0x0;
	v19 =	vor.u32 v0, v15;
	[tilespmem:s10+$0x160] =	vst v23;
	v22 =	vld.idx.msk [tilespmem:v11+s14+$0x0], $0xffff  }
0x17a: {  	s1 =	sadd.s32 $0x400, s10;
	v23 =	vor.u32 v0, v8;
	v11 =	vbroadcast v13, $0x0;
	v13 =	vand.u32 $0x7D, v27;
	v27 =	vld.idx.msk [tilespmem:v30+s14+$0x0], $0xffff;
	[tilespmem:s10+$0xFFFFFE60] =	vst v17  }
0x17b: {  	v14 =	vbroadcast v14, $0x0;
	v17 =	vor.u32 v0, v10;
	[tilespmem:s1+$0xFFFFFE00] =	vst v16;
	v24 =	vld.idx.msk [tilespmem:v24+s14+$0x0], $0xffff  }
0x17c: {  	v13 =	vbroadcast v13, $0x0;
	[tilespmem:s10+$0xFFFFFEF0] =	vst v21;
	v18 =	vld.idx.msk [tilespmem:v18+s14+$0x0], $0xffff;
	v21 =	vor.u32 v0, v11  }
0x17d: {  	[tilespmem:s10+$0xFFFFFFF0] =	vst v26;
	v26 =	vor.u32 v0, v14;
	v20 =	vld.idx.msk [tilespmem:v20+s14+$0x0], $0xffff  }
0x17e: {  	[tilespmem:s10+$0xFFFFFF70] =	vst v25;
	v25 =	vor.u32 v0, v13;
	v19 =	vld.idx.msk [tilespmem:v19+s14+$0x0], $0xffff  }
0x17f: {  	[tilespmem:s10+$0x70] =	vst v22;
	v22 =	vld.idx.msk [tilespmem:v23+s14+$0x0], $0xffff;
	v23 =	vor.u32 v1, v15  }
0x180: {  	v17 =	vld.idx.msk [tilespmem:v17+s14+$0x0], $0xffff;
	[tilespmem:s10+$0x170] =	vst v24;
	v24 =	vor.u32 v1, v9  }
0x181: {  	[tilespmem:s10+$0xFFFFFE70] =	vst v18;
	v18 =	vor.u32 v1, v8;
	v21 =	vld.idx.msk [tilespmem:v21+s14+$0x0], $0xffff  }
0x182: {  	v26 =	vld.idx.msk [tilespmem:v26+s14+$0x0], $0xffff;
	[tilespmem:s1+$0xFFFFFE80] =	vst v20;
	v20 =	vor.u32 v1, v11  }
0x183: {  	v25 =	vld.idx.msk [tilespmem:v25+s14+$0x0], $0xffff;
	[tilespmem:s1+$0x180] =	vst v19;
	v19 =	vor.u32 v1, v10  }
0x184: {  	v23 =	vld.idx.msk [tilespmem:v23+s14+$0x0], $0xffff;
	[tilespmem:s1+$0xFFFFFF00] =	vst v22;
	v22 =	vor.u32 v1, v13  }
0x185: {  	[tilespmem:s1+$0xFFFFFF80] =	vst v17;
	v17 =	vld.idx.msk [tilespmem:v24+s14+$0x0], $0xffff;
	v24 =	vor.u32 v2, v15  }
0x186: {  	v18 =	vld.idx.msk [tilespmem:v18+s14+$0x0], $0xffff;
	[tilespmem:s1+$0x0] =	vst v21;
	v21 =	vor.u32 v1, v14  }
0x187: {  	[tilespmem:s1+$0x100] =	vst v26;
	v26 =	vor.u32 v2, v9;
	v20 =	vld.idx.msk [tilespmem:v20+s14+$0x0], $0xffff  }
0x188: {  	[tilespmem:s1+$0x80] =	vst v25;
	v25 =	vor.u32 v1, v12;
	v19 =	vld.idx.msk [tilespmem:v19+s14+$0x0], $0xffff  }
0x189: {  	[tilespmem:s1+$0x190] =	vst v23;
	v22 =	vld.idx.msk [tilespmem:v22+s14+$0x0], $0xffff  }
0x18a: {  	[tilespmem:s10+$0xF0] =	vst v27;
	v23 =	vor.u32 v2, v8;
	v24 =	vld.idx.msk [tilespmem:v24+s14+$0x0], $0xffff  }
0x18b: {  	v16 =	vor.u32 v2, v10;
	[tilespmem:s1+$0xFFFFFE90] =	vst v17;
	v17 =	vld.idx.msk [tilespmem:v21+s14+$0x0], $0xffff  }
0x18c: {  	[tilespmem:s1+$0xFFFFFF10] =	vst v18;
	v21 =	vor.u32 v2, v11;
	v26 =	vld.idx.msk [tilespmem:v26+s14+$0x0], $0xffff  }
0x18d: {  	v18 =	vld.idx.msk [tilespmem:v25+s14+$0x0], $0xffff;
	v25 =	vor.u32 v3, v15;
	[tilespmem:s1+$0x10] =	vst v20  }
0x18e: {  	[tilespmem:s1+$0xFFFFFF90] =	vst v19;
	v19 =	vor.u32 v2, v13  }
0x18f: {  	v20 =	vld.idx.msk [tilespmem:v23+s14+$0x0], $0xffff;
	v23 =	vor.u32 v2, v14;
	[tilespmem:s1+$0x90] =	vst v22  }
0x190: {  	v22 =	vor.u32 v2, v12;
	v16 =	vld.idx.msk [tilespmem:v16+s14+$0x0], $0xffff;
	[tilespmem:s1+$0x1A0] =	vst v24  }
0x191: {  	v24 =	vor.u32 v3, v9;
	v21 =	vld.idx.msk [tilespmem:v21+s14+$0x0], $0xffff;
	[tilespmem:s1+$0x110] =	vst v17  }
0x192: {  	v17 =	vor.u32 v3, v8;
	[tilespmem:s1+$0xFFFFFEA0] =	vst v26;
	v25 =	vld.idx.msk [tilespmem:v25+s14+$0x0], $0xffff  }
0x193: {  	[tilespmem:s1+$0xFFFFFE10] =	vst v18;
	v18 =	vld.idx.msk [tilespmem:v19+s14+$0x0], $0xffff;
	v19 =	vor.u32 v3, v10  }
0x194: {  	v26 =	vor.u32 v4, v15;
	v23 =	vld.idx.msk [tilespmem:v23+s14+$0x0], $0xffff;
	[tilespmem:s1+$0xFFFFFF20] =	vst v20  }
0x195: {  	v20 =	vor.u32 v3, v11;
	v22 =	vld.idx.msk [tilespmem:v22+s14+$0x0], $0xffff;
	[tilespmem:s1+$0xFFFFFFA0] =	vst v16  }
0x196: {  	v16 =	vld.idx.msk [tilespmem:v24+s14+$0x0], $0xffff;
	v24 =	vor.u32 v3, v13;
	[tilespmem:s1+$0x20] =	vst v21  }
0x197: {  	v17 =	vld.idx.msk [tilespmem:v17+s14+$0x0], $0xffff;
	v21 =	vor.u32 v3, v14;
	[tilespmem:s1+$0x1B0] =	vst v25  }
0x198: {  	v25 =	vor.u32 v3, v12;
	v19 =	vld.idx.msk [tilespmem:v19+s14+$0x0], $0xffff;
	[tilespmem:s1+$0xA0] =	vst v18  }
0x199: {  	v18 =	vor.u32 v4, v9;
	v26 =	vld.idx.msk [tilespmem:v26+s14+$0x0], $0xffff;
	[tilespmem:s1+$0x120] =	vst v23  }
0x19a: {  	v20 =	vld.idx.msk [tilespmem:v20+s14+$0x0], $0xffff;
	v23 =	vor.u32 v4, v8;
	[tilespmem:s1+$0xFFFFFE20] =	vst v22  }
0x19b: {  	v22 =	vld.idx.msk [tilespmem:v24+s14+$0x0], $0xffff;
	v24 =	vor.u32 v5, v15;
	[tilespmem:s1+$0xFFFFFEB0] =	vst v16  }
0x19c: {  	v16 =	vor.u32 v4, v10;
	v21 =	vld.idx.msk [tilespmem:v21+s14+$0x0], $0xffff;
	[tilespmem:s1+$0xFFFFFF30] =	vst v17  }
0x19d: {  	v17 =	vld.idx.msk [tilespmem:v25+s14+$0x0], $0xffff;
	v25 =	vor.u32 v4, v11;
	[tilespmem:s1+$0xFFFFFFB0] =	vst v19  }
0x19e: {  	v18 =	vld.idx.msk [tilespmem:v18+s14+$0x0], $0xffff;
	v19 =	vor.u32 v4, v13;
	[tilespmem:s1+$0x1C0] =	vst v26  }
0x19f: {  	v26 =	vor.u32 v4, v14;
	v23 =	vld.idx.msk [tilespmem:v23+s14+$0x0], $0xffff;
	[tilespmem:s1+$0x30] =	vst v20  }
0x1a0: {  	v20 =	vor.u32 v4, v12;
	v24 =	vld.idx.msk [tilespmem:v24+s14+$0x0], $0xffff;
	[tilespmem:s1+$0xB0] =	vst v22  }
0x1a1: {  	v16 =	vld.idx.msk [tilespmem:v16+s14+$0x0], $0xffff;
	v22 =	vor.u32 v5, v9;
	[tilespmem:s1+$0x130] =	vst v21  }
0x1a2: {  	v21 =	vld.idx.msk [tilespmem:v25+s14+$0x0], $0xffff;
	v25 =	vor.u32 v6, v15;
	[tilespmem:s1+$0xFFFFFE30] =	vst v17  }
0x1a3: {  	v17 =	vor.u32 v5, v8;
	v19 =	vld.idx.msk [tilespmem:v19+s14+$0x0], $0xffff;
	[tilespmem:s1+$0xFFFFFEC0] =	vst v18  }
0x1a4: {  	v18 =	vor.u32 v5, v10;
	v26 =	vld.idx.msk [tilespmem:v26+s14+$0x0], $0xffff;
	[tilespmem:s1+$0xFFFFFF40] =	vst v23  }
0x1a5: {  	v20 =	vld.idx.msk [tilespmem:v20+s14+$0x0], $0xffff;
	v23 =	vor.u32 v5, v11;
	[tilespmem:s1+$0x1D0] =	vst v24  }
0x1a6: {  	v22 =	vld.idx.msk [tilespmem:v22+s14+$0x0], $0xffff;
	v24 =	vor.u32 v5, v13;
	[tilespmem:s1+$0xFFFFFFC0] =	vst v16  }
0x1a7: {  	v16 =	vor.u32 v5, v14;
	v25 =	vld.idx.msk [tilespmem:v25+s14+$0x0], $0xffff;
	[tilespmem:s1+$0x40] =	vst v21  }
0x1a8: {  	v17 =	vld.idx.msk [tilespmem:v17+s14+$0x0], $0xffff;
	v21 =	vor.u32 v5, v12;
	[tilespmem:s1+$0xC0] =	vst v19  }
0x1a9: {  	v15 =	vor.u32 v7, v15;
	v18 =	vld.idx.msk [tilespmem:v18+s14+$0x0], $0xffff;
	[tilespmem:s1+$0x140] =	vst v26  }
0x1aa: {  	v19 =	vor.u32 v6, v9;
	v23 =	vld.idx.msk [tilespmem:v23+s14+$0x0], $0xffff;
	[tilespmem:s1+$0xFFFFFE40] =	vst v20  }
0x1ab: {  	v20 =	vor.u32 v6, v8;
	v24 =	vld.idx.msk [tilespmem:v24+s14+$0x0], $0xffff;
	[tilespmem:s1+$0xFFFFFED0] =	vst v22  }
0x1ac: {  	v22 =	vor.u32 v6, v10;
	v16 =	vld.idx.msk [tilespmem:v16+s14+$0x0], $0xffff;
	[tilespmem:s1+$0x1E0] =	vst v25  }
0x1ad: {  	v21 =	vld.idx.msk [tilespmem:v21+s14+$0x0], $0xffff;
	v25 =	vor.u32 v6, v11;
	[tilespmem:s1+$0xFFFFFF50] =	vst v17  }
0x1ae: {  	v17 =	vor.u32 v6, v13;
	v15 =	vld.idx.msk [tilespmem:v15+s14+$0x0], $0xffff;
	[tilespmem:s1+$0xFFFFFFD0] =	vst v18  }
0x1af: {  	v18 =	vld.idx.msk [tilespmem:v19+s14+$0x0], $0xffff;
	v19 =	vor.u32 v6, v14;
	[tilespmem:s1+$0x50] =	vst v23  }
0x1b0: {  	v23 =	vor.u32 v6, v12;
	v20 =	vld.idx.msk [tilespmem:v20+s14+$0x0], $0xffff;
	[tilespmem:s1+$0xD0] =	vst v24  }
0x1b1: {  	v9 =	vor.u32 v7, v9;
	v22 =	vld.idx.msk [tilespmem:v22+s14+$0x0], $0xffff;
	[tilespmem:s1+$0x150] =	vst v16  }
0x1b2: {  	v8 =	vor.u32 v7, v8;
	v16 =	vld.idx.msk [tilespmem:v25+s14+$0x0], $0xffff;
	[tilespmem:s1+$0xFFFFFE50] =	vst v21  }
0x1b3: {  	v10 =	vor.u32 v7, v10;
	v17 =	vld.idx.msk [tilespmem:v17+s14+$0x0], $0xffff;
	[tilespmem:s1+$0x1F0] =	vst v15  }
0x1b4: {  	v11 =	vor.u32 v7, v11;
	v15 =	vld.idx.msk [tilespmem:v19+s14+$0x0], $0xffff;
	[tilespmem:s1+$0xFFFFFEE0] =	vst v18  }
0x1b5: {  	v13 =	vor.u32 v7, v13;
	v18 =	vld.idx.msk [tilespmem:v23+s14+$0x0], $0xffff;
	[tilespmem:s1+$0xFFFFFF60] =	vst v20  }
0x1b6: {  	v14 =	vor.u32 v7, v14;
	v9 =	vld.idx.msk [tilespmem:v9+s14+$0x0], $0xffff;
	[tilespmem:s1+$0xFFFFFFE0] =	vst v22  }
0x1b7: {  	v12 =	vor.u32 v7, v12;
	v8 =	vld.idx.msk [tilespmem:v8+s14+$0x0], $0xffff;
	[tilespmem:s1+$0x60] =	vst v16  }
0x1b8: {  	v10 =	vld.idx.msk [tilespmem:v10+s14+$0x0], $0xffff;
	[tilespmem:s1+$0xE0] =	vst v17  }
0x1b9: {  	v11 =	vld.idx.msk [tilespmem:v11+s14+$0x0], $0xffff;
	[tilespmem:s1+$0x160] =	vst v15  }
0x1ba: {  	v13 =	vld.idx.msk [tilespmem:v13+s14+$0x0], $0xffff;
	[tilespmem:s1+$0xFFFFFE60] =	vst v18  }
0x1bb: {  	v14 =	vld.idx.msk [tilespmem:v14+s14+$0x0], $0xffff;
	[tilespmem:s1+$0xFFFFFEF0] =	vst v9  }
0x1bc: {  	v9 =	vld.idx.msk [tilespmem:v12+s14+$0x0], $0xffff;
	[tilespmem:s1+$0xFFFFFF70] =	vst v8  }
0x1bd: {  	[tilespmem:s1+$0xFFFFFFF0] =	vst v10  }
0x1be: {  	[tilespmem:s1+$0x70] =	vst v11  }
0x1bf: {  	[tilespmem:s1+$0xF0] =	vst v13  }
0x1c0: {  	[tilespmem:s1+$0x170] =	vst v14  }
0x1c1: {  	s11 =	simm.s32 @!p1 $0xA400;
	s10 =	simm.s32 @!p1 $0x80;
	[tilespmem:s1+$0xFFFFFE70] =	vst v9;
	s1 =	sor.u32 @!p1 $0x80, s5  }
0x1c2: {  	[tilespmem:s11], [sflag:$0x2] =	stream.indirect.gather @!p1 [hbm4b:s4+s10], $0x80, s1, s10, $0xb8;
	[tilespmem:$0x1E400] =	vst v63  }
0x1c3: {  	s11 =	sor.u32 s7, s3  }
0x1c4: {  	s10 =	simm.s32 $0x0;
	s11 =	sshrl.u32 s11, $0x3  }
0x1c5: {  	v8 =	vmov s10;
	s10 =	simm.s32 $0x2;
	s1 =	sadd.s32 s2, s11  }
0x1c6: {  	v8 =	vand.u32 $0x78, v8;
	[hbm4b:s1+s20] =	stream.strided.scatter [tilespmem:s24], [sflag:$0x6], $0x2000, s21, s20, $0x38;
	[tilespmem:$0x1E400] =	vst v63  }
0x1c7: {  	s11 =	simm.s32 $0x7;
	v11 =	vmov s10;
	s10 =	simm.s32 $0x4;
	v8 =	vbroadcast v8, $0x0;
	s1 =	simm.s32 $0x1  }
0x1c8: {  	v12 =	vmov s11;
	v16 =	vmov s10;
	s10 =	simm.s32 $0x5;
	s11 =	simm.s32 $0x6;
	v10 =	vmov s1  }
0x1c9: {  	v12 =	vand.u32 $0x7F, v12;
	v17 =	vmov s10;
	v18 =	vmov s11  }
0x1ca: {  	s1 =	simm.s32 $0x3;
	_ =	swait.ge [sflag:s25], $0x4000;
	v9 =	vor.u32 v0, v8;
	v10 =	vand.u32 $0x79, v10;
	v12 =	vbroadcast v12, $0x0  }
0x1cb: {  	v13 =	vmov s1;
	[sflag:s25] =	ssyncset.done $0x0;
	v15 =	vbroadcast v10, $0x0;
	v10 =	vand.u32 $0x7A, v11  }
0x1cc: {  	s1 =	simm.s32 @!p0 $0x7;
	[sflag:s25] =	ssyncadd.s32 $0xFFFFC000;
	v14 =	vbroadcast v10, $0x0;
	v10 =	vand.u32 $0x7B, v13;
	v19 =	vor.u32 v0, v12  }
0x1cd: {  	_ =	swait.ge @!p0 [sflag:s1], $0x2000;
	v20 =	vor.u32 v0, v15;
	v13 =	vbroadcast v10, $0x0;
	v10 =	vand.u32 $0x7C, v16  }
0x1ce: {  	[sflag:s1] =	ssyncset.done @!p0 $0x0;
	v16 =	vor.u32 v0, v14;
	v11 =	vbroadcast v10, $0x0;
	v10 =	vand.u32 $0x7D, v17  }
0x1cf: {  	v18 =	vand.u32 $0x7E, v18;
	[sflag:s1] =	ssyncadd.s32 @!p0 $0xFFFFE000;
	v17 =	vor.u32 v0, v13;
	v10 =	vbroadcast v10, $0x0  }
0x1d0: {  	v21 =	vld.idx.msk [tilespmem:v9+s16+$0x0], $0xffff;
	v9 =	vbroadcast v18, $0x0;
	v22 =	vor.u32 v0, v11  }
0x1d1: {  	v18 =	vor.u32 v0, v10;
	v19 =	vld.idx.msk [tilespmem:v19+s16+$0x0], $0xffff  }
0x1d2: {  	v23 =	vor.u32 v0, v9;
	v20 =	vld.idx.msk [tilespmem:v20+s16+$0x0], $0xffff  }
0x1d3: {  	v24 =	vor.u32 v1, v12;
	v16 =	vld.idx.msk [tilespmem:v16+s16+$0x0], $0xffff  }
0x1d4: {  	v25 =	vor.u32 v1, v15;
	v17 =	vld.idx.msk [tilespmem:v17+s16+$0x0], $0xffff  }
0x1d5: {  	s10 =	simm.s32 $0x1A600;
	v26 =	vor.u32 v1, v14;
	v22 =	vld.idx.msk [tilespmem:v22+s16+$0x0], $0xffff  }
0x1d6: {  	v27 =	vor.u32 v1, v13;
	[tilespmem:s10+$0xFFFFFE00] =	vst v21;
	v18 =	vld.idx.msk [tilespmem:v18+s16+$0x0], $0xffff  }
0x1d7: {  	v28 =	vor.u32 v1, v11;
	v23 =	vld.idx.msk [tilespmem:v23+s16+$0x0], $0xffff;
	[tilespmem:s10+$0x180] =	vst v19  }
0x1d8: {  	v19 =	vor.u32 v1, v10;
	[tilespmem:s10+$0xFFFFFE80] =	vst v20;
	v20 =	vld.idx.msk [tilespmem:v24+s16+$0x0], $0xffff  }
0x1d9: {  	v24 =	vld.idx.msk [tilespmem:v25+s16+$0x0], $0xffff;
	[tilespmem:s10+$0xFFFFFF00] =	vst v16;
	v16 =	vor.u32 v1, v9  }
0x1da: {  	v25 =	vld.idx.msk [tilespmem:v26+s16+$0x0], $0xffff;
	[tilespmem:s10+$0xFFFFFF80] =	vst v17;
	v17 =	vor.u32 v2, v12  }
0x1db: {  	v26 =	vor.u32 v1, v8;
	v27 =	vld.idx.msk [tilespmem:v27+s16+$0x0], $0xffff;
	[tilespmem:s10+$0x0] =	vst v22  }
0x1dc: {  	v22 =	vor.u32 v2, v15;
	v28 =	vld.idx.msk [tilespmem:v28+s16+$0x0], $0xffff;
	[tilespmem:s10+$0x80] =	vst v18  }
0x1dd: {  	v18 =	vor.u32 v2, v14;
	[tilespmem:s10+$0x100] =	vst v23;
	v19 =	vld.idx.msk [tilespmem:v19+s16+$0x0], $0xffff  }
0x1de: {  	v23 =	vor.u32 v2, v13;
	[tilespmem:s10+$0x190] =	vst v20;
	v16 =	vld.idx.msk [tilespmem:v16+s16+$0x0], $0xffff  }
0x1df: {  	v20 =	vor.u32 v2, v11;
	[tilespmem:s10+$0xFFFFFE90] =	vst v24;
	v17 =	vld.idx.msk [tilespmem:v17+s16+$0x0], $0xffff  }
0x1e0: {  	v24 =	vor.u32 v2, v10;
	v21 =	vld.idx.msk [tilespmem:v26+s16+$0x0], $0xffff;
	[tilespmem:s10+$0xFFFFFF10] =	vst v25  }
0x1e1: {  	v25 =	vor.u32 v3, v12;
	v22 =	vld.idx.msk [tilespmem:v22+s16+$0x0], $0xffff;
	[tilespmem:s10+$0xFFFFFF90] =	vst v27  }
0x1e2: {  	v26 =	vor.u32 v2, v9;
	v18 =	vld.idx.msk [tilespmem:v18+s16+$0x0], $0xffff;
	[tilespmem:s10+$0x10] =	vst v28  }
0x1e3: {  	v27 =	vor.u32 v2, v8;
	v23 =	vld.idx.msk [tilespmem:v23+s16+$0x0], $0xffff;
	[tilespmem:s10+$0x90] =	vst v19  }
0x1e4: {  	v28 =	vor.u32 v3, v15;
	v20 =	vld.idx.msk [tilespmem:v20+s16+$0x0], $0xffff;
	[tilespmem:s10+$0x110] =	vst v16  }
0x1e5: {  	v19 =	vor.u32 v3, v14;
	v24 =	vld.idx.msk [tilespmem:v24+s16+$0x0], $0xffff;
	[tilespmem:s10+$0x1A0] =	vst v17  }
0x1e6: {  	v17 =	vor.u32 v3, v13;
	[tilespmem:s10+$0xFFFFFE10] =	vst v21;
	v16 =	vld.idx.msk [tilespmem:v25+s16+$0x0], $0xffff  }
0x1e7: {  	v21 =	vor.u32 v3, v11;
	v25 =	vld.idx.msk [tilespmem:v26+s16+$0x0], $0xffff;
	[tilespmem:s10+$0xFFFFFEA0] =	vst v22  }
0x1e8: {  	v26 =	vld.idx.msk [tilespmem:v27+s16+$0x0], $0xffff;
	v22 =	vor.u32 v4, v12;
	[tilespmem:s10+$0xFFFFFF20] =	vst v18  }
0x1e9: {  	v27 =	vld.idx.msk [tilespmem:v28+s16+$0x0], $0xffff;
	v18 =	vor.u32 v3, v10;
	[tilespmem:s10+$0xFFFFFFA0] =	vst v23  }
0x1ea: {  	v23 =	vor.u32 v3, v9;
	v19 =	vld.idx.msk [tilespmem:v19+s16+$0x0], $0xffff;
	[tilespmem:s10+$0x20] =	vst v20  }
0x1eb: {  	v28 =	vor.u32 v3, v8;
	[tilespmem:s10+$0xA0] =	vst v24;
	v17 =	vld.idx.msk [tilespmem:v17+s16+$0x0], $0xffff  }
0x1ec: {  	v20 =	vor.u32 v4, v15;
	v21 =	vld.idx.msk [tilespmem:v21+s16+$0x0], $0xffff;
	[tilespmem:s10+$0x1B0] =	vst v16  }
0x1ed: {  	v16 =	vor.u32 v4, v14;
	[tilespmem:s10+$0x120] =	vst v25;
	v22 =	vld.idx.msk [tilespmem:v22+s16+$0x0], $0xffff  }
0x1ee: {  	v24 =	vor.u32 v4, v13;
	[tilespmem:s10+$0xFFFFFE20] =	vst v26;
	v18 =	vld.idx.msk [tilespmem:v18+s16+$0x0], $0xffff  }
0x1ef: {  	v23 =	vld.idx.msk [tilespmem:v23+s16+$0x0], $0xffff;
	[tilespmem:s10+$0xFFFFFEB0] =	vst v27;
	v27 =	vor.u32 v4, v11  }
0x1f0: {  	v25 =	vor.u32 v5, v12;
	v26 =	vld.idx.msk [tilespmem:v28+s16+$0x0], $0xffff;
	[tilespmem:s10+$0xFFFFFF30] =	vst v19  }
0x1f1: {  	v20 =	vld.idx.msk [tilespmem:v20+s16+$0x0], $0xffff;
	v19 =	vor.u32 v4, v10;
	[tilespmem:s10+$0xFFFFFFB0] =	vst v17  }
0x1f2: {  	v28 =	vor.u32 v4, v8;
	[tilespmem:s10+$0x30] =	vst v21;
	v16 =	vld.idx.msk [tilespmem:v16+s16+$0x0], $0xffff  }
0x1f3: {  	v17 =	vor.u32 v4, v9;
	v24 =	vld.idx.msk [tilespmem:v24+s16+$0x0], $0xffff;
	[tilespmem:s10+$0x1C0] =	vst v22  }
0x1f4: {  	v22 =	vor.u32 v5, v15;
	v27 =	vld.idx.msk [tilespmem:v27+s16+$0x0], $0xffff;
	[tilespmem:s10+$0xB0] =	vst v18  }
0x1f5: {  	[tilespmem:s10+$0x130] =	vst v23;
	v23 =	vor.u32 v5, v13;
	v21 =	vld.idx.msk [tilespmem:v25+s16+$0x0], $0xffff  }
0x1f6: {  	[tilespmem:s10+$0xFFFFFE30] =	vst v26;
	v25 =	vor.u32 v5, v14;
	v18 =	vld.idx.msk [tilespmem:v19+s16+$0x0], $0xffff  }
0x1f7: {  	v19 =	vor.u32 v6, v12;
	v26 =	vld.idx.msk [tilespmem:v28+s16+$0x0], $0xffff;
	[tilespmem:s10+$0xFFFFFEC0] =	vst v20  }
0x1f8: {  	v20 =	vor.u32 v5, v11;
	v17 =	vld.idx.msk [tilespmem:v17+s16+$0x0], $0xffff;
	[tilespmem:s10+$0xFFFFFF40] =	vst v16  }
0x1f9: {  	v16 =	vor.u32 v5, v10;
	[tilespmem:s10+$0xFFFFFFC0] =	vst v24;
	v22 =	vld.idx.msk [tilespmem:v22+s16+$0x0], $0xffff  }
0x1fa: {  	v28 =	vor.u32 v5, v9;
	v23 =	vld.idx.msk [tilespmem:v23+s16+$0x0], $0xffff  }
0x1fb: {  	v25 =	vld.idx.msk [tilespmem:v25+s16+$0x0], $0xffff;
	[tilespmem:s10+$0x1D0] =	vst v21;
	v21 =	vor.u32 v5, v8  }
0x1fc: {  	v24 =	vor.u32 v6, v15;
	[tilespmem:s10+$0x40] =	vst v27;
	v19 =	vld.idx.msk [tilespmem:v19+s16+$0x0], $0xffff  }
0x1fd: {  	v12 =	vor.u32 v7, v12;
	v20 =	vld.idx.msk [tilespmem:v20+s16+$0x0], $0xffff;
	[tilespmem:s10+$0xC0] =	vst v18  }
0x1fe: {  	v18 =	vor.u32 v6, v14;
	[tilespmem:s10+$0x140] =	vst v17;
	v29 =	vld.idx.msk [tilespmem:v16+s16+$0x0], $0xffff  }
0x1ff: {  	s11 =	simm.s32 $0x8;
	[tilespmem:s10+$0xFFFFFE40] =	vst v26;
	v16 =	vor.u32 v6, v13;
	v26 =	vld.idx.msk [tilespmem:v28+s16+$0x0], $0xffff  }
0x200: {  	[tilespmem:s10+$0xFFFFFED0] =	vst v22;
	v22 =	vor.u32 v6, v11;
	v30 =	vld.idx.msk [tilespmem:v21+s16+$0x0], $0xffff;
	v21 =	vmov s11  }
0x201: {  	v31 =	vor.u32 v6, v10;
	v17 =	vld.idx.msk [tilespmem:v24+s16+$0x0], $0xffff;
	[tilespmem:s10+$0x1E0] =	vst v19;
	v19 =	vand.u32 $0x78, v21  }
0x202: {  	v32 =	vor.u32 v6, v9;
	[tilespmem:s10+$0xFFFFFF50] =	vst v25;
	v27 =	vld.idx.msk [tilespmem:v12+s16+$0x0], $0xffff;
	v12 =	vbroadcast v19, $0x0  }
0x203: {  	v28 =	vor.u32 v6, v8;
	[tilespmem:s10+$0xFFFFFFD0] =	vst v23;
	v21 =	vld.idx.msk [tilespmem:v18+s16+$0x0], $0xffff  }
0x204: {  	[tilespmem:s10+$0x50] =	vst v20;
	v18 =	vld.idx.msk [tilespmem:v16+s16+$0x0], $0xffff;
	v16 =	vor.u32 v0, v12  }
0x205: {  	s30 =	simm.s32 $0xA;
	s1 =	simm.s32 $0x9;
	v24 =	vor.u32 v7, v15;
	[tilespmem:s10+$0xD0] =	vst v29;
	v19 =	vld.idx.msk [tilespmem:v22+s16+$0x0], $0xffff  }
0x206: {  	v14 =	vor.u32 v7, v14;
	v15 =	vmov s1;
	v25 =	vmov s30;
	s1 =	simm.s32 $0xB;
	s30 =	simm.s32 $0xC;
	[tilespmem:s10+$0x150] =	vst v26;
	v20 =	vld.idx.msk [tilespmem:v31+s16+$0x0], $0xffff  }
0x207: {  	s31 =	simm.s32 $0xF;
	v13 =	vor.u32 v7, v13;
	v26 =	vmov s1;
	s1 =	simm.s32 $0xD;
	v22 =	vmov s30;
	s30 =	simm.s32 $0x10;
	v23 =	vld.idx.msk [tilespmem:v32+s16+$0x0], $0xffff;
	[tilespmem:s10+$0xFFFFFE50] =	vst v30  }
.LBB2_7:
0x208: {  	p2 =	slt.u32 s30, $0x38;
	v29 =	vmov s1;
	s1 =	sadd.s32 $0x6, s11;
	v30 =	vmov s31;
	v28 =	vld.idx.msk [tilespmem:v28+s16+$0x0], $0xffff;
	v11 =	vor.u32 v7, v11;
	[tilespmem:s10+$0x1F0] =	vst v27;
	s11 =	smov.u32 s30  }
0x209: {  	v10 =	vor.u32 v7, v10;
	v27 =	vld.idx.msk [tilespmem:v16+s16+$0x0], $0xffff;
	v31 =	vmov s1;
	v16 =	vand.u32 $0x7F, v30;
	[tilespmem:s10+$0xFFFFFEE0] =	vst v17  }
0x20a: {  	v15 =	vand.u32 $0x79, v15;
	v9 =	vor.u32 v7, v9;
	v16 =	vbroadcast v16, $0x0;
	v17 =	vld.idx.msk [tilespmem:v24+s16+$0x0], $0xffff;
	[tilespmem:s10+$0xFFFFFF60] =	vst v21  }
0x20b: {  	v15 =	vbroadcast v15, $0x0;
	v21 =	vand.u32 $0x7A, v25;
	v24 =	vor.u32 v7, v8;
	v8 =	vmovc v12;
	v25 =	vld.idx.msk [tilespmem:v14+s16+$0x0], $0xffff;
	[tilespmem:s10+$0xFFFFFFE0] =	vst v18  }
0x20c: {  	v12 =	vand.u32 $0x7B, v26;
	v14 =	vbroadcast v21, $0x0;
	v18 =	vor.u32 v0, v16;
	v21 =	vld.idx.msk [tilespmem:v13+s16+$0x0], $0xffff;
	[tilespmem:s10+$0x60] =	vst v19  }
0x20d: {  	v19 =	vor.u32 v0, v15;
	v13 =	vbroadcast v12, $0x0;
	v12 =	vand.u32 $0x7C, v22;
	v22 =	vld.idx.msk [tilespmem:v11+s16+$0x0], $0xffff;
	[tilespmem:s10+$0xE0] =	vst v20  }
0x20e: {  	v20 =	vor.u32 v0, v14;
	v11 =	vbroadcast v12, $0x0;
	v12 =	vand.u32 $0x7D, v29;
	v26 =	vld.idx.msk [tilespmem:v10+s16+$0x0], $0xffff;
	[tilespmem:s10+$0x160] =	vst v23  }
0x20f: {  	v23 =	vor.u32 v0, v13;
	v10 =	vbroadcast v12, $0x0;
	v12 =	vand.u32 $0x7E, v31;
	[tilespmem:s10+$0xFFFFFE60] =	vst v28;
	v28 =	vld.idx.msk [tilespmem:v9+s16+$0x0], $0xffff  }
0x210: {  	v29 =	vor.u32 v0, v11;
	v9 =	vbroadcast v12, $0x0;
	v12 =	vld.idx.msk [tilespmem:v24+s16+$0x0], $0xffff;
	[tilespmem:s10+$0xFFFFFEF0] =	vst v17  }
0x211: {  	v17 =	vor.u32 v0, v10;
	v18 =	vld.idx.msk [tilespmem:v18+s16+$0x0], $0xffff;
	[tilespmem:s10+$0xFFFFFF70] =	vst v25  }
0x212: {  	v24 =	vor.u32 v0, v9;
	v19 =	vld.idx.msk [tilespmem:v19+s16+$0x0], $0xffff;
	[tilespmem:s10+$0xFFFFFFF0] =	vst v21  }
0x213: {  	v21 =	vor.u32 v1, v16;
	v20 =	vld.idx.msk [tilespmem:v20+s16+$0x0], $0xffff;
	[tilespmem:s10+$0x70] =	vst v22  }
0x214: {  	v22 =	vor.u32 v1, v15;
	v23 =	vld.idx.msk [tilespmem:v23+s16+$0x0], $0xffff;
	[tilespmem:s10+$0xF0] =	vst v26  }
0x215: {  	v25 =	vor.u32 v1, v14;
	v26 =	vld.idx.msk [tilespmem:v29+s16+$0x0], $0xffff;
	[tilespmem:s10+$0x170] =	vst v28  }
0x216: {  	v28 =	vor.u32 v1, v13;
	v17 =	vld.idx.msk [tilespmem:v17+s16+$0x0], $0xffff;
	[tilespmem:s10+$0xFFFFFE70] =	vst v12;
	s10 =	sadd.s32 $0x400, s10  }
0x217: {  	v12 =	vor.u32 v1, v11;
	v24 =	vld.idx.msk [tilespmem:v24+s16+$0x0], $0xffff;
	[tilespmem:s10+$0x180] =	vst v18  }
0x218: {  	v18 =	vor.u32 v1, v10;
	[tilespmem:s10+$0xFFFFFE80] =	vst v19;
	v19 =	vld.idx.msk [tilespmem:v21+s16+$0x0], $0xffff  }
0x219: {  	v21 =	vld.idx.msk [tilespmem:v22+s16+$0x0], $0xffff;
	[tilespmem:s10+$0xFFFFFF00] =	vst v20;
	v20 =	vor.u32 v1, v9  }
0x21a: {  	v22 =	vld.idx.msk [tilespmem:v25+s16+$0x0], $0xffff;
	[tilespmem:s10+$0xFFFFFF80] =	vst v23;
	v23 =	vor.u32 v2, v16  }
0x21b: {  	v25 =	vor.u32 v1, v8;
	v28 =	vld.idx.msk [tilespmem:v28+s16+$0x0], $0xffff;
	[tilespmem:s10+$0x0] =	vst v26  }
0x21c: {  	v26 =	vor.u32 v2, v15;
	v12 =	vld.idx.msk [tilespmem:v12+s16+$0x0], $0xffff;
	[tilespmem:s10+$0x80] =	vst v17  }
0x21d: {  	v17 =	vor.u32 v2, v14;
	v18 =	vld.idx.msk [tilespmem:v18+s16+$0x0], $0xffff;
	[tilespmem:s10+$0x100] =	vst v24  }
0x21e: {  	v24 =	vor.u32 v2, v13;
	v20 =	vld.idx.msk [tilespmem:v20+s16+$0x0], $0xffff;
	[tilespmem:s10+$0x190] =	vst v19  }
0x21f: {  	v19 =	vor.u32 v2, v11;
	[tilespmem:s10+$0xFFFFFE00] =	vst v27;
	v23 =	vld.idx.msk [tilespmem:v23+s16+$0x0], $0xffff  }
0x220: {  	v25 =	vld.idx.msk [tilespmem:v25+s16+$0x0], $0xffff;
	[tilespmem:s10+$0xFFFFFE90] =	vst v21;
	v21 =	vor.u32 v2, v10  }
0x221: {  	v26 =	vld.idx.msk [tilespmem:v26+s16+$0x0], $0xffff;
	[tilespmem:s10+$0xFFFFFF10] =	vst v22;
	v22 =	vor.u32 v3, v16  }
0x222: {  	v27 =	vor.u32 v2, v9;
	v17 =	vld.idx.msk [tilespmem:v17+s16+$0x0], $0xffff;
	[tilespmem:s10+$0xFFFFFF90] =	vst v28  }
0x223: {  	v28 =	vor.u32 v2, v8;
	v24 =	vld.idx.msk [tilespmem:v24+s16+$0x0], $0xffff;
	[tilespmem:s10+$0x10] =	vst v12  }
0x224: {  	v12 =	vor.u32 v3, v15;
	v19 =	vld.idx.msk [tilespmem:v19+s16+$0x0], $0xffff;
	[tilespmem:s10+$0x90] =	vst v18  }
0x225: {  	v18 =	vor.u32 v3, v14;
	v21 =	vld.idx.msk [tilespmem:v21+s16+$0x0], $0xffff;
	[tilespmem:s10+$0x1A0] =	vst v23  }
0x226: {  	v23 =	vor.u32 v3, v13;
	[tilespmem:s10+$0x110] =	vst v20;
	v20 =	vld.idx.msk [tilespmem:v22+s16+$0x0], $0xffff  }
0x227: {  	v22 =	vor.u32 v3, v11;
	[tilespmem:s10+$0xFFFFFE10] =	vst v25;
	v25 =	vld.idx.msk [tilespmem:v27+s16+$0x0], $0xffff  }
0x228: {  	v27 =	vld.idx.msk [tilespmem:v28+s16+$0x0], $0xffff;
	[tilespmem:s10+$0xFFFFFEA0] =	vst v26;
	v26 =	vor.u32 v4, v16  }
0x229: {  	v12 =	vld.idx.msk [tilespmem:v12+s16+$0x0], $0xffff;
	[tilespmem:s10+$0xFFFFFF20] =	vst v17;
	v17 =	vor.u32 v3, v10  }
0x22a: {  	v18 =	vld.idx.msk [tilespmem:v18+s16+$0x0], $0xffff;
	[tilespmem:s10+$0xFFFFFFA0] =	vst v24;
	v24 =	vor.u32 v3, v9  }
0x22b: {  	v28 =	vor.u32 v3, v8;
	v23 =	vld.idx.msk [tilespmem:v23+s16+$0x0], $0xffff;
	[tilespmem:s10+$0x20] =	vst v19  }
0x22c: {  	v19 =	vor.u32 v4, v15;
	v22 =	vld.idx.msk [tilespmem:v22+s16+$0x0], $0xffff;
	[tilespmem:s10+$0x1B0] =	vst v20  }
0x22d: {  	v20 =	vor.u32 v4, v14;
	[tilespmem:s10+$0xA0] =	vst v21;
	v21 =	vld.idx.msk [tilespmem:v26+s16+$0x0], $0xffff  }
0x22e: {  	v26 =	vor.u32 v4, v13;
	v17 =	vld.idx.msk [tilespmem:v17+s16+$0x0], $0xffff;
	[tilespmem:s10+$0x120] =	vst v25  }
0x22f: {  	v25 =	vor.u32 v5, v16;
	[tilespmem:s10+$0xFFFFFE20] =	vst v27;
	v24 =	vld.idx.msk [tilespmem:v24+s16+$0x0], $0xffff  }
0x230: {  	v27 =	vld.idx.msk [tilespmem:v28+s16+$0x0], $0xffff;
	[tilespmem:s10+$0xFFFFFEB0] =	vst v12;
	v12 =	vor.u32 v4, v11  }
0x231: {  	v19 =	vld.idx.msk [tilespmem:v19+s16+$0x0], $0xffff;
	[tilespmem:s10+$0xFFFFFF30] =	vst v18;
	v18 =	vor.u32 v4, v10  }
0x232: {  	v20 =	vld.idx.msk [tilespmem:v20+s16+$0x0], $0xffff;
	[tilespmem:s10+$0xFFFFFFB0] =	vst v23;
	v23 =	vor.u32 v4, v9  }
0x233: {  	v28 =	vor.u32 v4, v8;
	v26 =	vld.idx.msk [tilespmem:v26+s16+$0x0], $0xffff;
	[tilespmem:s10+$0x1C0] =	vst v21  }
0x234: {  	v21 =	vor.u32 v5, v15;
	[tilespmem:s10+$0x30] =	vst v22;
	v22 =	vld.idx.msk [tilespmem:v25+s16+$0x0], $0xffff  }
0x235: {  	v25 =	vor.u32 v5, v14;
	v12 =	vld.idx.msk [tilespmem:v12+s16+$0x0], $0xffff;
	[tilespmem:s10+$0xB0] =	vst v17  }
0x236: {  	v17 =	vld.idx.msk [tilespmem:v18+s16+$0x0], $0xffff;
	[tilespmem:s10+$0x130] =	vst v24;
	v18 =	vor.u32 v6, v16  }
0x237: {  	v24 =	vor.u32 v5, v13;
	[tilespmem:s10+$0xFFFFFE30] =	vst v27;
	v23 =	vld.idx.msk [tilespmem:v23+s16+$0x0], $0xffff  }
0x238: {  	v27 =	vld.idx.msk [tilespmem:v28+s16+$0x0], $0xffff;
	[tilespmem:s10+$0xFFFFFEC0] =	vst v19;
	v19 =	vor.u32 v5, v11  }
0x239: {  	v21 =	vld.idx.msk [tilespmem:v21+s16+$0x0], $0xffff;
	[tilespmem:s10+$0xFFFFFF40] =	vst v20;
	v20 =	vor.u32 v5, v10  }
0x23a: {  	v28 =	vor.u32 v5, v9;
	v25 =	vld.idx.msk [tilespmem:v25+s16+$0x0], $0xffff;
	[tilespmem:s10+$0x1D0] =	vst v22  }
0x23b: {  	v22 =	vor.u32 v5, v8;
	[tilespmem:s10+$0xFFFFFFC0] =	vst v26;
	v18 =	vld.idx.msk [tilespmem:v18+s16+$0x0], $0xffff  }
0x23c: {  	v26 =	vor.u32 v6, v15;
	v24 =	vld.idx.msk [tilespmem:v24+s16+$0x0], $0xffff;
	[tilespmem:s10+$0x40] =	vst v12  }
0x23d: {  	v16 =	vor.u32 v7, v16;
	v19 =	vld.idx.msk [tilespmem:v19+s16+$0x0], $0xffff;
	[tilespmem:s10+$0xC0] =	vst v17  }
0x23e: {  	v29 =	vor.u32 v6, v14;
	v20 =	vld.idx.msk [tilespmem:v20+s16+$0x0], $0xffff;
	[tilespmem:s10+$0x140] =	vst v23  }
0x23f: {  	v23 =	vor.u32 v6, v13;
	[tilespmem:s10+$0xFFFFFE40] =	vst v27;
	v30 =	vld.idx.msk [tilespmem:v28+s16+$0x0], $0xffff  }
0x240: {  	v12 =	vmov s30;
	v31 =	vld.idx.msk [tilespmem:v22+s16+$0x0], $0xffff;
	[tilespmem:s10+$0xFFFFFED0] =	vst v21;
	v22 =	vor.u32 v6, v11  }
0x241: {  	v12 =	vand.u32 $0x78, v12;
	v17 =	vld.idx.msk [tilespmem:v26+s16+$0x0], $0xffff;
	v26 =	vor.u32 v6, v10;
	[tilespmem:s10+$0x1E0] =	vst v18  }
0x242: {  	v32 =	vor.u32 v6, v9;
	v12 =	vbroadcast v12, $0x0;
	[tilespmem:s10+$0xFFFFFF50] =	vst v25;
	v27 =	vld.idx.msk [tilespmem:v16+s16+$0x0], $0xffff  }
.Ltmp2:
0x243: {  	v28 =	vor.u32 v6, v8;
	v21 =	vld.idx.msk [tilespmem:v29+s16+$0x0], $0xffff;
	[tilespmem:s10+$0xFFFFFFD0] =	vst v24;
	(pc) =	sbr.rel @p2 .LBB2_7-.Ltmp2, $4  }
0x244: {  	v16 =	vor.u32 v0, v12;
	v18 =	vld.idx.msk [tilespmem:v23+s16+$0x0], $0xffff;
	[tilespmem:s10+$0x50] =	vst v19  }
0x245: {  	s31 =	sadd.s32 $0x2, s30;
	s1 =	sadd.s32 $0x1, s30;
	v24 =	vor.u32 v7, v15;
	v19 =	vld.idx.msk [tilespmem:v22+s16+$0x0], $0xffff;
	[tilespmem:s10+$0xD0] =	vst v20  }
0x246: {  	v14 =	vor.u32 v7, v14;
	v25 =	vmov s31;
	s31 =	sadd.s32 $0x4, s30;
	v15 =	vmov s1;
	s1 =	sadd.s32 $0x3, s30;
	v20 =	vld.idx.msk [tilespmem:v26+s16+$0x0], $0xffff;
	[tilespmem:s10+$0x150] =	vst v30  }
0x247: {  	v13 =	vor.u32 v7, v13;
	s30 =	sadd.s32 $0x8, s30;
	v22 =	vmov s31;
	s31 =	sadd.s32 $0x7, s11;
	v26 =	vmov s1;
	s1 =	sadd.s32 $0x5, s11;
	[tilespmem:s10+$0xFFFFFE50] =	vst v31;
	v23 =	vld.idx.msk [tilespmem:v32+s16+$0x0], $0xffff  }
0x248: {  	_ =	sdelay $0x2  }
0x249: {  	[tilespmem:s10+$0x1F0] =	vst v27;
	v27 =	vmov s1  }
0x24a: {  	s11 =	sadd.s32 $0x6, s11;
	v29 =	vmov s31;
	v11 =	vor.u32 v7, v11;
	[tilespmem:s10+$0xFFFFFEE0] =	vst v17;
	v17 =	vld.idx.msk [tilespmem:v28+s16+$0x0], $0xffff;
	v30 =	vor.u32 v7, v10  }
0x24b: {  	[tilespmem:s10+$0xFFFFFF60] =	vst v21;
	v10 =	vand.u32 $0x79, v15;
	v16 =	vld.idx.msk [tilespmem:v16+s16+$0x0], $0xffff;
	v28 =	vmov s11;
	v29 =	vand.u32 $0x7F, v29  }
0x24c: {  	v21 =	vld.idx.msk [tilespmem:v24+s16+$0x0], $0xffff;
	v24 =	vor.u32 v7, v9;
	[tilespmem:s10+$0xFFFFFFE0] =	vst v18;
	v9 =	vbroadcast v10, $0x0;
	v10 =	vand.u32 $0x7A, v25  }
0x24d: {  	v18 =	vor.u32 v7, v8;
	v25 =	vld.idx.msk [tilespmem:v14+s16+$0x0], $0xffff;
	v15 =	vbroadcast v29, $0x0;
	[tilespmem:s10+$0x60] =	vst v19;
	v8 =	vbroadcast v10, $0x0  }
0x24e: {  	v10 =	vand.u32 $0x7B, v26;
	v26 =	vld.idx.msk [tilespmem:v13+s16+$0x0], $0xffff;
	v13 =	vand.u32 $0x7C, v22;
	[tilespmem:s10+$0xE0] =	vst v20;
	v20 =	vor.u32 v0, v9  }
0x24f: {  	v14 =	vand.u32 $0x7E, v28;
	v10 =	vbroadcast v10, $0x0;
	v19 =	vor.u32 v0, v15;
	[tilespmem:s10+$0x160] =	vst v23;
	v22 =	vld.idx.msk [tilespmem:v11+s16+$0x0], $0xffff  }
0x250: {  	s1 =	sadd.s32 $0x400, s10;
	v23 =	vor.u32 v0, v8;
	v11 =	vbroadcast v13, $0x0;
	v13 =	vand.u32 $0x7D, v27;
	v27 =	vld.idx.msk [tilespmem:v30+s16+$0x0], $0xffff;
	[tilespmem:s10+$0xFFFFFE60] =	vst v17  }
0x251: {  	v14 =	vbroadcast v14, $0x0;
	v17 =	vor.u32 v0, v10;
	[tilespmem:s1+$0xFFFFFE00] =	vst v16;
	v24 =	vld.idx.msk [tilespmem:v24+s16+$0x0], $0xffff  }
0x252: {  	v13 =	vbroadcast v13, $0x0;
	[tilespmem:s10+$0xFFFFFEF0] =	vst v21;
	v18 =	vld.idx.msk [tilespmem:v18+s16+$0x0], $0xffff;
	v21 =	vor.u32 v0, v11  }
0x253: {  	[tilespmem:s10+$0xFFFFFFF0] =	vst v26;
	v26 =	vor.u32 v0, v14;
	v20 =	vld.idx.msk [tilespmem:v20+s16+$0x0], $0xffff  }
0x254: {  	[tilespmem:s10+$0xFFFFFF70] =	vst v25;
	v25 =	vor.u32 v0, v13;
	v19 =	vld.idx.msk [tilespmem:v19+s16+$0x0], $0xffff  }
0x255: {  	[tilespmem:s10+$0x70] =	vst v22;
	v22 =	vld.idx.msk [tilespmem:v23+s16+$0x0], $0xffff;
	v23 =	vor.u32 v1, v15  }
0x256: {  	v17 =	vld.idx.msk [tilespmem:v17+s16+$0x0], $0xffff;
	[tilespmem:s10+$0x170] =	vst v24;
	v24 =	vor.u32 v1, v9  }
0x257: {  	[tilespmem:s10+$0xFFFFFE70] =	vst v18;
	v18 =	vor.u32 v1, v8;
	v21 =	vld.idx.msk [tilespmem:v21+s16+$0x0], $0xffff  }
0x258: {  	v26 =	vld.idx.msk [tilespmem:v26+s16+$0x0], $0xffff;
	[tilespmem:s1+$0xFFFFFE80] =	vst v20;
	v20 =	vor.u32 v1, v11  }
0x259: {  	v25 =	vld.idx.msk [tilespmem:v25+s16+$0x0], $0xffff;
	[tilespmem:s1+$0x180] =	vst v19;
	v19 =	vor.u32 v1, v10  }
0x25a: {  	v23 =	vld.idx.msk [tilespmem:v23+s16+$0x0], $0xffff;
	[tilespmem:s1+$0xFFFFFF00] =	vst v22;
	v22 =	vor.u32 v1, v13  }
0x25b: {  	[tilespmem:s1+$0xFFFFFF80] =	vst v17;
	v17 =	vld.idx.msk [tilespmem:v24+s16+$0x0], $0xffff;
	v24 =	vor.u32 v2, v15  }
0x25c: {  	v18 =	vld.idx.msk [tilespmem:v18+s16+$0x0], $0xffff;
	[tilespmem:s1+$0x0] =	vst v21;
	v21 =	vor.u32 v1, v14  }
0x25d: {  	[tilespmem:s1+$0x100] =	vst v26;
	v26 =	vor.u32 v2, v9;
	v20 =	vld.idx.msk [tilespmem:v20+s16+$0x0], $0xffff  }
0x25e: {  	[tilespmem:s1+$0x80] =	vst v25;
	v25 =	vor.u32 v1, v12;
	v19 =	vld.idx.msk [tilespmem:v19+s16+$0x0], $0xffff  }
0x25f: {  	[tilespmem:s1+$0x190] =	vst v23;
	v22 =	vld.idx.msk [tilespmem:v22+s16+$0x0], $0xffff  }
0x260: {  	[tilespmem:s10+$0xF0] =	vst v27;
	v23 =	vor.u32 v2, v8;
	v24 =	vld.idx.msk [tilespmem:v24+s16+$0x0], $0xffff  }
0x261: {  	v16 =	vor.u32 v2, v10;
	[tilespmem:s1+$0xFFFFFE90] =	vst v17;
	v17 =	vld.idx.msk [tilespmem:v21+s16+$0x0], $0xffff  }
0x262: {  	[tilespmem:s1+$0xFFFFFF10] =	vst v18;
	v21 =	vor.u32 v2, v11;
	v26 =	vld.idx.msk [tilespmem:v26+s16+$0x0], $0xffff  }
0x263: {  	v18 =	vld.idx.msk [tilespmem:v25+s16+$0x0], $0xffff;
	v25 =	vor.u32 v3, v15;
	[tilespmem:s1+$0x10] =	vst v20  }
0x264: {  	[tilespmem:s1+$0xFFFFFF90] =	vst v19;
	v19 =	vor.u32 v2, v13  }
0x265: {  	v20 =	vld.idx.msk [tilespmem:v23+s16+$0x0], $0xffff;
	v23 =	vor.u32 v2, v14;
	[tilespmem:s1+$0x90] =	vst v22  }
0x266: {  	v22 =	vor.u32 v2, v12;
	v16 =	vld.idx.msk [tilespmem:v16+s16+$0x0], $0xffff;
	[tilespmem:s1+$0x1A0] =	vst v24  }
0x267: {  	v24 =	vor.u32 v3, v9;
	v21 =	vld.idx.msk [tilespmem:v21+s16+$0x0], $0xffff;
	[tilespmem:s1+$0x110] =	vst v17  }
0x268: {  	v17 =	vor.u32 v3, v8;
	[tilespmem:s1+$0xFFFFFEA0] =	vst v26;
	v25 =	vld.idx.msk [tilespmem:v25+s16+$0x0], $0xffff  }
0x269: {  	[tilespmem:s1+$0xFFFFFE10] =	vst v18;
	v18 =	vld.idx.msk [tilespmem:v19+s16+$0x0], $0xffff;
	v19 =	vor.u32 v3, v10  }
0x26a: {  	v26 =	vor.u32 v4, v15;
	v23 =	vld.idx.msk [tilespmem:v23+s16+$0x0], $0xffff;
	[tilespmem:s1+$0xFFFFFF20] =	vst v20  }
0x26b: {  	v20 =	vor.u32 v3, v11;
	v22 =	vld.idx.msk [tilespmem:v22+s16+$0x0], $0xffff;
	[tilespmem:s1+$0xFFFFFFA0] =	vst v16  }
0x26c: {  	v16 =	vld.idx.msk [tilespmem:v24+s16+$0x0], $0xffff;
	v24 =	vor.u32 v3, v13;
	[tilespmem:s1+$0x20] =	vst v21  }
0x26d: {  	v17 =	vld.idx.msk [tilespmem:v17+s16+$0x0], $0xffff;
	v21 =	vor.u32 v3, v14;
	[tilespmem:s1+$0x1B0] =	vst v25  }
0x26e: {  	v25 =	vor.u32 v3, v12;
	v19 =	vld.idx.msk [tilespmem:v19+s16+$0x0], $0xffff;
	[tilespmem:s1+$0xA0] =	vst v18  }
0x26f: {  	v18 =	vor.u32 v4, v9;
	v26 =	vld.idx.msk [tilespmem:v26+s16+$0x0], $0xffff;
	[tilespmem:s1+$0x120] =	vst v23  }
0x270: {  	v20 =	vld.idx.msk [tilespmem:v20+s16+$0x0], $0xffff;
	v23 =	vor.u32 v4, v8;
	[tilespmem:s1+$0xFFFFFE20] =	vst v22  }
0x271: {  	v22 =	vld.idx.msk [tilespmem:v24+s16+$0x0], $0xffff;
	v24 =	vor.u32 v5, v15;
	[tilespmem:s1+$0xFFFFFEB0] =	vst v16  }
0x272: {  	v16 =	vor.u32 v4, v10;
	v21 =	vld.idx.msk [tilespmem:v21+s16+$0x0], $0xffff;
	[tilespmem:s1+$0xFFFFFF30] =	vst v17  }
0x273: {  	v17 =	vld.idx.msk [tilespmem:v25+s16+$0x0], $0xffff;
	v25 =	vor.u32 v4, v11;
	[tilespmem:s1+$0xFFFFFFB0] =	vst v19  }
0x274: {  	v18 =	vld.idx.msk [tilespmem:v18+s16+$0x0], $0xffff;
	v19 =	vor.u32 v4, v13;
	[tilespmem:s1+$0x1C0] =	vst v26  }
0x275: {  	v26 =	vor.u32 v4, v14;
	v23 =	vld.idx.msk [tilespmem:v23+s16+$0x0], $0xffff;
	[tilespmem:s1+$0x30] =	vst v20  }
0x276: {  	v20 =	vor.u32 v4, v12;
	v24 =	vld.idx.msk [tilespmem:v24+s16+$0x0], $0xffff;
	[tilespmem:s1+$0xB0] =	vst v22  }
0x277: {  	v16 =	vld.idx.msk [tilespmem:v16+s16+$0x0], $0xffff;
	v22 =	vor.u32 v5, v9;
	[tilespmem:s1+$0x130] =	vst v21  }
0x278: {  	v21 =	vld.idx.msk [tilespmem:v25+s16+$0x0], $0xffff;
	v25 =	vor.u32 v6, v15;
	[tilespmem:s1+$0xFFFFFE30] =	vst v17  }
0x279: {  	v17 =	vor.u32 v5, v8;
	v19 =	vld.idx.msk [tilespmem:v19+s16+$0x0], $0xffff;
	[tilespmem:s1+$0xFFFFFEC0] =	vst v18  }
0x27a: {  	v18 =	vor.u32 v5, v10;
	v26 =	vld.idx.msk [tilespmem:v26+s16+$0x0], $0xffff;
	[tilespmem:s1+$0xFFFFFF40] =	vst v23  }
0x27b: {  	v20 =	vld.idx.msk [tilespmem:v20+s16+$0x0], $0xffff;
	v23 =	vor.u32 v5, v11;
	[tilespmem:s1+$0x1D0] =	vst v24  }
0x27c: {  	v22 =	vld.idx.msk [tilespmem:v22+s16+$0x0], $0xffff;
	v24 =	vor.u32 v5, v13;
	[tilespmem:s1+$0xFFFFFFC0] =	vst v16  }
0x27d: {  	v16 =	vor.u32 v5, v14;
	v25 =	vld.idx.msk [tilespmem:v25+s16+$0x0], $0xffff;
	[tilespmem:s1+$0x40] =	vst v21  }
0x27e: {  	v17 =	vld.idx.msk [tilespmem:v17+s16+$0x0], $0xffff;
	v21 =	vor.u32 v5, v12;
	[tilespmem:s1+$0xC0] =	vst v19  }
0x27f: {  	v15 =	vor.u32 v7, v15;
	v18 =	vld.idx.msk [tilespmem:v18+s16+$0x0], $0xffff;
	[tilespmem:s1+$0x140] =	vst v26  }
0x280: {  	v19 =	vor.u32 v6, v9;
	v23 =	vld.idx.msk [tilespmem:v23+s16+$0x0], $0xffff;
	[tilespmem:s1+$0xFFFFFE40] =	vst v20  }
0x281: {  	v20 =	vor.u32 v6, v8;
	v24 =	vld.idx.msk [tilespmem:v24+s16+$0x0], $0xffff;
	[tilespmem:s1+$0xFFFFFED0] =	vst v22  }
0x282: {  	v22 =	vor.u32 v6, v10;
	v16 =	vld.idx.msk [tilespmem:v16+s16+$0x0], $0xffff;
	[tilespmem:s1+$0x1E0] =	vst v25  }
0x283: {  	v21 =	vld.idx.msk [tilespmem:v21+s16+$0x0], $0xffff;
	v25 =	vor.u32 v6, v11;
	[tilespmem:s1+$0xFFFFFF50] =	vst v17  }
0x284: {  	v17 =	vor.u32 v6, v13;
	v15 =	vld.idx.msk [tilespmem:v15+s16+$0x0], $0xffff;
	[tilespmem:s1+$0xFFFFFFD0] =	vst v18  }
0x285: {  	v18 =	vld.idx.msk [tilespmem:v19+s16+$0x0], $0xffff;
	v19 =	vor.u32 v6, v14;
	[tilespmem:s1+$0x50] =	vst v23  }
0x286: {  	v23 =	vor.u32 v6, v12;
	v20 =	vld.idx.msk [tilespmem:v20+s16+$0x0], $0xffff;
	[tilespmem:s1+$0xD0] =	vst v24  }
0x287: {  	v9 =	vor.u32 v7, v9;
	v22 =	vld.idx.msk [tilespmem:v22+s16+$0x0], $0xffff;
	[tilespmem:s1+$0x150] =	vst v16  }
0x288: {  	v8 =	vor.u32 v7, v8;
	v16 =	vld.idx.msk [tilespmem:v25+s16+$0x0], $0xffff;
	[tilespmem:s1+$0xFFFFFE50] =	vst v21  }
0x289: {  	v10 =	vor.u32 v7, v10;
	v17 =	vld.idx.msk [tilespmem:v17+s16+$0x0], $0xffff;
	[tilespmem:s1+$0x1F0] =	vst v15  }
0x28a: {  	v11 =	vor.u32 v7, v11;
	v15 =	vld.idx.msk [tilespmem:v19+s16+$0x0], $0xffff;
	[tilespmem:s1+$0xFFFFFEE0] =	vst v18  }
0x28b: {  	v13 =	vor.u32 v7, v13;
	v18 =	vld.idx.msk [tilespmem:v23+s16+$0x0], $0xffff;
	[tilespmem:s1+$0xFFFFFF60] =	vst v20  }
0x28c: {  	v14 =	vor.u32 v7, v14;
	v9 =	vld.idx.msk [tilespmem:v9+s16+$0x0], $0xffff;
	[tilespmem:s1+$0xFFFFFFE0] =	vst v22  }
0x28d: {  	v12 =	vor.u32 v7, v12;
	v8 =	vld.idx.msk [tilespmem:v8+s16+$0x0], $0xffff;
	[tilespmem:s1+$0x60] =	vst v16  }
0x28e: {  	v10 =	vld.idx.msk [tilespmem:v10+s16+$0x0], $0xffff;
	[tilespmem:s1+$0xE0] =	vst v17  }
0x28f: {  	v11 =	vld.idx.msk [tilespmem:v11+s16+$0x0], $0xffff;
	[tilespmem:s1+$0x160] =	vst v15  }
0x290: {  	v13 =	vld.idx.msk [tilespmem:v13+s16+$0x0], $0xffff;
	[tilespmem:s1+$0xFFFFFE60] =	vst v18  }
0x291: {  	v14 =	vld.idx.msk [tilespmem:v14+s16+$0x0], $0xffff;
	[tilespmem:s1+$0xFFFFFEF0] =	vst v9  }
0x292: {  	v9 =	vld.idx.msk [tilespmem:v12+s16+$0x0], $0xffff;
	[tilespmem:s1+$0xFFFFFF70] =	vst v8  }
0x293: {  	[tilespmem:s1+$0xFFFFFFF0] =	vst v10  }
0x294: {  	[tilespmem:s1+$0x70] =	vst v11  }
0x295: {  	[tilespmem:s1+$0xF0] =	vst v13  }
0x296: {  	[tilespmem:s1+$0x170] =	vst v14  }
0x297: {  	s11 =	simm.s32 @!p1 $0xE400;
	s10 =	simm.s32 @!p1 $0x80;
	[tilespmem:s1+$0xFFFFFE70] =	vst v9;
	s1 =	sor.u32 @!p1 $0x100, s5  }
0x298: {  	[tilespmem:s11], [sflag:$0x3] =	stream.indirect.gather @!p1 [hbm4b:s4+s10], $0x80, s1, s10, $0xb8;
	[tilespmem:$0x1E400] =	vst v63  }
0x299: {  	s11 =	sor.u32 s8, s3  }
0x29a: {  	s10 =	simm.s32 $0x0;
	s11 =	sshrl.u32 s11, $0x3  }
0x29b: {  	v8 =	vmov s10;
	s10 =	simm.s32 $0x2;
	s1 =	sadd.s32 s2, s11  }
0x29c: {  	v8 =	vand.u32 $0x78, v8;
	[hbm4b:s1+s20] =	stream.strided.scatter [tilespmem:s26], [sflag:$0x7], $0x2000, s21, s20, $0x38;
	[tilespmem:$0x1E400] =	vst v63  }
0x29d: {  	s11 =	simm.s32 $0x7;
	v11 =	vmov s10;
	s10 =	simm.s32 $0x4;
	v8 =	vbroadcast v8, $0x0;
	s1 =	simm.s32 $0x1  }
0x29e: {  	v12 =	vmov s11;
	v16 =	vmov s10;
	s10 =	simm.s32 $0x5;
	s11 =	simm.s32 $0x6;
	v10 =	vmov s1  }
0x29f: {  	v12 =	vand.u32 $0x7F, v12;
	v17 =	vmov s10;
	v18 =	vmov s11  }
0x2a0: {  	s1 =	simm.s32 $0x3;
	_ =	swait.ge [sflag:s28], $0x4000;
	v9 =	vor.u32 v0, v8;
	v10 =	vand.u32 $0x79, v10;
	v12 =	vbroadcast v12, $0x0  }
0x2a1: {  	v13 =	vmov s1;
	[sflag:s28] =	ssyncset.done $0x0;
	v15 =	vbroadcast v10, $0x0;
	v10 =	vand.u32 $0x7A, v11  }
0x2a2: {  	s1 =	simm.s32 @!p0 $0x8;
	[sflag:s28] =	ssyncadd.s32 $0xFFFFC000;
	v14 =	vbroadcast v10, $0x0;
	v10 =	vand.u32 $0x7B, v13;
	v19 =	vor.u32 v0, v12  }
0x2a3: {  	_ =	swait.ge @!p0 [sflag:s1], $0x2000;
	v20 =	vor.u32 v0, v15;
	v13 =	vbroadcast v10, $0x0;
	v10 =	vand.u32 $0x7C, v16  }
0x2a4: {  	[sflag:s1] =	ssyncset.done @!p0 $0x0;
	v16 =	vor.u32 v0, v14;
	v11 =	vbroadcast v10, $0x0;
	v10 =	vand.u32 $0x7D, v17  }
0x2a5: {  	v18 =	vand.u32 $0x7E, v18;
	[sflag:s1] =	ssyncadd.s32 @!p0 $0xFFFFE000;
	v17 =	vor.u32 v0, v13;
	v10 =	vbroadcast v10, $0x0  }
0x2a6: {  	v21 =	vld.idx.msk [tilespmem:v9+s18+$0x0], $0xffff;
	v9 =	vbroadcast v18, $0x0;
	v22 =	vor.u32 v0, v11  }
0x2a7: {  	v18 =	vor.u32 v0, v10;
	v19 =	vld.idx.msk [tilespmem:v19+s18+$0x0], $0xffff  }
0x2a8: {  	v23 =	vor.u32 v0, v9;
	v20 =	vld.idx.msk [tilespmem:v20+s18+$0x0], $0xffff  }
0x2a9: {  	v24 =	vor.u32 v1, v12;
	v16 =	vld.idx.msk [tilespmem:v16+s18+$0x0], $0xffff  }
0x2aa: {  	v25 =	vor.u32 v1, v15;
	v17 =	vld.idx.msk [tilespmem:v17+s18+$0x0], $0xffff  }
0x2ab: {  	s10 =	simm.s32 $0x1C600;
	v26 =	vor.u32 v1, v14;
	v22 =	vld.idx.msk [tilespmem:v22+s18+$0x0], $0xffff  }
0x2ac: {  	v27 =	vor.u32 v1, v13;
	[tilespmem:s10+$0xFFFFFE00] =	vst v21;
	v18 =	vld.idx.msk [tilespmem:v18+s18+$0x0], $0xffff  }
0x2ad: {  	v28 =	vor.u32 v1, v11;
	v23 =	vld.idx.msk [tilespmem:v23+s18+$0x0], $0xffff;
	[tilespmem:s10+$0x180] =	vst v19  }
0x2ae: {  	v19 =	vor.u32 v1, v10;
	[tilespmem:s10+$0xFFFFFE80] =	vst v20;
	v20 =	vld.idx.msk [tilespmem:v24+s18+$0x0], $0xffff  }
0x2af: {  	v24 =	vld.idx.msk [tilespmem:v25+s18+$0x0], $0xffff;
	[tilespmem:s10+$0xFFFFFF00] =	vst v16;
	v16 =	vor.u32 v1, v9  }
0x2b0: {  	v25 =	vld.idx.msk [tilespmem:v26+s18+$0x0], $0xffff;
	[tilespmem:s10+$0xFFFFFF80] =	vst v17;
	v17 =	vor.u32 v2, v12  }
0x2b1: {  	v26 =	vor.u32 v1, v8;
	v27 =	vld.idx.msk [tilespmem:v27+s18+$0x0], $0xffff;
	[tilespmem:s10+$0x0] =	vst v22  }
0x2b2: {  	v22 =	vor.u32 v2, v15;
	v28 =	vld.idx.msk [tilespmem:v28+s18+$0x0], $0xffff;
	[tilespmem:s10+$0x80] =	vst v18  }
0x2b3: {  	v18 =	vor.u32 v2, v14;
	[tilespmem:s10+$0x100] =	vst v23;
	v19 =	vld.idx.msk [tilespmem:v19+s18+$0x0], $0xffff  }
0x2b4: {  	v23 =	vor.u32 v2, v13;
	[tilespmem:s10+$0x190] =	vst v20;
	v16 =	vld.idx.msk [tilespmem:v16+s18+$0x0], $0xffff  }
0x2b5: {  	v20 =	vor.u32 v2, v11;
	[tilespmem:s10+$0xFFFFFE90] =	vst v24;
	v17 =	vld.idx.msk [tilespmem:v17+s18+$0x0], $0xffff  }
0x2b6: {  	v24 =	vor.u32 v2, v10;
	v21 =	vld.idx.msk [tilespmem:v26+s18+$0x0], $0xffff;
	[tilespmem:s10+$0xFFFFFF10] =	vst v25  }
0x2b7: {  	v25 =	vor.u32 v3, v12;
	v22 =	vld.idx.msk [tilespmem:v22+s18+$0x0], $0xffff;
	[tilespmem:s10+$0xFFFFFF90] =	vst v27  }
0x2b8: {  	v26 =	vor.u32 v2, v9;
	v18 =	vld.idx.msk [tilespmem:v18+s18+$0x0], $0xffff;
	[tilespmem:s10+$0x10] =	vst v28  }
0x2b9: {  	v27 =	vor.u32 v2, v8;
	v23 =	vld.idx.msk [tilespmem:v23+s18+$0x0], $0xffff;
	[tilespmem:s10+$0x90] =	vst v19  }
0x2ba: {  	v28 =	vor.u32 v3, v15;
	v20 =	vld.idx.msk [tilespmem:v20+s18+$0x0], $0xffff;
	[tilespmem:s10+$0x110] =	vst v16  }
0x2bb: {  	v19 =	vor.u32 v3, v14;
	v24 =	vld.idx.msk [tilespmem:v24+s18+$0x0], $0xffff;
	[tilespmem:s10+$0x1A0] =	vst v17  }
0x2bc: {  	v17 =	vor.u32 v3, v13;
	[tilespmem:s10+$0xFFFFFE10] =	vst v21;
	v16 =	vld.idx.msk [tilespmem:v25+s18+$0x0], $0xffff  }
0x2bd: {  	v21 =	vor.u32 v3, v11;
	v25 =	vld.idx.msk [tilespmem:v26+s18+$0x0], $0xffff;
	[tilespmem:s10+$0xFFFFFEA0] =	vst v22  }
0x2be: {  	v26 =	vld.idx.msk [tilespmem:v27+s18+$0x0], $0xffff;
	v22 =	vor.u32 v4, v12;
	[tilespmem:s10+$0xFFFFFF20] =	vst v18  }
0x2bf: {  	v27 =	vld.idx.msk [tilespmem:v28+s18+$0x0], $0xffff;
	v18 =	vor.u32 v3, v10;
	[tilespmem:s10+$0xFFFFFFA0] =	vst v23  }
0x2c0: {  	v23 =	vor.u32 v3, v9;
	v19 =	vld.idx.msk [tilespmem:v19+s18+$0x0], $0xffff;
	[tilespmem:s10+$0x20] =	vst v20  }
0x2c1: {  	v28 =	vor.u32 v3, v8;
	[tilespmem:s10+$0xA0] =	vst v24;
	v17 =	vld.idx.msk [tilespmem:v17+s18+$0x0], $0xffff  }
0x2c2: {  	v20 =	vor.u32 v4, v15;
	v21 =	vld.idx.msk [tilespmem:v21+s18+$0x0], $0xffff;
	[tilespmem:s10+$0x1B0] =	vst v16  }
0x2c3: {  	v16 =	vor.u32 v4, v14;
	[tilespmem:s10+$0x120] =	vst v25;
	v22 =	vld.idx.msk [tilespmem:v22+s18+$0x0], $0xffff  }
0x2c4: {  	v24 =	vor.u32 v4, v13;
	[tilespmem:s10+$0xFFFFFE20] =	vst v26;
	v18 =	vld.idx.msk [tilespmem:v18+s18+$0x0], $0xffff  }
0x2c5: {  	v23 =	vld.idx.msk [tilespmem:v23+s18+$0x0], $0xffff;
	[tilespmem:s10+$0xFFFFFEB0] =	vst v27;
	v27 =	vor.u32 v4, v11  }
0x2c6: {  	v25 =	vor.u32 v5, v12;
	v26 =	vld.idx.msk [tilespmem:v28+s18+$0x0], $0xffff;
	[tilespmem:s10+$0xFFFFFF30] =	vst v19  }
0x2c7: {  	v20 =	vld.idx.msk [tilespmem:v20+s18+$0x0], $0xffff;
	v19 =	vor.u32 v4, v10;
	[tilespmem:s10+$0xFFFFFFB0] =	vst v17  }
0x2c8: {  	v28 =	vor.u32 v4, v8;
	[tilespmem:s10+$0x30] =	vst v21;
	v16 =	vld.idx.msk [tilespmem:v16+s18+$0x0], $0xffff  }
0x2c9: {  	v17 =	vor.u32 v4, v9;
	v24 =	vld.idx.msk [tilespmem:v24+s18+$0x0], $0xffff;
	[tilespmem:s10+$0x1C0] =	vst v22  }
0x2ca: {  	v22 =	vor.u32 v5, v15;
	v27 =	vld.idx.msk [tilespmem:v27+s18+$0x0], $0xffff;
	[tilespmem:s10+$0xB0] =	vst v18  }
0x2cb: {  	[tilespmem:s10+$0x130] =	vst v23;
	v23 =	vor.u32 v5, v13;
	v21 =	vld.idx.msk [tilespmem:v25+s18+$0x0], $0xffff  }
0x2cc: {  	[tilespmem:s10+$0xFFFFFE30] =	vst v26;
	v25 =	vor.u32 v5, v14;
	v18 =	vld.idx.msk [tilespmem:v19+s18+$0x0], $0xffff  }
0x2cd: {  	v19 =	vor.u32 v6, v12;
	v26 =	vld.idx.msk [tilespmem:v28+s18+$0x0], $0xffff;
	[tilespmem:s10+$0xFFFFFEC0] =	vst v20  }
0x2ce: {  	v20 =	vor.u32 v5, v11;
	v17 =	vld.idx.msk [tilespmem:v17+s18+$0x0], $0xffff;
	[tilespmem:s10+$0xFFFFFF40] =	vst v16  }
0x2cf: {  	v16 =	vor.u32 v5, v10;
	[tilespmem:s10+$0xFFFFFFC0] =	vst v24;
	v22 =	vld.idx.msk [tilespmem:v22+s18+$0x0], $0xffff  }
0x2d0: {  	v28 =	vor.u32 v5, v9;
	v23 =	vld.idx.msk [tilespmem:v23+s18+$0x0], $0xffff  }
0x2d1: {  	v25 =	vld.idx.msk [tilespmem:v25+s18+$0x0], $0xffff;
	[tilespmem:s10+$0x1D0] =	vst v21;
	v21 =	vor.u32 v5, v8  }
0x2d2: {  	v24 =	vor.u32 v6, v15;
	[tilespmem:s10+$0x40] =	vst v27;
	v19 =	vld.idx.msk [tilespmem:v19+s18+$0x0], $0xffff  }
0x2d3: {  	v12 =	vor.u32 v7, v12;
	v20 =	vld.idx.msk [tilespmem:v20+s18+$0x0], $0xffff;
	[tilespmem:s10+$0xC0] =	vst v18  }
0x2d4: {  	v18 =	vor.u32 v6, v14;
	[tilespmem:s10+$0x140] =	vst v17;
	v29 =	vld.idx.msk [tilespmem:v16+s18+$0x0], $0xffff  }
0x2d5: {  	s11 =	simm.s32 $0x8;
	[tilespmem:s10+$0xFFFFFE40] =	vst v26;
	v16 =	vor.u32 v6, v13;
	v26 =	vld.idx.msk [tilespmem:v28+s18+$0x0], $0xffff  }
0x2d6: {  	[tilespmem:s10+$0xFFFFFED0] =	vst v22;
	v22 =	vor.u32 v6, v11;
	v30 =	vld.idx.msk [tilespmem:v21+s18+$0x0], $0xffff;
	v21 =	vmov s11  }
0x2d7: {  	v31 =	vor.u32 v6, v10;
	v17 =	vld.idx.msk [tilespmem:v24+s18+$0x0], $0xffff;
	[tilespmem:s10+$0x1E0] =	vst v19;
	v19 =	vand.u32 $0x78, v21  }
0x2d8: {  	v32 =	vor.u32 v6, v9;
	[tilespmem:s10+$0xFFFFFF50] =	vst v25;
	v27 =	vld.idx.msk [tilespmem:v12+s18+$0x0], $0xffff;
	v12 =	vbroadcast v19, $0x0  }
0x2d9: {  	v28 =	vor.u32 v6, v8;
	[tilespmem:s10+$0xFFFFFFD0] =	vst v23;
	v21 =	vld.idx.msk [tilespmem:v18+s18+$0x0], $0xffff  }
0x2da: {  	[tilespmem:s10+$0x50] =	vst v20;
	v18 =	vld.idx.msk [tilespmem:v16+s18+$0x0], $0xffff;
	v16 =	vor.u32 v0, v12  }
0x2db: {  	s30 =	simm.s32 $0xA;
	s1 =	simm.s32 $0x9;
	v24 =	vor.u32 v7, v15;
	[tilespmem:s10+$0xD0] =	vst v29;
	v19 =	vld.idx.msk [tilespmem:v22+s18+$0x0], $0xffff  }
0x2dc: {  	v14 =	vor.u32 v7, v14;
	v15 =	vmov s1;
	v25 =	vmov s30;
	s1 =	simm.s32 $0xB;
	s30 =	simm.s32 $0xC;
	[tilespmem:s10+$0x150] =	vst v26;
	v20 =	vld.idx.msk [tilespmem:v31+s18+$0x0], $0xffff  }
0x2dd: {  	s31 =	simm.s32 $0xF;
	v13 =	vor.u32 v7, v13;
	v26 =	vmov s1;
	s1 =	simm.s32 $0xD;
	v22 =	vmov s30;
	s30 =	simm.s32 $0x10;
	v23 =	vld.idx.msk [tilespmem:v32+s18+$0x0], $0xffff;
	[tilespmem:s10+$0xFFFFFE50] =	vst v30  }
.LBB2_9:
0x2de: {  	p0 =	slt.u32 s30, $0x38;
	v29 =	vmov s1;
	s1 =	sadd.s32 $0x6, s11;
	v30 =	vmov s31;
	v28 =	vld.idx.msk [tilespmem:v28+s18+$0x0], $0xffff;
	v11 =	vor.u32 v7, v11;
	[tilespmem:s10+$0x1F0] =	vst v27;
	s11 =	smov.u32 s30  }
0x2df: {  	v10 =	vor.u32 v7, v10;
	v27 =	vld.idx.msk [tilespmem:v16+s18+$0x0], $0xffff;
	v31 =	vmov s1;
	v16 =	vand.u32 $0x7F, v30;
	[tilespmem:s10+$0xFFFFFEE0] =	vst v17  }
0x2e0: {  	v15 =	vand.u32 $0x79, v15;
	v9 =	vor.u32 v7, v9;
	v16 =	vbroadcast v16, $0x0;
	v17 =	vld.idx.msk [tilespmem:v24+s18+$0x0], $0xffff;
	[tilespmem:s10+$0xFFFFFF60] =	vst v21  }
0x2e1: {  	v15 =	vbroadcast v15, $0x0;
	v21 =	vand.u32 $0x7A, v25;
	v24 =	vor.u32 v7, v8;
	v8 =	vmovc v12;
	v25 =	vld.idx.msk [tilespmem:v14+s18+$0x0], $0xffff;
	[tilespmem:s10+$0xFFFFFFE0] =	vst v18  }
0x2e2: {  	v12 =	vand.u32 $0x7B, v26;
	v14 =	vbroadcast v21, $0x0;
	v18 =	vor.u32 v0, v16;
	v21 =	vld.idx.msk [tilespmem:v13+s18+$0x0], $0xffff;
	[tilespmem:s10+$0x60] =	vst v19  }
0x2e3: {  	v19 =	vor.u32 v0, v15;
	v13 =	vbroadcast v12, $0x0;
	v12 =	vand.u32 $0x7C, v22;
	v22 =	vld.idx.msk [tilespmem:v11+s18+$0x0], $0xffff;
	[tilespmem:s10+$0xE0] =	vst v20  }
0x2e4: {  	v20 =	vor.u32 v0, v14;
	v11 =	vbroadcast v12, $0x0;
	v12 =	vand.u32 $0x7D, v29;
	v26 =	vld.idx.msk [tilespmem:v10+s18+$0x0], $0xffff;
	[tilespmem:s10+$0x160] =	vst v23  }
0x2e5: {  	v23 =	vor.u32 v0, v13;
	v10 =	vbroadcast v12, $0x0;
	v12 =	vand.u32 $0x7E, v31;
	[tilespmem:s10+$0xFFFFFE60] =	vst v28;
	v28 =	vld.idx.msk [tilespmem:v9+s18+$0x0], $0xffff  }
0x2e6: {  	v29 =	vor.u32 v0, v11;
	v9 =	vbroadcast v12, $0x0;
	v12 =	vld.idx.msk [tilespmem:v24+s18+$0x0], $0xffff;
	[tilespmem:s10+$0xFFFFFEF0] =	vst v17  }
0x2e7: {  	v17 =	vor.u32 v0, v10;
	v18 =	vld.idx.msk [tilespmem:v18+s18+$0x0], $0xffff;
	[tilespmem:s10+$0xFFFFFF70] =	vst v25  }
0x2e8: {  	v24 =	vor.u32 v0, v9;
	v19 =	vld.idx.msk [tilespmem:v19+s18+$0x0], $0xffff;
	[tilespmem:s10+$0xFFFFFFF0] =	vst v21  }
0x2e9: {  	v21 =	vor.u32 v1, v16;
	v20 =	vld.idx.msk [tilespmem:v20+s18+$0x0], $0xffff;
	[tilespmem:s10+$0x70] =	vst v22  }
0x2ea: {  	v22 =	vor.u32 v1, v15;
	v23 =	vld.idx.msk [tilespmem:v23+s18+$0x0], $0xffff;
	[tilespmem:s10+$0xF0] =	vst v26  }
0x2eb: {  	v25 =	vor.u32 v1, v14;
	v26 =	vld.idx.msk [tilespmem:v29+s18+$0x0], $0xffff;
	[tilespmem:s10+$0x170] =	vst v28  }
0x2ec: {  	v28 =	vor.u32 v1, v13;
	v17 =	vld.idx.msk [tilespmem:v17+s18+$0x0], $0xffff;
	[tilespmem:s10+$0xFFFFFE70] =	vst v12;
	s10 =	sadd.s32 $0x400, s10  }
0x2ed: {  	v12 =	vor.u32 v1, v11;
	v24 =	vld.idx.msk [tilespmem:v24+s18+$0x0], $0xffff;
	[tilespmem:s10+$0x180] =	vst v18  }
0x2ee: {  	v18 =	vor.u32 v1, v10;
	[tilespmem:s10+$0xFFFFFE80] =	vst v19;
	v19 =	vld.idx.msk [tilespmem:v21+s18+$0x0], $0xffff  }
0x2ef: {  	v21 =	vld.idx.msk [tilespmem:v22+s18+$0x0], $0xffff;
	[tilespmem:s10+$0xFFFFFF00] =	vst v20;
	v20 =	vor.u32 v1, v9  }
0x2f0: {  	v22 =	vld.idx.msk [tilespmem:v25+s18+$0x0], $0xffff;
	[tilespmem:s10+$0xFFFFFF80] =	vst v23;
	v23 =	vor.u32 v2, v16  }
0x2f1: {  	v25 =	vor.u32 v1, v8;
	v28 =	vld.idx.msk [tilespmem:v28+s18+$0x0], $0xffff;
	[tilespmem:s10+$0x0] =	vst v26  }
0x2f2: {  	v26 =	vor.u32 v2, v15;
	v12 =	vld.idx.msk [tilespmem:v12+s18+$0x0], $0xffff;
	[tilespmem:s10+$0x80] =	vst v17  }
0x2f3: {  	v17 =	vor.u32 v2, v14;
	v18 =	vld.idx.msk [tilespmem:v18+s18+$0x0], $0xffff;
	[tilespmem:s10+$0x100] =	vst v24  }
0x2f4: {  	v24 =	vor.u32 v2, v13;
	v20 =	vld.idx.msk [tilespmem:v20+s18+$0x0], $0xffff;
	[tilespmem:s10+$0x190] =	vst v19  }
0x2f5: {  	v19 =	vor.u32 v2, v11;
	[tilespmem:s10+$0xFFFFFE00] =	vst v27;
	v23 =	vld.idx.msk [tilespmem:v23+s18+$0x0], $0xffff  }
0x2f6: {  	v25 =	vld.idx.msk [tilespmem:v25+s18+$0x0], $0xffff;
	[tilespmem:s10+$0xFFFFFE90] =	vst v21;
	v21 =	vor.u32 v2, v10  }
0x2f7: {  	v26 =	vld.idx.msk [tilespmem:v26+s18+$0x0], $0xffff;
	[tilespmem:s10+$0xFFFFFF10] =	vst v22;
	v22 =	vor.u32 v3, v16  }
0x2f8: {  	v27 =	vor.u32 v2, v9;
	v17 =	vld.idx.msk [tilespmem:v17+s18+$0x0], $0xffff;
	[tilespmem:s10+$0xFFFFFF90] =	vst v28  }
0x2f9: {  	v28 =	vor.u32 v2, v8;
	v24 =	vld.idx.msk [tilespmem:v24+s18+$0x0], $0xffff;
	[tilespmem:s10+$0x10] =	vst v12  }
0x2fa: {  	v12 =	vor.u32 v3, v15;
	v19 =	vld.idx.msk [tilespmem:v19+s18+$0x0], $0xffff;
	[tilespmem:s10+$0x90] =	vst v18  }
0x2fb: {  	v18 =	vor.u32 v3, v14;
	v21 =	vld.idx.msk [tilespmem:v21+s18+$0x0], $0xffff;
	[tilespmem:s10+$0x1A0] =	vst v23  }
0x2fc: {  	v23 =	vor.u32 v3, v13;
	[tilespmem:s10+$0x110] =	vst v20;
	v20 =	vld.idx.msk [tilespmem:v22+s18+$0x0], $0xffff  }
0x2fd: {  	v22 =	vor.u32 v3, v11;
	[tilespmem:s10+$0xFFFFFE10] =	vst v25;
	v25 =	vld.idx.msk [tilespmem:v27+s18+$0x0], $0xffff  }
0x2fe: {  	v27 =	vld.idx.msk [tilespmem:v28+s18+$0x0], $0xffff;
	[tilespmem:s10+$0xFFFFFEA0] =	vst v26;
	v26 =	vor.u32 v4, v16  }
0x2ff: {  	v12 =	vld.idx.msk [tilespmem:v12+s18+$0x0], $0xffff;
	[tilespmem:s10+$0xFFFFFF20] =	vst v17;
	v17 =	vor.u32 v3, v10  }
0x300: {  	v18 =	vld.idx.msk [tilespmem:v18+s18+$0x0], $0xffff;
	[tilespmem:s10+$0xFFFFFFA0] =	vst v24;
	v24 =	vor.u32 v3, v9  }
0x301: {  	v28 =	vor.u32 v3, v8;
	v23 =	vld.idx.msk [tilespmem:v23+s18+$0x0], $0xffff;
	[tilespmem:s10+$0x20] =	vst v19  }
0x302: {  	v19 =	vor.u32 v4, v15;
	v22 =	vld.idx.msk [tilespmem:v22+s18+$0x0], $0xffff;
	[tilespmem:s10+$0x1B0] =	vst v20  }
0x303: {  	v20 =	vor.u32 v4, v14;
	[tilespmem:s10+$0xA0] =	vst v21;
	v21 =	vld.idx.msk [tilespmem:v26+s18+$0x0], $0xffff  }
0x304: {  	v26 =	vor.u32 v4, v13;
	v17 =	vld.idx.msk [tilespmem:v17+s18+$0x0], $0xffff;
	[tilespmem:s10+$0x120] =	vst v25  }
0x305: {  	v25 =	vor.u32 v5, v16;
	[tilespmem:s10+$0xFFFFFE20] =	vst v27;
	v24 =	vld.idx.msk [tilespmem:v24+s18+$0x0], $0xffff  }
0x306: {  	v27 =	vld.idx.msk [tilespmem:v28+s18+$0x0], $0xffff;
	[tilespmem:s10+$0xFFFFFEB0] =	vst v12;
	v12 =	vor.u32 v4, v11  }
0x307: {  	v19 =	vld.idx.msk [tilespmem:v19+s18+$0x0], $0xffff;
	[tilespmem:s10+$0xFFFFFF30] =	vst v18;
	v18 =	vor.u32 v4, v10  }
0x308: {  	v20 =	vld.idx.msk [tilespmem:v20+s18+$0x0], $0xffff;
	[tilespmem:s10+$0xFFFFFFB0] =	vst v23;
	v23 =	vor.u32 v4, v9  }
0x309: {  	v28 =	vor.u32 v4, v8;
	v26 =	vld.idx.msk [tilespmem:v26+s18+$0x0], $0xffff;
	[tilespmem:s10+$0x1C0] =	vst v21  }
0x30a: {  	v21 =	vor.u32 v5, v15;
	[tilespmem:s10+$0x30] =	vst v22;
	v22 =	vld.idx.msk [tilespmem:v25+s18+$0x0], $0xffff  }
0x30b: {  	v25 =	vor.u32 v5, v14;
	v12 =	vld.idx.msk [tilespmem:v12+s18+$0x0], $0xffff;
	[tilespmem:s10+$0xB0] =	vst v17  }
0x30c: {  	v17 =	vld.idx.msk [tilespmem:v18+s18+$0x0], $0xffff;
	[tilespmem:s10+$0x130] =	vst v24;
	v18 =	vor.u32 v6, v16  }
0x30d: {  	v24 =	vor.u32 v5, v13;
	[tilespmem:s10+$0xFFFFFE30] =	vst v27;
	v23 =	vld.idx.msk [tilespmem:v23+s18+$0x0], $0xffff  }
0x30e: {  	v27 =	vld.idx.msk [tilespmem:v28+s18+$0x0], $0xffff;
	[tilespmem:s10+$0xFFFFFEC0] =	vst v19;
	v19 =	vor.u32 v5, v11  }
0x30f: {  	v21 =	vld.idx.msk [tilespmem:v21+s18+$0x0], $0xffff;
	[tilespmem:s10+$0xFFFFFF40] =	vst v20;
	v20 =	vor.u32 v5, v10  }
0x310: {  	v28 =	vor.u32 v5, v9;
	v25 =	vld.idx.msk [tilespmem:v25+s18+$0x0], $0xffff;
	[tilespmem:s10+$0x1D0] =	vst v22  }
0x311: {  	v22 =	vor.u32 v5, v8;
	[tilespmem:s10+$0xFFFFFFC0] =	vst v26;
	v18 =	vld.idx.msk [tilespmem:v18+s18+$0x0], $0xffff  }
0x312: {  	v26 =	vor.u32 v6, v15;
	v24 =	vld.idx.msk [tilespmem:v24+s18+$0x0], $0xffff;
	[tilespmem:s10+$0x40] =	vst v12  }
0x313: {  	v16 =	vor.u32 v7, v16;
	v19 =	vld.idx.msk [tilespmem:v19+s18+$0x0], $0xffff;
	[tilespmem:s10+$0xC0] =	vst v17  }
0x314: {  	v29 =	vor.u32 v6, v14;
	v20 =	vld.idx.msk [tilespmem:v20+s18+$0x0], $0xffff;
	[tilespmem:s10+$0x140] =	vst v23  }
0x315: {  	v23 =	vor.u32 v6, v13;
	[tilespmem:s10+$0xFFFFFE40] =	vst v27;
	v30 =	vld.idx.msk [tilespmem:v28+s18+$0x0], $0xffff  }
0x316: {  	v12 =	vmov s30;
	v31 =	vld.idx.msk [tilespmem:v22+s18+$0x0], $0xffff;
	[tilespmem:s10+$0xFFFFFED0] =	vst v21;
	v22 =	vor.u32 v6, v11  }
0x317: {  	v12 =	vand.u32 $0x78, v12;
	v17 =	vld.idx.msk [tilespmem:v26+s18+$0x0], $0xffff;
	v26 =	vor.u32 v6, v10;
	[tilespmem:s10+$0x1E0] =	vst v18  }
0x318: {  	v32 =	vor.u32 v6, v9;
	v12 =	vbroadcast v12, $0x0;
	[tilespmem:s10+$0xFFFFFF50] =	vst v25;
	v27 =	vld.idx.msk [tilespmem:v16+s18+$0x0], $0xffff  }
.Ltmp3:
0x319: {  	v28 =	vor.u32 v6, v8;
	v21 =	vld.idx.msk [tilespmem:v29+s18+$0x0], $0xffff;
	[tilespmem:s10+$0xFFFFFFD0] =	vst v24;
	(pc) =	sbr.rel @p0 .LBB2_9-.Ltmp3, $4  }
0x31a: {  	v16 =	vor.u32 v0, v12;
	v18 =	vld.idx.msk [tilespmem:v23+s18+$0x0], $0xffff;
	[tilespmem:s10+$0x50] =	vst v19  }
0x31b: {  	s31 =	sadd.s32 $0x2, s30;
	s1 =	sadd.s32 $0x1, s30;
	v24 =	vor.u32 v7, v15;
	v19 =	vld.idx.msk [tilespmem:v22+s18+$0x0], $0xffff;
	[tilespmem:s10+$0xD0] =	vst v20  }
0x31c: {  	v14 =	vor.u32 v7, v14;
	v25 =	vmov s31;
	s31 =	sadd.s32 $0x4, s30;
	v15 =	vmov s1;
	s1 =	sadd.s32 $0x3, s30;
	v20 =	vld.idx.msk [tilespmem:v26+s18+$0x0], $0xffff;
	[tilespmem:s10+$0x150] =	vst v30  }
0x31d: {  	v13 =	vor.u32 v7, v13;
	s30 =	sadd.s32 $0x8, s30;
	v22 =	vmov s31;
	s31 =	sadd.s32 $0x7, s11;
	v26 =	vmov s1;
	s1 =	sadd.s32 $0x5, s11;
	[tilespmem:s10+$0xFFFFFE50] =	vst v31;
	v23 =	vld.idx.msk [tilespmem:v32+s18+$0x0], $0xffff  }
0x31e: {  	_ =	sdelay $0x1  }
0x31f: {  	[tilespmem:s10+$0x1F0] =	vst v27  }
0x320: {  	[tilespmem:s10+$0xFFFFFEE0] =	vst v17  }
0x321: {  	v11 =	vor.u32 v7, v11;
	v48 =	vld.idx.msk [tilespmem:v28+s18+$0x0], $0xffff;
	[tilespmem:s10+$0xFFFFFF60] =	vst v21  }
0x322: {  	v47 =	vmov s1;
	v29 =	vmov s31;
	v30 =	vor.u32 v7, v10;
	v16 =	vld.idx.msk [tilespmem:v16+s18+$0x0], $0xffff;
	[tilespmem:s10+$0xFFFFFFE0] =	vst v18  }
0x323: {  	v50 =	vand.u32 $0x79, v15;
	v52 =	vor.u32 v7, v9;
	v53 =	vand.u32 $0x7A, v25;
	v51 =	vld.idx.msk [tilespmem:v24+s18+$0x0], $0xffff;
	[tilespmem:s10+$0x60] =	vst v19  }
0x324: {  	s11 =	sadd.s32 $0x6, s11;
	v54 =	vor.u32 v7, v8;
	v56 =	vand.u32 $0x7B, v26;
	v9 =	vbroadcast v50, $0x0;
	v55 =	vld.idx.msk [tilespmem:v14+s18+$0x0], $0xffff;
	[tilespmem:s10+$0xE0] =	vst v20  }
0x325: {  	v46 =	vor.u32 v1, v12;
	v49 =	vmov s11;
	v8 =	vbroadcast v53, $0x0;
	v58 =	vld.idx.msk [tilespmem:v13+s18+$0x0], $0xffff;
	[tilespmem:s10+$0x160] =	vst v23  }
0x326: {  	s30 =	sadd.s32 $0x400, s10;
	v29 =	vand.u32 $0x7F, v29;
	v10 =	vbroadcast v56, $0x0;
	v59 =	vor.u32 v0, v9;
	v61 =	vld.idx.msk [tilespmem:v11+s18+$0x0], $0xffff;
	[tilespmem:s10+$0xFFFFFE60] =	vst v48  }
0x327: {  	v63 =	vand.u32 $0x7D, v47;
	v15 =	vbroadcast v29, $0x0;
	v62 =	vor.u32 v0, v8;
	v30 =	vld.idx.msk [tilespmem:v30+s18+$0x0], $0xffff;
	[tilespmem:s30+$0xFFFFFE00] =	vst v16  }
0x328: {  	v13 =	vbroadcast v63, $0x0;
	v32 =	vand.u32 $0x7E, v49;
	v31 =	vor.u32 v0, v10;
	v24 =	vld.idx.msk [tilespmem:v52+s18+$0x0], $0xffff;
	[tilespmem:s10+$0xFFFFFEF0] =	vst v51  }
0x329: {  	v60 =	vand.u32 $0x7C, v22;
	v14 =	vbroadcast v32, $0x0;
	v57 =	vor.u32 v0, v15;
	v18 =	vld.idx.msk [tilespmem:v54+s18+$0x0], $0xffff;
	[tilespmem:s10+$0xFFFFFF70] =	vst v55  }
0x32a: {  	v34 =	vor.u32 v0, v13;
	v11 =	vbroadcast v60, $0x0;
	v52 =	vld.idx.msk [tilespmem:v46+s18+$0x0], $0xffff;
	[tilespmem:s10+$0xFFFFFFF0] =	vst v58  }
0x32b: {  	v35 =	vor.u32 v0, v14;
	v20 =	vld.idx.msk [tilespmem:v59+s18+$0x0], $0xffff;
	[tilespmem:s10+$0x70] =	vst v61  }
0x32c: {  	v33 =	vor.u32 v0, v11;
	v36 =	vld.idx.msk [tilespmem:v62+s18+$0x0], $0xffff;
	[tilespmem:s10+$0xF0] =	vst v30  }
0x32d: {  	v38 =	vor.u32 v1, v9;
	v17 =	vld.idx.msk [tilespmem:v31+s18+$0x0], $0xffff;
	[tilespmem:s10+$0x170] =	vst v24  }
0x32e: {  	v39 =	vor.u32 v1, v8;
	v19 =	vld.idx.msk [tilespmem:v57+s18+$0x0], $0xffff;
	[tilespmem:s10+$0xFFFFFE70] =	vst v18  }
0x32f: {  	v40 =	vor.u32 v1, v10;
	v25 =	vld.idx.msk [tilespmem:v34+s18+$0x0], $0xffff;
	[tilespmem:s30+$0xFFFFFE10] =	vst v52  }
0x330: {  	v37 =	vor.u32 v1, v15;
	v26 =	vld.idx.msk [tilespmem:v35+s18+$0x0], $0xffff;
	[tilespmem:s30+$0xFFFFFE80] =	vst v20  }
0x331: {  	v42 =	vor.u32 v1, v13;
	v21 =	vld.idx.msk [tilespmem:v33+s18+$0x0], $0xffff;
	[tilespmem:s30+$0xFFFFFF00] =	vst v36  }
0x332: {  	v45 =	vor.u32 v1, v14;
	[tilespmem:s30+$0xFFFFFF80] =	vst v17;
	v43 =	vld.idx.msk [tilespmem:v38+s18+$0x0], $0xffff  }
0x333: {  	v41 =	vor.u32 v1, v11;
	[tilespmem:s30+$0x180] =	vst v19;
	v18 =	vld.idx.msk [tilespmem:v39+s18+$0x0], $0xffff  }
0x334: {  	v47 =	vor.u32 v2, v9;
	[tilespmem:s30+$0x80] =	vst v25;
	v19 =	vld.idx.msk [tilespmem:v40+s18+$0x0], $0xffff  }
0x335: {  	v48 =	vor.u32 v2, v8;
	v23 =	vld.idx.msk [tilespmem:v37+s18+$0x0], $0xffff;
	[tilespmem:s30+$0x100] =	vst v26  }
0x336: {  	v49 =	vor.u32 v2, v10;
	v22 =	vld.idx.msk [tilespmem:v42+s18+$0x0], $0xffff;
	[tilespmem:s30+$0x0] =	vst v21  }
0x337: {  	v57 =	vor.u32 v2, v12;
	v50 =	vld.idx.msk [tilespmem:v45+s18+$0x0], $0xffff;
	[tilespmem:s30+$0xFFFFFE90] =	vst v43  }
0x338: {  	v44 =	vor.u32 v2, v15;
	v20 =	vld.idx.msk [tilespmem:v41+s18+$0x0], $0xffff;
	[tilespmem:s30+$0xFFFFFF10] =	vst v18  }
0x339: {  	v54 =	vor.u32 v2, v13;
	[tilespmem:s30+$0xFFFFFF90] =	vst v19;
	v26 =	vld.idx.msk [tilespmem:v47+s18+$0x0], $0xffff  }
0x33a: {  	v56 =	vor.u32 v2, v14;
	[tilespmem:s30+$0x190] =	vst v23;
	v55 =	vld.idx.msk [tilespmem:v48+s18+$0x0], $0xffff  }
0x33b: {  	v51 =	vor.u32 v2, v11;
	[tilespmem:s30+$0x90] =	vst v22;
	v16 =	vld.idx.msk [tilespmem:v49+s18+$0x0], $0xffff  }
0x33c: {  	v58 =	vor.u32 v3, v9;
	v22 =	vld.idx.msk [tilespmem:v57+s18+$0x0], $0xffff;
	[tilespmem:s30+$0x110] =	vst v50  }
0x33d: {  	v59 =	vor.u32 v3, v8;
	v24 =	vld.idx.msk [tilespmem:v44+s18+$0x0], $0xffff;
	[tilespmem:s30+$0x10] =	vst v20  }
0x33e: {  	v61 =	vor.u32 v3, v10;
	v60 =	vld.idx.msk [tilespmem:v54+s18+$0x0], $0xffff;
	[tilespmem:s30+$0xFFFFFEA0] =	vst v26  }
0x33f: {  	v31 =	vor.u32 v3, v12;
	v23 =	vld.idx.msk [tilespmem:v56+s18+$0x0], $0xffff;
	[tilespmem:s30+$0xFFFFFF20] =	vst v55  }
0x340: {  	v53 =	vor.u32 v3, v15;
	v21 =	vld.idx.msk [tilespmem:v51+s18+$0x0], $0xffff;
	[tilespmem:s30+$0xFFFFFFA0] =	vst v16  }
0x341: {  	v29 =	vor.u32 v3, v13;
	[tilespmem:s30+$0xFFFFFE20] =	vst v22;
	v28 =	vld.idx.msk [tilespmem:v58+s18+$0x0], $0xffff  }
0x342: {  	v30 =	vor.u32 v3, v14;
	[tilespmem:s30+$0x1A0] =	vst v24;
	v17 =	vld.idx.msk [tilespmem:v59+s18+$0x0], $0xffff  }
0x343: {  	v63 =	vor.u32 v3, v11;
	v19 =	vld.idx.msk [tilespmem:v61+s18+$0x0], $0xffff;
	[tilespmem:s30+$0xA0] =	vst v60  }
0x344: {  	v32 =	vor.u32 v4, v9;
	v37 =	vld.idx.msk [tilespmem:v31+s18+$0x0], $0xffff;
	[tilespmem:s30+$0x120] =	vst v23  }
0x345: {  	v33 =	vor.u32 v4, v8;
	v25 =	vld.idx.msk [tilespmem:v53+s18+$0x0], $0xffff;
	[tilespmem:s30+$0x20] =	vst v21  }
0x346: {  	v62 =	vor.u32 v4, v15;
	v34 =	vld.idx.msk [tilespmem:v29+s18+$0x0], $0xffff;
	[tilespmem:s30+$0xFFFFFEB0] =	vst v28  }
0x347: {  	v36 =	vor.u32 v4, v10;
	v21 =	vld.idx.msk [tilespmem:v30+s18+$0x0], $0xffff;
	[tilespmem:s30+$0xFFFFFF30] =	vst v17  }
0x348: {  	v39 =	vor.u32 v4, v13;
	v20 =	vld.idx.msk [tilespmem:v63+s18+$0x0], $0xffff;
	[tilespmem:s30+$0xFFFFFFB0] =	vst v19  }
0x349: {  	v41 =	vor.u32 v4, v12;
	[tilespmem:s30+$0xFFFFFE30] =	vst v37;
	v18 =	vld.idx.msk [tilespmem:v32+s18+$0x0], $0xffff  }
0x34a: {  	v38 =	vor.u32 v4, v11;
	[tilespmem:s30+$0x1B0] =	vst v25;
	v23 =	vld.idx.msk [tilespmem:v33+s18+$0x0], $0xffff  }
0x34b: {  	v40 =	vor.u32 v4, v14;
	[tilespmem:s30+$0xB0] =	vst v34;
	v26 =	vld.idx.msk [tilespmem:v62+s18+$0x0], $0xffff  }
0x34c: {  	v42 =	vor.u32 v5, v9;
	v16 =	vld.idx.msk [tilespmem:v36+s18+$0x0], $0xffff;
	[tilespmem:s30+$0x130] =	vst v21  }
0x34d: {  	v35 =	vor.u32 v5, v15;
	v19 =	vld.idx.msk [tilespmem:v39+s18+$0x0], $0xffff;
	[tilespmem:s30+$0x30] =	vst v20  }
0x34e: {  	v45 =	vor.u32 v5, v8;
	v20 =	vld.idx.msk [tilespmem:v41+s18+$0x0], $0xffff;
	[tilespmem:s30+$0xFFFFFEC0] =	vst v18  }
0x34f: {  	v46 =	vor.u32 v5, v10;
	v43 =	vld.idx.msk [tilespmem:v38+s18+$0x0], $0xffff;
	[tilespmem:s30+$0xFFFFFF40] =	vst v23  }
0x350: {  	v50 =	vor.u32 v5, v12;
	[tilespmem:s30+$0x1C0] =	vst v26;
	v26 =	vld.idx.msk [tilespmem:v40+s18+$0x0], $0xffff  }
0x351: {  	v47 =	vor.u32 v5, v11;
	[tilespmem:s30+$0xFFFFFFC0] =	vst v16;
	v22 =	vld.idx.msk [tilespmem:v42+s18+$0x0], $0xffff  }
0x352: {  	v48 =	vor.u32 v5, v13;
	[tilespmem:s30+$0xC0] =	vst v19;
	v24 =	vld.idx.msk [tilespmem:v35+s18+$0x0], $0xffff  }
0x353: {  	v49 =	vor.u32 v5, v14;
	v17 =	vld.idx.msk [tilespmem:v45+s18+$0x0], $0xffff;
	[tilespmem:s30+$0xFFFFFE40] =	vst v20  }
0x354: {  	v51 =	vor.u32 v6, v9;
	v18 =	vld.idx.msk [tilespmem:v46+s18+$0x0], $0xffff;
	[tilespmem:s30+$0x40] =	vst v43  }
0x355: {  	v52 =	vor.u32 v6, v8;
	v21 =	vld.idx.msk [tilespmem:v50+s18+$0x0], $0xffff;
	[tilespmem:s30+$0x140] =	vst v26  }
0x356: {  	v53 =	vor.u32 v6, v10;
	v23 =	vld.idx.msk [tilespmem:v47+s18+$0x0], $0xffff;
	[tilespmem:s30+$0xFFFFFED0] =	vst v22  }
0x357: {  	v44 =	vor.u32 v6, v15;
	[tilespmem:s30+$0x1D0] =	vst v24;
	v24 =	vld.idx.msk [tilespmem:v48+s18+$0x0], $0xffff  }
0x358: {  	v58 =	vor.u32 v6, v12;
	[tilespmem:s30+$0xFFFFFF50] =	vst v17;
	v16 =	vld.idx.msk [tilespmem:v49+s18+$0x0], $0xffff  }
0x359: {  	v54 =	vor.u32 v6, v11;
	[tilespmem:s30+$0xFFFFFFD0] =	vst v18;
	v56 =	vld.idx.msk [tilespmem:v51+s18+$0x0], $0xffff  }
0x35a: {  	v55 =	vor.u32 v6, v13;
	v20 =	vld.idx.msk [tilespmem:v52+s18+$0x0], $0xffff;
	[tilespmem:s30+$0xFFFFFE50] =	vst v21  }
0x35b: {  	v57 =	vor.u32 v6, v14;
	v22 =	vld.idx.msk [tilespmem:v53+s18+$0x0], $0xffff;
	[tilespmem:s30+$0x50] =	vst v23  }
0x35c: {  	v9 =	vor.u32 v7, v9;
	v25 =	vld.idx.msk [tilespmem:v44+s18+$0x0], $0xffff;
	[tilespmem:s30+$0xD0] =	vst v24  }
0x35d: {  	v8 =	vor.u32 v7, v8;
	v61 =	vld.idx.msk [tilespmem:v58+s18+$0x0], $0xffff;
	[tilespmem:s30+$0x150] =	vst v16  }
0x35e: {  	v10 =	vor.u32 v7, v10;
	v59 =	vld.idx.msk [tilespmem:v54+s18+$0x0], $0xffff;
	[tilespmem:s30+$0xFFFFFEE0] =	vst v56  }
0x35f: {  	v15 =	vor.u32 v7, v15;
	[tilespmem:s30+$0xFFFFFF60] =	vst v20;
	v17 =	vld.idx.msk [tilespmem:v55+s18+$0x0], $0xffff  }
0x360: {  	v62 =	vor.u32 v7, v12;
	[tilespmem:s30+$0xFFFFFFE0] =	vst v22;
	v60 =	vld.idx.msk [tilespmem:v57+s18+$0x0], $0xffff  }
0x361: {  	v11 =	vor.u32 v7, v11;
	[tilespmem:s30+$0x1E0] =	vst v25;
	v9 =	vld.idx.msk [tilespmem:v9+s18+$0x0], $0xffff  }
0x362: {  	v13 =	vor.u32 v7, v13;
	v8 =	vld.idx.msk [tilespmem:v8+s18+$0x0], $0xffff;
	[tilespmem:s30+$0xFFFFFE60] =	vst v61  }
0x363: {  	v14 =	vor.u32 v7, v14;
	v10 =	vld.idx.msk [tilespmem:v10+s18+$0x0], $0xffff;
	[tilespmem:s30+$0x60] =	vst v59  }
0x364: {  	v15 =	vld.idx.msk [tilespmem:v15+s18+$0x0], $0xffff;
	[tilespmem:s30+$0xE0] =	vst v17  }
0x365: {  	v63 =	vld.idx.msk [tilespmem:v62+s18+$0x0], $0xffff;
	[tilespmem:s30+$0x160] =	vst v60  }
0x366: {  	v11 =	vld.idx.msk [tilespmem:v11+s18+$0x0], $0xffff;
	[tilespmem:s30+$0xFFFFFEF0] =	vst v9  }
0x367: {  	[tilespmem:s30+$0xFFFFFF70] =	vst v8;
	v13 =	vld.idx.msk [tilespmem:v13+s18+$0x0], $0xffff  }
0x368: {  	[tilespmem:s30+$0xFFFFFFF0] =	vst v10;
	v14 =	vld.idx.msk [tilespmem:v14+s18+$0x0], $0xffff  }
0x369: {  	[tilespmem:s30+$0x1F0] =	vst v15  }
0x36a: {  	[tilespmem:s30+$0xFFFFFE70] =	vst v63  }
0x36b: {  	[tilespmem:s30+$0x70] =	vst v11  }
0x36c: {  	s1 =	sor.u32 @!p1 $0x180, s5;
	s5 =	simm.s32 @!p1 $0x80;
	p0 =	sne.s32 s17, $0x32;
	[tilespmem:s30+$0xF0] =	vst v13  }
.Ltmp4:
0x36d: {  	s31 =	sor.u32 s9, s3;
	s10 =	simm.s32 @!p1 $0x12400;
	[tilespmem:s30+$0x170] =	vst v14;
	(pc) =	sbr.rel @p0 .LBB2_2-.Ltmp4, $4  }
0x36e: {  	[tilespmem:s10], [sflag:$0x4] =	stream.indirect.gather @!p1 [hbm4b:s4+s5], $0x80, s1, s5, $0xb8;
	[tilespmem:$0x1E400] =	vst v63  }
0x36f: {  	s1 =	sshrl.u32 s31, $0x3  }
0x370: {  	s3 =	smov.u32 s17;
	s1 =	sadd.s32 s2, s1  }
0x371: {  	[hbm4b:s1+s20] =	stream.strided.scatter [tilespmem:s29], [sflag:$0x8], $0x2000, s21, s20, $0x38;
	[tilespmem:$0x1E400] =	vst v63  }
0x372: {  	s1 =	simm.s32 $0x5  }
0x373: {  	_ =	swait.ge [sflag:s1], $0x2000  }
0x374: {  	[sflag:s1] =	ssyncset.done $0x0  }
0x375: {  	s17 =	simm.s32 $0x6;
	[sflag:s1] =	ssyncadd.s32 $0xFFFFE000  }
0x376: {  	_ =	swait.ge [sflag:s17], $0x2000  }
0x377: {  	[sflag:s17] =	ssyncset.done $0x0  }
0x378: {  	s30 =	simm.s32 $0x7;
	[sflag:s17] =	ssyncadd.s32 $0xFFFFE000  }
0x379: {  	_ =	swait.ge [sflag:s30], $0x2000  }
0x37a: {  	[sflag:s30] =	ssyncset.done $0x0  }
0x37b: {  	[sflag:s30] =	ssyncadd.s32 $0xFFFFE000  }
0x37c: {  	_ =	swait.ge [sflag:s0], $0x2000  }
0x37d: {  	s15 =	sadd.s32 $0x1, s15;
	s31 =	rddreg [dreg:$0x4]  }
0x37e: {  	p0 =	sne.s32 s15, s31  }
.Ltmp5:
0x37f: {  	_ = 	snop;
	(pc) =	sbr.rel @p0 .LBB2_1-.Ltmp5, $3  }
0x380: {  	_ =	sdelay $0x1  }
0x381: {  	[sflag:s0] =	ssyncset.done $0x0  }
0x382: {  	[sflag:s0] =	ssyncadd.s32 $0xFFFFE000  }
0x383: {  	_ =	sfence.sel $0x180000  }
0x384: {  	[bflag:$0x0] =	sbarrier.arrive $0xFFFF  }
0x385: {  	_ =	strace $0x90000047  }
0x386: {  	s0 =	stileid.u32;
	[bflag:$0x2] =	sbarrier.arrive $0xFFFF  }
0x387: {  	p0 =	sne.s32 s0, $0x0;
	s0 =	rddreg [dreg:$0x2]  }
0x388: {  	s0 =	sadd.s32 @!p0 $0x100000, s0  }
0x389: {  	[sflag:s0] =	ssyncadd.tile.s32 @!p0 $0x1;
	_ =	shalt  }
.Lfunc_end2:
_tile_overlayer_lowered:
.L_overlay_start_2:
0x38a: {  	(tag) =	ssettag $0x2  }
0x38b: {  	s0 =	rddreg [dreg:$0x0];
	s2 =	stileid.u32  }
0x38c: {  	s1 =	rddreg [dreg:$0x1];
	p0 =	sne.s32 s2, $0x0  }
0x38d: {  	s3 =	rddreg [dreg:$0x2];
	[bflag:$0x3] =	sbarrier.arrive $0xFFFF;
	s2 =	simm.s32 @!p0 $0x1C09  }
0x38e: {  	[timem:s3], [sflag:s2] =	dma.local @!p0 [hbm:s0], s1  }
0x38f: {  	s0 =	simm.s32 @!p0 $0x9  }
0x390: {  	_ =	swait.ge @!p0 [sflag:s0], s1  }
0x391: {  	s1 =	ssub.s32 @!p0 $0x0, s1;
	[sflag:s0] =	ssyncset.done @!p0 $0x0  }
0x392: {  	[sflag:s0] =	ssyncadd.s32 @!p0 s1  }
0x393: {  	[bflag:$0x3] =	sbarrier.arrive $0xFFFF  }
0x394: {  	_ =	shalt  }

</sc_bundles>
